<compile_context>
chip_gen: v7x
topology: tpu7x:2x2x1
jax: 0.10.2.dev20260603
libtpu: 0.0.44.dev20260713+nightly
codegen_flags: <defaults>
</compile_context>

<pallas_src>
import functools

import jax
import jax.numpy as jnp
import numpy as np
from jax import lax
from jax.experimental import pallas as pl
from jax.experimental.pallas import tpu as pltpu
from jax.experimental.pallas import tpu_sc as plsc

N = 10000
NPAD = 10240
S = 2048
H = 256
K = 64

_HI_INIT = 0x41000000
_PAD_KEY = 0x7F000000


_SIN_C = (0.999952263973475, -0.16653426142095848, 0.008233720329378656,
          -0.00017033948181466307)
_COS_C = (0.9999987076967559, -0.49998659535684603, 0.041644374081773426,
          -0.0013758596757497965, 2.1661523618599077e-05)


def _sincos_poly(p):
    p2 = p * p
    s1, s3, s5, s7 = _SIN_C
    c0, c2, c4, c6, c8 = _COS_C
    sin = p * (s1 + p2 * (s3 + p2 * (s5 + p2 * s7)))
    cos = c0 + p2 * (c2 + p2 * (c4 + p2 * (c6 + p2 * c8)))
    return sin, cos


def _embed_pieces(col, eff):
    t = jax.lax.broadcasted_iota(jnp.int32, (1, eff), 1).astype(jnp.float32)
    om = jnp.exp(t * (-np.log(10000.0) / eff))
    ph = col * om
    return list(_sincos_poly(ph))



def _stage_a_body(idx_ref, xpos8_ref, xt8_ref, keys_ref, y8_ref):
    q = idx_ref.shape[0]
    idx = idx_ref[:]
    cols = jax.lax.broadcasted_iota(jnp.int32, (q, NPAD), 1)
    oh = (cols == idx).astype(jnp.float32)
    y8 = jnp.dot(oh, xpos8_ref[:], preferred_element_type=jnp.float32)
    y8_ref[:] = y8
    xt8 = xt8_ref[:]
    xn2 = jnp.sum(xt8 * xt8, axis=0, keepdims=True)
    yn2 = jnp.sum(y8 * y8, axis=1, keepdims=True)
    g = jnp.dot(y8, xt8, preferred_element_type=jnp.float32)
    d2 = jnp.maximum(yn2 + xn2 - 2.0 * g, 0.0)
    keys = jax.lax.bitcast_convert_type(d2, jnp.int32)
    pad = cols >= N
    keys = jnp.where(pad, _PAD_KEY, keys)
    keys_ref[:] = keys


def _stage_a(supernode_idx, xpos8, xt8, q_blk, interpret=False):
    grid = S // q_blk
    return pl.pallas_call(
        _stage_a_body,
        grid=(grid,),
        in_specs=[
            pl.BlockSpec((q_blk, 1), lambda i: (i, 0)),
            pl.BlockSpec((NPAD, 8), lambda i: (0, 0)),
            pl.BlockSpec((8, NPAD), lambda i: (0, 0)),
        ],
        out_specs=[
            pl.BlockSpec((q_blk, NPAD), lambda i: (i, 0)),
            pl.BlockSpec((q_blk, 8), lambda i: (i, 0)),
        ],
        out_shape=[
            jax.ShapeDtypeStruct((S, NPAD), jnp.int32),
            jax.ShapeDtypeStruct((S, 8), jnp.float32),
        ],
        interpret=interpret,
    )(supernode_idx.reshape(S, 1).astype(jnp.int32), xpos8, xt8)



def _stage_c_body(ef_ref, y8_ref, w1_ref, b1_ref, w2_ref, b2_ref, wp_ref,
                  bp_ref, out_ref):
    qk = ef_ref.shape[0]
    q = qk // K
    ef = ef_ref[:]
    mag = jnp.sqrt(jnp.maximum(ef[:, 3:4], 0.0))
    pieces = []
    for c in range(3):
        pieces += _embed_pieces(ef[:, c:c + 1], 32)
    pieces += _embed_pieces(mag, 32)
    relemb = jnp.concatenate(pieces, axis=1)
    h = jax.nn.gelu(
        jnp.dot(relemb, w1_ref[:], preferred_element_type=jnp.float32)
        + b1_ref[:])
    hm = jnp.sum(h.reshape(q, K, H), axis=1) * (1.0 / K)
    agg = jnp.dot(hm, w2_ref[:], preferred_element_type=jnp.float32) + b2_ref[:]
    y = y8_ref[:]
    spieces = []
    for c in range(3):
        spieces += _embed_pieces(y[:, c:c + 1], 42)
    spieces.append(jnp.zeros((q, 4), jnp.float32))
    spe = jnp.concatenate(spieces, axis=1)
    out = (jnp.dot(agg, wp_ref[:H], preferred_element_type=jnp.float32)
           + jnp.dot(spe, wp_ref[H:], preferred_element_type=jnp.float32)
           + bp_ref[:])
    out_ref[:] = out


def _stage_c(ef, y8, w1, b1, w2, b2, wp, bp, q_blk, interpret=False):
    grid = S // q_blk
    return pl.pallas_call(
        _stage_c_body,
        grid=(grid,),
        in_specs=[
            pl.BlockSpec((q_blk * K, 4), lambda i: (i, 0)),
            pl.BlockSpec((q_blk, 8), lambda i: (i, 0)),
            pl.BlockSpec((H, H), lambda i: (0, 0)),
            pl.BlockSpec((1, H), lambda i: (0, 0)),
            pl.BlockSpec((H, H), lambda i: (0, 0)),
            pl.BlockSpec((1, H), lambda i: (0, 0)),
            pl.BlockSpec((2 * H, H), lambda i: (0, 0)),
            pl.BlockSpec((1, H), lambda i: (0, 0)),
        ],
        out_specs=pl.BlockSpec((q_blk, H), lambda i: (i, 0)),
        out_shape=jax.ShapeDtypeStruct((S, H), jnp.float32),
        interpret=interpret,
    )(ef, y8, w1, b1.reshape(1, H), w2, b2.reshape(1, H), wp,
      bp.reshape(1, H))



_NW = 32
_ROWS_W = S // _NW


_NB = 272
_BSH = 22


def _stage_b_sc_body(keys_hbm, meta_hbm, xt4_hbm, ef_hbm,
                     keybuf, metav, xv, histbuf, candk, candj, idxbuf, rowbuf,
                     semA, semB):
    wid = lax.axis_index("s") * 2 + lax.axis_index("c")
    base = wid * _ROWS_W
    pltpu.sync_copy(meta_hbm.at[pl.ds(base * 16, _ROWS_W * 16)], metav)
    pltpu.sync_copy(xt4_hbm, xv)
    iota16 = lax.broadcasted_iota(jnp.int32, (16,), 0)
    i16nb = iota16 * _NB
    ones16 = jnp.full((16,), 1, jnp.int32)
    zeros16 = jnp.zeros((16,), jnp.int32)

    pltpu.async_copy(keys_hbm.at[base], keybuf.at[pl.ds(0, NPAD)], semA)

    def row_body(r, carry):
        q = base + r
        par = jnp.bitwise_and(r, 1) * NPAD
        even = jnp.bitwise_and(r, 1) == 0

        @pl.when(even)
        def _():
            pltpu.make_async_copy(keys_hbm.at[q],
                                  keybuf.at[pl.ds(0, NPAD)], semA).wait()

            @pl.when(r + 1 < _ROWS_W)
            def _():
                pltpu.async_copy(keys_hbm.at[q + 1],
                                 keybuf.at[pl.ds(NPAD, NPAD)], semB)

        @pl.when(jnp.logical_not(even))
        def _():
            pltpu.make_async_copy(keys_hbm.at[q],
                                  keybuf.at[pl.ds(NPAD, NPAD)], semB).wait()

            @pl.when(r + 1 < _ROWS_W)
            def _():
                pltpu.async_copy(keys_hbm.at[q + 1],
                                 keybuf.at[pl.ds(0, NPAD)], semA)

        mv = metav[pl.ds(r * 16, 16)]

        for g in range(_NB):
            histbuf[pl.ds(g * 16, 16)] = zeros16

        @plsc.parallel_loop(0, NPAD // 64, 1, unroll=2)
        def _hist(v):
            vb = par + v * 64
            for t in range(4):
                kv = keybuf[pl.ds(vb + t * 16, 16)]
                b = jnp.minimum(lax.shift_right_logical(kv, _BSH), _NB - 1)
                plsc.addupdate_scatter(histbuf, [i16nb + b], ones16)

        def mc(g, cy):
            csum, bstar = cy
            acc = zeros16
            for l in range(16):
                acc = acc + histbuf[pl.ds(l * _NB + g * 16, 16)]
            inc = plsc.cumsum(acc) + jnp.full((16,), csum, jnp.int32)
            m = inc >= K
            bidx = iota16 + g * 16
            cnd = jnp.where(m, bidx, jnp.full((16,), 9999, jnp.int32))
            return inc[15], jnp.minimum(bstar, jnp.min(cnd))

        _, bstar = lax.fori_loop(0, _NB // 16, mc,
                                 (jnp.int32(0), jnp.int32(9999)))
        bsplat = jnp.full((16,), bstar, jnp.int32)

        @plsc.parallel_loop(0, NPAD // 64, 1, unroll=2, carry=jnp.int32(0))
        def p2(v, off):
            vb = par + v * 64
            for t in range(4):
                kv = keybuf[pl.ds(vb + t * 16, 16)]
                b = lax.shift_right_logical(kv, _BSH)
                m = b <= bsplat
                plsc.store_compressed(candk.at[pl.ds(off, 16)], kv, mask=m)
                jv = iota16 + v * 64 + t * 16
                plsc.store_compressed(candj.at[pl.ds(off, 16)], jv, mask=m)
                off = off + plsc.all_reduce_population_count(m)[0]
            return off

        mcount = p2
        candk[pl.ds(mcount, 16)] = jnp.full((16,), _PAD_KEY, jnp.int32)
        nv = (mcount + 15) // 16

        def bs(i, lohi):
            lo, hi = lohi
            mid = lo + (hi - lo) // 2
            msplat = jnp.full((16,), mid, jnp.int32)

            def cnt(u, c):
                kv = candk[pl.ds(u * 16, 16)]
                return c + plsc.all_reduce_population_count(kv <= msplat)

            c = lax.fori_loop(0, nv, cnt, zeros16)
            take = c[0] >= K
            return jnp.where(take, lo, mid), jnp.where(take, mid, hi)

        lo0 = lax.shift_left(bstar, _BSH) - 1
        hi0 = lax.shift_left(bstar + 1, _BSH) - 1
        _, thr = lax.fori_loop(0, _BSH, bs, (lo0, hi0))
        tsplat = jnp.full((16,), thr, jnp.int32)

        def ff(u, off):
            kv = candk[pl.ds(u * 16, 16)]
            m = kv <= tsplat
            jv = candj[pl.ds(u * 16, 16)]
            plsc.store_compressed(idxbuf.at[pl.ds(off, 16)], jv, mask=m)
            return off + plsc.all_reduce_population_count(m)[0]

        lax.fori_loop(0, nv, ff, jnp.int32(0))

        ys = [jnp.full((16,), mv[c], jnp.float32) for c in range(3)]
        for ki in range(K // 16):
            jv = idxbuf[pl.ds(ki * 16, 16)]
            kidx = (iota16 + ki * 16) * 4
            d2acc = jnp.zeros((16,), jnp.float32)
            for c in range(3):
                xc = plsc.load_gather(xv, [jnp.full((16,), c, jnp.int32), jv])
                dc = ys[c] - xc
                plsc.store_scatter(rowbuf, [kidx + c], dc)
                d2acc = d2acc + dc * dc
            plsc.store_scatter(rowbuf, [kidx + 3], d2acc)
        pltpu.sync_copy(rowbuf, ef_hbm.at[q])
        return carry

    lax.fori_loop(0, _ROWS_W, row_body, jnp.int32(0))


def _stage_b_sc(keys, y8, xt4):
    meta = jnp.concatenate(
        [y8[:, :3], jnp.zeros((S, 13), jnp.float32)], axis=1).reshape(S * 16)
    mesh = plsc.VectorSubcoreMesh(core_axis_name="c", subcore_axis_name="s")
    f = pl.kernel(
        _stage_b_sc_body,
        out_type=jax.ShapeDtypeStruct((S, 4 * K), jnp.float32),
        mesh=mesh,
        compiler_params=pltpu.CompilerParams(needs_layout_passes=False),
        scratch_types=[
            pltpu.VMEM((2 * NPAD,), jnp.int32),
            pltpu.VMEM((_ROWS_W * 16,), jnp.float32),
            pltpu.VMEM((4, NPAD), jnp.float32),
            pltpu.VMEM((16 * _NB,), jnp.int32),
            pltpu.VMEM((NPAD + 16,), jnp.int32),
            pltpu.VMEM((NPAD + 16,), jnp.int32),
            pltpu.VMEM((NPAD + 16,), jnp.int32),
            pltpu.VMEM((4 * K,), jnp.float32),
            pltpu.SemaphoreType.DMA,
            pltpu.SemaphoreType.DMA,
        ],
    )
    return f(keys, meta, xt4).reshape(S * K, 4)


def kernel(input_pos, supernode_idx, W1, b1, W2, b2, Wp, bp):
    xpos8 = jnp.pad(input_pos, ((0, NPAD - N), (0, 5)), constant_values=0.0)
    xt8 = xpos8.T
    keys, y8 = _stage_a(supernode_idx, xpos8, xt8, q_blk=128)
    ef = _stage_b_sc(keys, y8, xt8[:4])
    return _stage_c(ef, y8, W1, b1, W2, b2, Wp, bp, q_blk=64)

# --- scband reference (transcript-rebuilt; emitter-appended) ---
"""Pipeline reference for scband-supernode-pooling-4269197492329 (READ-ONLY COPY).

The authoritative reference and input builder live on the scoring server;
editing this copy changes nothing except your own understanding.
"""

import jax, jax.numpy as jnp
import numpy as np

N = 10000
S = 2048
H = 256
K = 64


def sincos_embed(coords, dim):
    n, ndim = coords.shape
    ndim_padding = dim % ndim
    dim_per = (dim - ndim_padding) // ndim
    sincos_padding = dim_per % 2
    padding = ndim_padding + sincos_padding * ndim
    eff = (dim - padding) // ndim // 2
    omega = 1.0 / (10000.0 ** (jnp.arange(eff, dtype=jnp.float32) / eff))
    out = coords[:, :, None] * omega
    emb = jnp.concatenate([jnp.sin(out), jnp.cos(out)], axis=-1).reshape(n, -1)
    if padding > 0:
        emb = jnp.concatenate([emb, jnp.zeros((n, padding), dtype=emb.dtype)], axis=-1)
    return emb


def setup_inputs(seed: int = 0):
    key = jax.random.key(seed)
    ks = jax.random.split(key, 8)
    input_pos = jax.random.uniform(ks[0], (N, 3), dtype=jnp.float32)
    supernode_idx = jax.random.randint(ks[1], (S,), 0, N)
    W1 = jax.random.normal(ks[2], (H, H), dtype=jnp.float32) * 0.02
    b1 = jnp.zeros((H,), dtype=jnp.float32)
    W2 = jax.random.normal(ks[3], (H, H), dtype=jnp.float32) * 0.02
    b2 = jnp.zeros((H,), dtype=jnp.float32)
    Wp = jax.random.normal(ks[4], (2 * H, H), dtype=jnp.float32) * 0.02
    bp = jnp.zeros((H,), dtype=jnp.float32)
    return {"input_pos": input_pos, "supernode_idx": supernode_idx, "W1": W1, "b1": b1, "W2": W2, "b2": b2, "Wp": Wp, "bp": bp}


def reference(input_pos, supernode_idx, W1, b1, W2, b2, Wp, bp):
    # knn graph: for each supernode (query) find K nearest points (src)
    y = input_pos[supernode_idx]
    d2 = (y * y).sum(1)[:, None] + (input_pos * input_pos).sum(1)[None, :] - 2.0 * (y @ input_pos.T)
    _, src = jax.lax.top_k(-d2, K)  # (S, K)
    src_idx = src.reshape(-1)
    local_dst_idx = jnp.repeat(jnp.arange(S), K)
    dst_idx = supernode_idx[local_dst_idx]
    # relpos messages
    src_pos = input_pos[src_idx]
    dst_pos = input_pos[dst_idx]
    dist = dst_pos - src_pos
    mag = jnp.linalg.norm(dist, axis=1, keepdims=True)
    relemb = sincos_embed(jnp.concatenate([dist, mag], axis=1), H)
    # message MLP
    msg = jax.nn.gelu(relemb @ W1 + b1) @ W2 + b2
    # mean aggregation into supernodes
    agg = jax.ops.segment_sum(msg, local_dst_idx, num_segments=S)
    cnt = jax.ops.segment_sum(jnp.ones((S * K,), dtype=jnp.float32), local_dst_idx, num_segments=S)
    agg = agg / jnp.maximum(cnt, 1.0)[:, None]
    # readd supernode pos
    supernode_pos_embed = sincos_embed(input_pos, H)[supernode_idx]
    out = jnp.concatenate([agg, supernode_pos_embed], axis=1) @ Wp + bp
    return out

if __name__ == "__main__":
    import jax
    _d = setup_inputs()
    print(jax.jit(kernel)(*tuple(_d.values())))

</pallas_src>

<mosaic_0001>
#map = affine_map<(d0, d1) -> (0, 0)>
#map1 = affine_map<(d0, d1) -> (0)>
module attributes {stable_mosaic.version = 14 : i64} {
  func.func @_stage_b_sc_body(%arg0: i32, %arg1: i32, %arg2: memref<2048x10240xi32, #tpu.memory_space<hbm>>, %arg3: memref<32768xf32, #tpu.memory_space<hbm>>, %arg4: memref<4x10240xf32, #tpu.memory_space<hbm>>, %arg5: memref<2048x256xf32, #tpu.memory_space<hbm>>, %arg6: memref<20480xi32, #tpu.memory_space<vmem>>, %arg7: memref<1024xf32, #tpu.memory_space<vmem>>, %arg8: memref<4x10240xf32, #tpu.memory_space<vmem>>, %arg9: memref<4352xi32, #tpu.memory_space<vmem>>, %arg10: memref<10256xi32, #tpu.memory_space<vmem>>, %arg11: memref<10256xi32, #tpu.memory_space<vmem>>, %arg12: memref<10256xi32, #tpu.memory_space<vmem>>, %arg13: memref<256xf32, #tpu.memory_space<vmem>>, %arg14: memref<!tpu.dma_semaphore, #tpu.memory_space<semaphore_mem>>, %arg15: memref<!tpu.dma_semaphore, #tpu.memory_space<semaphore_mem>>) attributes {dimension_semantics = [#tpu.dimension_semantics<core_parallel>, #tpu.dimension_semantics<subcore_parallel>], iteration_bounds = array<i64: 2, 16>, scalar_prefetch = 0 : i64, scratch_operands = 10 : i64, tpu.core_type = #tpu.core_type<sc_vector_subcore>, window_params = [{transform_indices = #map}, {transform_indices = #map1}, {transform_indices = #map}, {transform_indices = #map}]} {
    %mul3A = arith.constant 2 : i32
    %mul3A_0 = arith.muli %arg1, %mul3A : i32
    %add3A = arith.addi %mul3A_0, %arg0 : i32
    %mul3A_1 = arith.constant 64 : i32
    %mul3A_2 = arith.muli %add3A, %mul3A_1 : i32
    %mul3A_3 = arith.constant 16 : i32
    %mul3A_4 = arith.muli %mul3A_2, %mul3A_3 : i32
    "tpu.region"() ({
      %run_scoped3A = tpu.sem_alloc : memref<!tpu.dma_semaphore, #tpu.memory_space<semaphore_mem>>
      %dma_start3A_25 = tpu.memref_slice %arg3[%mul3A_4] : memref<32768xf32, #tpu.memory_space<hbm>> -> memref<1024xf32, #tpu.memory_space<hbm>>
      %dma_start3A_26 = tpu.memref_slice %arg3[%mul3A_4] : memref<32768xf32, #tpu.memory_space<hbm>> -> memref<1024xf32, #tpu.memory_space<hbm>>
      tpu.enqueue_dma source(%dma_start3A_26 : memref<1024xf32, #tpu.memory_space<hbm>>) target(%arg7 : memref<1024xf32, #tpu.memory_space<vmem>>) target_semaphore(%run_scoped3A : memref<!tpu.dma_semaphore, #tpu.memory_space<semaphore_mem>>)
      %dma_wait3A = tpu.memref_slice %arg3[%mul3A_4] : memref<32768xf32, #tpu.memory_space<hbm>> -> memref<1024xf32, #tpu.memory_space<hbm>>
      %dma_wait3A_27 = tpu.memref_slice %arg3[%mul3A_4] : memref<32768xf32, #tpu.memory_space<hbm>> -> memref<1024xf32, #tpu.memory_space<hbm>>
      tpu.wait_dma2 semaphore(%run_scoped3A : memref<!tpu.dma_semaphore, #tpu.memory_space<semaphore_mem>>) src(%dma_wait3A_27 : memref<1024xf32, #tpu.memory_space<hbm>>) dst(%arg7 : memref<1024xf32, #tpu.memory_space<vmem>>)
      tpu.yield
    }) : () -> ()
    "tpu.region"() ({
      %run_scoped3A = tpu.sem_alloc : memref<!tpu.dma_semaphore, #tpu.memory_space<semaphore_mem>>
      tpu.enqueue_dma source(%arg4 : memref<4x10240xf32, #tpu.memory_space<hbm>>) target(%arg8 : memref<4x10240xf32, #tpu.memory_space<vmem>>) target_semaphore(%run_scoped3A : memref<!tpu.dma_semaphore, #tpu.memory_space<semaphore_mem>>)
      tpu.wait_dma2 semaphore(%run_scoped3A : memref<!tpu.dma_semaphore, #tpu.memory_space<semaphore_mem>>) src(%arg4 : memref<4x10240xf32, #tpu.memory_space<hbm>>) dst(%arg8 : memref<4x10240xf32, #tpu.memory_space<vmem>>)
      tpu.yield
    }) : () -> ()
    %iota3A = tpu.iota {dimensions = array<i32: 0>} : vector<16xi32>
    %mul3A_5 = arith.constant 272 : i32
    %mul3A_6 = vector.broadcast %mul3A_5 : i32 to vector<16xi32>
    %mul3A_7 = arith.muli %iota3A, %mul3A_6 : vector<16xi32>
    %broadcast_in_dim3A = arith.constant 1 : i32
    %broadcast_in_dim3A_8 = vector.broadcast %broadcast_in_dim3A : i32 to vector<16xi32>
    %broadcast_in_dim3A_9 = arith.constant 0 : i32
    %broadcast_in_dim3A_10 = vector.broadcast %broadcast_in_dim3A_9 : i32 to vector<16xi32>
    %dma_start3A = arith.constant 0 : i32
    %dma_start3A_11 = tpu.memref_slice %arg6[%dma_start3A] : memref<20480xi32, #tpu.memory_space<vmem>> -> memref<10240xi32, #tpu.memory_space<vmem>>
    %dma_start3A_12 = arith.constant 0 : i32
    %dma_start3A_13 = tpu.memref_slice %arg2[%mul3A_2, %dma_start3A_12] : memref<2048x10240xi32, #tpu.memory_space<hbm>> -> memref<1x10240xi32, #tpu.memory_space<hbm>>
    %dma_start3A_14 = tpu.memref_squeeze %dma_start3A_13 : memref<1x10240xi32, #tpu.memory_space<hbm>> -> memref<10240xi32, #tpu.memory_space<hbm>>
    %dma_start3A_15 = arith.constant 0 : i32
    %dma_start3A_16 = tpu.memref_slice %arg6[%dma_start3A_15] : memref<20480xi32, #tpu.memory_space<vmem>> -> memref<10240xi32, #tpu.memory_space<vmem>>
    %dma_start3A_17 = arith.constant 0 : i32
    %dma_start3A_18 = tpu.memref_slice %arg2[%mul3A_2, %dma_start3A_17] : memref<2048x10240xi32, #tpu.memory_space<hbm>> -> memref<1x10240xi32, #tpu.memory_space<hbm>>
    %dma_start3A_19 = tpu.memref_squeeze %dma_start3A_18 : memref<1x10240xi32, #tpu.memory_space<hbm>> -> memref<10240xi32, #tpu.memory_space<hbm>>
    tpu.enqueue_dma source(%dma_start3A_19 : memref<10240xi32, #tpu.memory_space<hbm>>) target(%dma_start3A_16 : memref<10240xi32, #tpu.memory_space<vmem>>) target_semaphore(%arg14 : memref<!tpu.dma_semaphore, #tpu.memory_space<semaphore_mem>>)
    %scan3A = arith.constant 0 : i32
    %scan3A_20 = arith.constant 0 : i32
    %scan3A_21 = arith.constant 64 : i32
    %scan3A_22 = arith.addi %scan3A_20, %scan3A_21 : i32
    %scan3A_23 = arith.constant 1 : i32
    scf.for %scan3A_25 = %scan3A_20 to %scan3A_22 step %scan3A_23  : i32 {
      %add3A_26 = arith.addi %mul3A_2, %scan3A_25 : i32
      %and3A = arith.constant 1 : i32
      %and3A_27 = arith.andi %scan3A_25, %and3A : i32
      %mul3A_28 = arith.constant 10240 : i32
      %mul3A_29 = arith.muli %and3A_27, %mul3A_28 : i32
      %and3A_30 = arith.constant 1 : i32
      %and3A_31 = arith.andi %scan3A_25, %and3A_30 : i32
      %eq3A = arith.constant 0 : i32
      %eq3A_32 = arith.cmpi eq, %and3A_31, %eq3A : i32
      %convert_element_type3A = arith.extui %eq3A_32 : i1 to i32
      %cond3A = arith.constant 0 : i32
      %cond3A_33 = arith.cmpi ne, %convert_element_type3A, %cond3A : i32
      scf.if %cond3A_33 {
        %dma_wait3A = arith.constant 0 : i32
        %dma_wait3A_816 = tpu.memref_slice %arg6[%dma_wait3A] : memref<20480xi32, #tpu.memory_space<vmem>> -> memref<10240xi32, #tpu.memory_space<vmem>>
        %dma_wait3A_817 = arith.constant 0 : i32
        %dma_wait3A_818 = tpu.memref_slice %arg2[%add3A_26, %dma_wait3A_817] : memref<2048x10240xi32, #tpu.memory_space<hbm>> -> memref<1x10240xi32, #tpu.memory_space<hbm>>
        %dma_wait3A_819 = tpu.memref_squeeze %dma_wait3A_818 : memref<1x10240xi32, #tpu.memory_space<hbm>> -> memref<10240xi32, #tpu.memory_space<hbm>>
        %dma_wait3A_820 = arith.constant 0 : i32
        %dma_wait3A_821 = tpu.memref_slice %arg6[%dma_wait3A_820] : memref<20480xi32, #tpu.memory_space<vmem>> -> memref<10240xi32, #tpu.memory_space<vmem>>
        %dma_wait3A_822 = arith.constant 0 : i32
        %dma_wait3A_823 = tpu.memref_slice %arg2[%add3A_26, %dma_wait3A_822] : memref<2048x10240xi32, #tpu.memory_space<hbm>> -> memref<1x10240xi32, #tpu.memory_space<hbm>>
        %dma_wait3A_824 = tpu.memref_squeeze %dma_wait3A_823 : memref<1x10240xi32, #tpu.memory_space<hbm>> -> memref<10240xi32, #tpu.memory_space<hbm>>
        tpu.wait_dma2 semaphore(%arg14 : memref<!tpu.dma_semaphore, #tpu.memory_space<semaphore_mem>>) src(%dma_wait3A_824 : memref<10240xi32, #tpu.memory_space<hbm>>) dst(%dma_wait3A_821 : memref<10240xi32, #tpu.memory_space<vmem>>)
        %add3A_825 = arith.constant 1 : i32
        %add3A_826 = arith.addi %scan3A_25, %add3A_825 : i32
        %lt3A = arith.constant 64 : i32
        %lt3A_827 = arith.cmpi slt, %add3A_826, %lt3A : i32
        %convert_element_type3A_828 = arith.extui %lt3A_827 : i1 to i32
        %cond3A_829 = arith.constant 0 : i32
        %cond3A_830 = arith.cmpi ne, %convert_element_type3A_828, %cond3A_829 : i32
        scf.if %cond3A_830 {
          %add3A_831 = arith.constant 1 : i32
          %add3A_832 = arith.addi %add3A_26, %add3A_831 : i32
          %dma_start3A_833 = arith.constant 10240 : i32
          %dma_start3A_834 = tpu.memref_slice %arg6[%dma_start3A_833] : memref<20480xi32, #tpu.memory_space<vmem>> -> memref<10240xi32, #tpu.memory_space<vmem>>
          %dma_start3A_835 = arith.constant 0 : i32
          %dma_start3A_836 = tpu.memref_slice %arg2[%add3A_832, %dma_start3A_835] : memref<2048x10240xi32, #tpu.memory_space<hbm>> -> memref<1x10240xi32, #tpu.memory_space<hbm>>
          %dma_start3A_837 = tpu.memref_squeeze %dma_start3A_836 : memref<1x10240xi32, #tpu.memory_space<hbm>> -> memref<10240xi32, #tpu.memory_space<hbm>>
          %dma_start3A_838 = arith.constant 10240 : i32
          %dma_start3A_839 = tpu.memref_slice %arg6[%dma_start3A_838] : memref<20480xi32, #tpu.memory_space<vmem>> -> memref<10240xi32, #tpu.memory_space<vmem>>
          %dma_start3A_840 = arith.constant 0 : i32
          %dma_start3A_841 = tpu.memref_slice %arg2[%add3A_832, %dma_start3A_840] : memref<2048x10240xi32, #tpu.memory_space<hbm>> -> memref<1x10240xi32, #tpu.memory_space<hbm>>
          %dma_start3A_842 = tpu.memref_squeeze %dma_start3A_841 : memref<1x10240xi32, #tpu.memory_space<hbm>> -> memref<10240xi32, #tpu.memory_space<hbm>>
          tpu.enqueue_dma source(%dma_start3A_842 : memref<10240xi32, #tpu.memory_space<hbm>>) target(%dma_start3A_839 : memref<10240xi32, #tpu.memory_space<vmem>>) target_semaphore(%arg15 : memref<!tpu.dma_semaphore, #tpu.memory_space<semaphore_mem>>)
        } else {
        }
      } else {
      }
      %not3A = arith.constant true
      %not3A_34 = arith.xori %eq3A_32, %not3A : i1
      %convert_element_type3A_35 = arith.extui %not3A_34 : i1 to i32
      %cond3A_36 = arith.constant 0 : i32
      %cond3A_37 = arith.cmpi ne, %convert_element_type3A_35, %cond3A_36 : i32
      scf.if %cond3A_37 {
        %dma_wait3A = arith.constant 10240 : i32
        %dma_wait3A_816 = tpu.memref_slice %arg6[%dma_wait3A] : memref<20480xi32, #tpu.memory_space<vmem>> -> memref<10240xi32, #tpu.memory_space<vmem>>
        %dma_wait3A_817 = arith.constant 0 : i32
        %dma_wait3A_818 = tpu.memref_slice %arg2[%add3A_26, %dma_wait3A_817] : memref<2048x10240xi32, #tpu.memory_space<hbm>> -> memref<1x10240xi32, #tpu.memory_space<hbm>>
        %dma_wait3A_819 = tpu.memref_squeeze %dma_wait3A_818 : memref<1x10240xi32, #tpu.memory_space<hbm>> -> memref<10240xi32, #tpu.memory_space<hbm>>
        %dma_wait3A_820 = arith.constant 10240 : i32
        %dma_wait3A_821 = tpu.memref_slice %arg6[%dma_wait3A_820] : memref<20480xi32, #tpu.memory_space<vmem>> -> memref<10240xi32, #tpu.memory_space<vmem>>
        %dma_wait3A_822 = arith.constant 0 : i32
        %dma_wait3A_823 = tpu.memref_slice %arg2[%add3A_26, %dma_wait3A_822] : memref<2048x10240xi32, #tpu.memory_space<hbm>> -> memref<1x10240xi32, #tpu.memory_space<hbm>>
        %dma_wait3A_824 = tpu.memref_squeeze %dma_wait3A_823 : memref<1x10240xi32, #tpu.memory_space<hbm>> -> memref<10240xi32, #tpu.memory_space<hbm>>
        tpu.wait_dma2 semaphore(%arg15 : memref<!tpu.dma_semaphore, #tpu.memory_space<semaphore_mem>>) src(%dma_wait3A_824 : memref<10240xi32, #tpu.memory_space<hbm>>) dst(%dma_wait3A_821 : memref<10240xi32, #tpu.memory_space<vmem>>)
        %add3A_825 = arith.constant 1 : i32
        %add3A_826 = arith.addi %scan3A_25, %add3A_825 : i32
        %lt3A = arith.constant 64 : i32
        %lt3A_827 = arith.cmpi slt, %add3A_826, %lt3A : i32
        %convert_element_type3A_828 = arith.extui %lt3A_827 : i1 to i32
        %cond3A_829 = arith.constant 0 : i32
        %cond3A_830 = arith.cmpi ne, %convert_element_type3A_828, %cond3A_829 : i32
        scf.if %cond3A_830 {
          %add3A_831 = arith.constant 1 : i32
          %add3A_832 = arith.addi %add3A_26, %add3A_831 : i32
          %dma_start3A_833 = arith.constant 0 : i32
          %dma_start3A_834 = tpu.memref_slice %arg6[%dma_start3A_833] : memref<20480xi32, #tpu.memory_space<vmem>> -> memref<10240xi32, #tpu.memory_space<vmem>>
          %dma_start3A_835 = arith.constant 0 : i32
          %dma_start3A_836 = tpu.memref_slice %arg2[%add3A_832, %dma_start3A_835] : memref<2048x10240xi32, #tpu.memory_space<hbm>> -> memref<1x10240xi32, #tpu.memory_space<hbm>>
          %dma_start3A_837 = tpu.memref_squeeze %dma_start3A_836 : memref<1x10240xi32, #tpu.memory_space<hbm>> -> memref<10240xi32, #tpu.memory_space<hbm>>
          %dma_start3A_838 = arith.constant 0 : i32
          %dma_start3A_839 = tpu.memref_slice %arg6[%dma_start3A_838] : memref<20480xi32, #tpu.memory_space<vmem>> -> memref<10240xi32, #tpu.memory_space<vmem>>
          %dma_start3A_840 = arith.constant 0 : i32
          %dma_start3A_841 = tpu.memref_slice %arg2[%add3A_832, %dma_start3A_840] : memref<2048x10240xi32, #tpu.memory_space<hbm>> -> memref<1x10240xi32, #tpu.memory_space<hbm>>
          %dma_start3A_842 = tpu.memref_squeeze %dma_start3A_841 : memref<1x10240xi32, #tpu.memory_space<hbm>> -> memref<10240xi32, #tpu.memory_space<hbm>>
          tpu.enqueue_dma source(%dma_start3A_842 : memref<10240xi32, #tpu.memory_space<hbm>>) target(%dma_start3A_839 : memref<10240xi32, #tpu.memory_space<vmem>>) target_semaphore(%arg14 : memref<!tpu.dma_semaphore, #tpu.memory_space<semaphore_mem>>)
        } else {
        }
      } else {
      }
      %mul3A_38 = arith.constant 16 : i32
      %mul3A_39 = arith.muli %scan3A_25, %mul3A_38 : i32
      %get3A = arith.index_cast %mul3A_39 : i32 to index
      %get3A_40 = tpu.vector_load %arg7[%get3A] {strides = array<i32>} : memref<1024xf32, #tpu.memory_space<vmem>>, vector<16xf32>,
      %swap3A = arith.constant 0 : index
      %swap3A_41 = tpu.vector_load %arg9[%swap3A] {strides = array<i32>} : memref<4352xi32, #tpu.memory_space<vmem>>, vector<16xi32>,
      tpu.vector_store %arg9[%swap3A], %broadcast_in_dim3A_10 {strides = array<i32>} : memref<4352xi32, #tpu.memory_space<vmem>>, vector<16xi32>,
      %swap3A_42 = arith.constant 16 : index
      %swap3A_43 = tpu.vector_load %arg9[%swap3A_42] {strides = array<i32>} : memref<4352xi32, #tpu.memory_space<vmem>>, vector<16xi32>,
      tpu.vector_store %arg9[%swap3A_42], %broadcast_in_dim3A_10 {strides = array<i32>} : memref<4352xi32, #tpu.memory_space<vmem>>, vector<16xi32>,
      %swap3A_44 = arith.constant 32 : index
      %swap3A_45 = tpu.vector_load %arg9[%swap3A_44] {strides = array<i32>} : memref<4352xi32, #tpu.memory_space<vmem>>, vector<16xi32>,
      tpu.vector_store %arg9[%swap3A_44], %broadcast_in_dim3A_10 {strides = array<i32>} : memref<4352xi32, #tpu.memory_space<vmem>>, vector<16xi32>,
      %swap3A_46 = arith.constant 48 : index
      %swap3A_47 = tpu.vector_load %arg9[%swap3A_46] {strides = array<i32>} : memref<4352xi32, #tpu.memory_space<vmem>>, vector<16xi32>,
      tpu.vector_store %arg9[%swap3A_46], %broadcast_in_dim3A_10 {strides = array<i32>} : memref<4352xi32, #tpu.memory_space<vmem>>, vector<16xi32>,
      %swap3A_48 = arith.constant 64 : index
      %swap3A_49 = tpu.vector_load %arg9[%swap3A_48] {strides = array<i32>} : memref<4352xi32, #tpu.memory_space<vmem>>, vector<16xi32>,
      tpu.vector_store %arg9[%swap3A_48], %broadcast_in_dim3A_10 {strides = array<i32>} : memref<4352xi32, #tpu.memory_space<vmem>>, vector<16xi32>,
      %swap3A_50 = arith.constant 80 : index
      %swap3A_51 = tpu.vector_load %arg9[%swap3A_50] {strides = array<i32>} : memref<4352xi32, #tpu.memory_space<vmem>>, vector<16xi32>,
      tpu.vector_store %arg9[%swap3A_50], %broadcast_in_dim3A_10 {strides = array<i32>} : memref<4352xi32, #tpu.memory_space<vmem>>, vector<16xi32>,
      %swap3A_52 = arith.constant 96 : index
      %swap3A_53 = tpu.vector_load %arg9[%swap3A_52] {strides = array<i32>} : memref<4352xi32, #tpu.memory_space<vmem>>, vector<16xi32>,
      tpu.vector_store %arg9[%swap3A_52], %broadcast_in_dim3A_10 {strides = array<i32>} : memref<4352xi32, #tpu.memory_space<vmem>>, vector<16xi32>,
      %swap3A_54 = arith.constant 112 : index
      %swap3A_55 = tpu.vector_load %arg9[%swap3A_54] {strides = array<i32>} : memref<4352xi32, #tpu.memory_space<vmem>>, vector<16xi32>,
      tpu.vector_store %arg9[%swap3A_54], %broadcast_in_dim3A_10 {strides = array<i32>} : memref<4352xi32, #tpu.memory_space<vmem>>, vector<16xi32>,
      %swap3A_56 = arith.constant 128 : index
      %swap3A_57 = tpu.vector_load %arg9[%swap3A_56] {strides = array<i32>} : memref<4352xi32, #tpu.memory_space<vmem>>, vector<16xi32>,
      tpu.vector_store %arg9[%swap3A_56], %broadcast_in_dim3A_10 {strides = array<i32>} : memref<4352xi32, #tpu.memory_space<vmem>>, vector<16xi32>,
      %swap3A_58 = arith.constant 144 : index
      %swap3A_59 = tpu.vector_load %arg9[%swap3A_58] {strides = array<i32>} : memref<4352xi32, #tpu.memory_space<vmem>>, vector<16xi32>,
      tpu.vector_store %arg9[%swap3A_58], %broadcast_in_dim3A_10 {strides = array<i32>} : memref<4352xi32, #tpu.memory_space<vmem>>, vector<16xi32>,
      %swap3A_60 = arith.constant 160 : index
      %swap3A_61 = tpu.vector_load %arg9[%swap3A_60] {strides = array<i32>} : memref<4352xi32, #tpu.memory_space<vmem>>, vector<16xi32>,
      tpu.vector_store %arg9[%swap3A_60], %broadcast_in_dim3A_10 {strides = array<i32>} : memref<4352xi32, #tpu.memory_space<vmem>>, vector<16xi32>,
      %swap3A_62 = arith.constant 176 : index
      %swap3A_63 = tpu.vector_load %arg9[%swap3A_62] {strides = array<i32>} : memref<4352xi32, #tpu.memory_space<vmem>>, vector<16xi32>,
      tpu.vector_store %arg9[%swap3A_62], %broadcast_in_dim3A_10 {strides = array<i32>} : memref<4352xi32, #tpu.memory_space<vmem>>, vector<16xi32>,
      %swap3A_64 = arith.constant 192 : index
      %swap3A_65 = tpu.vector_load %arg9[%swap3A_64] {strides = array<i32>} : memref<4352xi32, #tpu.memory_space<vmem>>, vector<16xi32>,
      tpu.vector_store %arg9[%swap3A_64], %broadcast_in_dim3A_10 {strides = array<i32>} : memref<4352xi32, #tpu.memory_space<vmem>>, vector<16xi32>,
      %swap3A_66 = arith.constant 208 : index
      %swap3A_67 = tpu.vector_load %arg9[%swap3A_66] {strides = array<i32>} : memref<4352xi32, #tpu.memory_space<vmem>>, vector<16xi32>,
      tpu.vector_store %arg9[%swap3A_66], %broadcast_in_dim3A_10 {strides = array<i32>} : memref<4352xi32, #tpu.memory_space<vmem>>, vector<16xi32>,
      %swap3A_68 = arith.constant 224 : index
      %swap3A_69 = tpu.vector_load %arg9[%swap3A_68] {strides = array<i32>} : memref<4352xi32, #tpu.memory_space<vmem>>, vector<16xi32>,
      tpu.vector_store %arg9[%swap3A_68], %broadcast_in_dim3A_10 {strides = array<i32>} : memref<4352xi32, #tpu.memory_space<vmem>>, vector<16xi32>,
      %swap3A_70 = arith.constant 240 : index
      %swap3A_71 = tpu.vector_load %arg9[%swap3A_70] {strides = array<i32>} : memref<4352xi32, #tpu.memory_space<vmem>>, vector<16xi32>,
      tpu.vector_store %arg9[%swap3A_70], %broadcast_in_dim3A_10 {strides = array<i32>} : memref<4352xi32, #tpu.memory_space<vmem>>, vector<16xi32>,
      %swap3A_72 = arith.constant 256 : index
      %swap3A_73 = tpu.vector_load %arg9[%swap3A_72] {strides = array<i32>} : memref<4352xi32, #tpu.memory_space<vmem>>, vector<16xi32>,
      tpu.vector_store %arg9[%swap3A_72], %broadcast_in_dim3A_10 {strides = array<i32>} : memref<4352xi32, #tpu.memory_space<vmem>>, vector<16xi32>,
      %swap3A_74 = arith.constant 272 : index
      %swap3A_75 = tpu.vector_load %arg9[%swap3A_74] {strides = array<i32>} : memref<4352xi32, #tpu.memory_space<vmem>>, vector<16xi32>,
      tpu.vector_store %arg9[%swap3A_74], %broadcast_in_dim3A_10 {strides = array<i32>} : memref<4352xi32, #tpu.memory_space<vmem>>, vector<16xi32>,
      %swap3A_76 = arith.constant 288 : index
      %swap3A_77 = tpu.vector_load %arg9[%swap3A_76] {strides = array<i32>} : memref<4352xi32, #tpu.memory_space<vmem>>, vector<16xi32>,
      tpu.vector_store %arg9[%swap3A_76], %broadcast_in_dim3A_10 {strides = array<i32>} : memref<4352xi32, #tpu.memory_space<vmem>>, vector<16xi32>,
      %swap3A_78 = arith.constant 304 : index
      %swap3A_79 = tpu.vector_load %arg9[%swap3A_78] {strides = array<i32>} : memref<4352xi32, #tpu.memory_space<vmem>>, vector<16xi32>,
      tpu.vector_store %arg9[%swap3A_78], %broadcast_in_dim3A_10 {strides = array<i32>} : memref<4352xi32, #tpu.memory_space<vmem>>, vector<16xi32>,
      %swap3A_80 = arith.constant 320 : index
      %swap3A_81 = tpu.vector_load %arg9[%swap3A_80] {strides = array<i32>} : memref<4352xi32, #tpu.memory_space<vmem>>, vector<16xi32>,
      tpu.vector_store %arg9[%swap3A_80], %broadcast_in_dim3A_10 {strides = array<i32>} : memref<4352xi32, #tpu.memory_space<vmem>>, vector<16xi32>,
      %swap3A_82 = arith.constant 336 : index
      %swap3A_83 = tpu.vector_load %arg9[%swap3A_82] {strides = array<i32>} : memref<4352xi32, #tpu.memory_space<vmem>>, vector<16xi32>,
      tpu.vector_store %arg9[%swap3A_82], %broadcast_in_dim3A_10 {strides = array<i32>} : memref<4352xi32, #tpu.memory_space<vmem>>, vector<16xi32>,
      %swap3A_84 = arith.constant 352 : index
      %swap3A_85 = tpu.vector_load %arg9[%swap3A_84] {strides = array<i32>} : memref<4352xi32, #tpu.memory_space<vmem>>, vector<16xi32>,
      tpu.vector_store %arg9[%swap3A_84], %broadcast_in_dim3A_10 {strides = array<i32>} : memref<4352xi32, #tpu.memory_space<vmem>>, vector<16xi32>,
      %swap3A_86 = arith.constant 368 : index
      %swap3A_87 = tpu.vector_load %arg9[%swap3A_86] {strides = array<i32>} : memref<4352xi32, #tpu.memory_space<vmem>>, vector<16xi32>,
      tpu.vector_store %arg9[%swap3A_86], %broadcast_in_dim3A_10 {strides = array<i32>} : memref<4352xi32, #tpu.memory_space<vmem>>, vector<16xi32>,
      %swap3A_88 = arith.constant 384 : index
      %swap3A_89 = tpu.vector_load %arg9[%swap3A_88] {strides = array<i32>} : memref<4352xi32, #tpu.memory_space<vmem>>, vector<16xi32>,
      tpu.vector_store %arg9[%swap3A_88], %broadcast_in_dim3A_10 {strides = array<i32>} : memref<4352xi32, #tpu.memory_space<vmem>>, vector<16xi32>,
      %swap3A_90 = arith.constant 400 : index
      %swap3A_91 = tpu.vector_load %arg9[%swap3A_90] {strides = array<i32>} : memref<4352xi32, #tpu.memory_space<vmem>>, vector<16xi32>,
      tpu.vector_store %arg9[%swap3A_90], %broadcast_in_dim3A_10 {strides = array<i32>} : memref<4352xi32, #tpu.memory_space<vmem>>, vector<16xi32>,
      %swap3A_92 = arith.constant 416 : index
      %swap3A_93 = tpu.vector_load %arg9[%swap3A_92] {strides = array<i32>} : memref<4352xi32, #tpu.memory_space<vmem>>, vector<16xi32>,
      tpu.vector_store %arg9[%swap3A_92], %broadcast_in_dim3A_10 {strides = array<i32>} : memref<4352xi32, #tpu.memory_space<vmem>>, vector<16xi32>,
      %swap3A_94 = arith.constant 432 : index
      %swap3A_95 = tpu.vector_load %arg9[%swap3A_94] {strides = array<i32>} : memref<4352xi32, #tpu.memory_space<vmem>>, vector<16xi32>,
      tpu.vector_store %arg9[%swap3A_94], %broadcast_in_dim3A_10 {strides = array<i32>} : memref<4352xi32, #tpu.memory_space<vmem>>, vector<16xi32>,
      %swap3A_96 = arith.constant 448 : index
      %swap3A_97 = tpu.vector_load %arg9[%swap3A_96] {strides = array<i32>} : memref<4352xi32, #tpu.memory_space<vmem>>, vector<16xi32>,
      tpu.vector_store %arg9[%swap3A_96], %broadcast_in_dim3A_10 {strides = array<i32>} : memref<4352xi32, #tpu.memory_space<vmem>>, vector<16xi32>,
      %swap3A_98 = arith.constant 464 : index
      %swap3A_99 = tpu.vector_load %arg9[%swap3A_98] {strides = array<i32>} : memref<4352xi32, #tpu.memory_space<vmem>>, vector<16xi32>,
      tpu.vector_store %arg9[%swap3A_98], %broadcast_in_dim3A_10 {strides = array<i32>} : memref<4352xi32, #tpu.memory_space<vmem>>, vector<16xi32>,
      %swap3A_100 = arith.constant 480 : index
      %swap3A_101 = tpu.vector_load %arg9[%swap3A_100] {strides = array<i32>} : memref<4352xi32, #tpu.memory_space<vmem>>, vector<16xi32>,
      tpu.vector_store %arg9[%swap3A_100], %broadcast_in_dim3A_10 {strides = array<i32>} : memref<4352xi32, #tpu.memory_space<vmem>>, vector<16xi32>,
      %swap3A_102 = arith.constant 496 : index
      %swap3A_103 = tpu.vector_load %arg9[%swap3A_102] {strides = array<i32>} : memref<4352xi32, #tpu.memory_space<vmem>>, vector<16xi32>,
      tpu.vector_store %arg9[%swap3A_102], %broadcast_in_dim3A_10 {strides = array<i32>} : memref<4352xi32, #tpu.memory_space<vmem>>, vector<16xi32>,
      %swap3A_104 = arith.constant 512 : index
      %swap3A_105 = tpu.vector_load %arg9[%swap3A_104] {strides = array<i32>} : memref<4352xi32, #tpu.memory_space<vmem>>, vector<16xi32>,
      tpu.vector_store %arg9[%swap3A_104], %broadcast_in_dim3A_10 {strides = array<i32>} : memref<4352xi32, #tpu.memory_space<vmem>>, vector<16xi32>,
      %swap3A_106 = arith.constant 528 : index
      %swap3A_107 = tpu.vector_load %arg9[%swap3A_106] {strides = array<i32>} : memref<4352xi32, #tpu.memory_space<vmem>>, vector<16xi32>,
      tpu.vector_store %arg9[%swap3A_106], %broadcast_in_dim3A_10 {strides = array<i32>} : memref<4352xi32, #tpu.memory_space<vmem>>, vector<16xi32>,
      %swap3A_108 = arith.constant 544 : index
      %swap3A_109 = tpu.vector_load %arg9[%swap3A_108] {strides = array<i32>} : memref<4352xi32, #tpu.memory_space<vmem>>, vector<16xi32>,
      tpu.vector_store %arg9[%swap3A_108], %broadcast_in_dim3A_10 {strides = array<i32>} : memref<4352xi32, #tpu.memory_space<vmem>>, vector<16xi32>,
      %swap3A_110 = arith.constant 560 : index
      %swap3A_111 = tpu.vector_load %arg9[%swap3A_110] {strides = array<i32>} : memref<4352xi32, #tpu.memory_space<vmem>>, vector<16xi32>,
      tpu.vector_store %arg9[%swap3A_110], %broadcast_in_dim3A_10 {strides = array<i32>} : memref<4352xi32, #tpu.memory_space<vmem>>, vector<16xi32>,
      %swap3A_112 = arith.constant 576 : index
      %swap3A_113 = tpu.vector_load %arg9[%swap3A_112] {strides = array<i32>} : memref<4352xi32, #tpu.memory_space<vmem>>, vector<16xi32>,
      tpu.vector_store %arg9[%swap3A_112], %broadcast_in_dim3A_10 {strides = array<i32>} : memref<4352xi32, #tpu.memory_space<vmem>>, vector<16xi32>,
      %swap3A_114 = arith.constant 592 : index
      %swap3A_115 = tpu.vector_load %arg9[%swap3A_114] {strides = array<i32>} : memref<4352xi32, #tpu.memory_space<vmem>>, vector<16xi32>,
      tpu.vector_store %arg9[%swap3A_114], %broadcast_in_dim3A_10 {strides = array<i32>} : memref<4352xi32, #tpu.memory_space<vmem>>, vector<16xi32>,
      %swap3A_116 = arith.constant 608 : index
      %swap3A_117 = tpu.vector_load %arg9[%swap3A_116] {strides = array<i32>} : memref<4352xi32, #tpu.memory_space<vmem>>, vector<16xi32>,
      tpu.vector_store %arg9[%swap3A_116], %broadcast_in_dim3A_10 {strides = array<i32>} : memref<4352xi32, #tpu.memory_space<vmem>>, vector<16xi32>,
      %swap3A_118 = arith.constant 624 : index
      %swap3A_119 = tpu.vector_load %arg9[%swap3A_118] {strides = array<i32>} : memref<4352xi32, #tpu.memory_space<vmem>>, vector<16xi32>,
      tpu.vector_store %arg9[%swap3A_118], %broadcast_in_dim3A_10 {strides = array<i32>} : memref<4352xi32, #tpu.memory_space<vmem>>, vector<16xi32>,
      %swap3A_120 = arith.constant 640 : index
      %swap3A_121 = tpu.vector_load %arg9[%swap3A_120] {strides = array<i32>} : memref<4352xi32, #tpu.memory_space<vmem>>, vector<16xi32>,
      tpu.vector_store %arg9[%swap3A_120], %broadcast_in_dim3A_10 {strides = array<i32>} : memref<4352xi32, #tpu.memory_space<vmem>>, vector<16xi32>,
      %swap3A_122 = arith.constant 656 : index
      %swap3A_123 = tpu.vector_load %arg9[%swap3A_122] {strides = array<i32>} : memref<4352xi32, #tpu.memory_space<vmem>>, vector<16xi32>,
      tpu.vector_store %arg9[%swap3A_122], %broadcast_in_dim3A_10 {strides = array<i32>} : memref<4352xi32, #tpu.memory_space<vmem>>, vector<16xi32>,
      %swap3A_124 = arith.constant 672 : index
      %swap3A_125 = tpu.vector_load %arg9[%swap3A_124] {strides = array<i32>} : memref<4352xi32, #tpu.memory_space<vmem>>, vector<16xi32>,
      tpu.vector_store %arg9[%swap3A_124], %broadcast_in_dim3A_10 {strides = array<i32>} : memref<4352xi32, #tpu.memory_space<vmem>>, vector<16xi32>,
      %swap3A_126 = arith.constant 688 : index
      %swap3A_127 = tpu.vector_load %arg9[%swap3A_126] {strides = array<i32>} : memref<4352xi32, #tpu.memory_space<vmem>>, vector<16xi32>,
      tpu.vector_store %arg9[%swap3A_126], %broadcast_in_dim3A_10 {strides = array<i32>} : memref<4352xi32, #tpu.memory_space<vmem>>, vector<16xi32>,
      %swap3A_128 = arith.constant 704 : index
      %swap3A_129 = tpu.vector_load %arg9[%swap3A_128] {strides = array<i32>} : memref<4352xi32, #tpu.memory_space<vmem>>, vector<16xi32>,
      tpu.vector_store %arg9[%swap3A_128], %broadcast_in_dim3A_10 {strides = array<i32>} : memref<4352xi32, #tpu.memory_space<vmem>>, vector<16xi32>,
      %swap3A_130 = arith.constant 720 : index
      %swap3A_131 = tpu.vector_load %arg9[%swap3A_130] {strides = array<i32>} : memref<4352xi32, #tpu.memory_space<vmem>>, vector<16xi32>,
      tpu.vector_store %arg9[%swap3A_130], %broadcast_in_dim3A_10 {strides = array<i32>} : memref<4352xi32, #tpu.memory_space<vmem>>, vector<16xi32>,
      %swap3A_132 = arith.constant 736 : index
      %swap3A_133 = tpu.vector_load %arg9[%swap3A_132] {strides = array<i32>} : memref<4352xi32, #tpu.memory_space<vmem>>, vector<16xi32>,
      tpu.vector_store %arg9[%swap3A_132], %broadcast_in_dim3A_10 {strides = array<i32>} : memref<4352xi32, #tpu.memory_space<vmem>>, vector<16xi32>,
      %swap3A_134 = arith.constant 752 : index
      %swap3A_135 = tpu.vector_load %arg9[%swap3A_134] {strides = array<i32>} : memref<4352xi32, #tpu.memory_space<vmem>>, vector<16xi32>,
      tpu.vector_store %arg9[%swap3A_134], %broadcast_in_dim3A_10 {strides = array<i32>} : memref<4352xi32, #tpu.memory_space<vmem>>, vector<16xi32>,
      %swap3A_136 = arith.constant 768 : index
      %swap3A_137 = tpu.vector_load %arg9[%swap3A_136] {strides = array<i32>} : memref<4352xi32, #tpu.memory_space<vmem>>, vector<16xi32>,
      tpu.vector_store %arg9[%swap3A_136], %broadcast_in_dim3A_10 {strides = array<i32>} : memref<4352xi32, #tpu.memory_space<vmem>>, vector<16xi32>,
      %swap3A_138 = arith.constant 784 : index
      %swap3A_139 = tpu.vector_load %arg9[%swap3A_138] {strides = array<i32>} : memref<4352xi32, #tpu.memory_space<vmem>>, vector<16xi32>,
      tpu.vector_store %arg9[%swap3A_138], %broadcast_in_dim3A_10 {strides = array<i32>} : memref<4352xi32, #tpu.memory_space<vmem>>, vector<16xi32>,
      %swap3A_140 = arith.constant 800 : index
      %swap3A_141 = tpu.vector_load %arg9[%swap3A_140] {strides = array<i32>} : memref<4352xi32, #tpu.memory_space<vmem>>, vector<16xi32>,
      tpu.vector_store %arg9[%swap3A_140], %broadcast_in_dim3A_10 {strides = array<i32>} : memref<4352xi32, #tpu.memory_space<vmem>>, vector<16xi32>,
      %swap3A_142 = arith.constant 816 : index
      %swap3A_143 = tpu.vector_load %arg9[%swap3A_142] {strides = array<i32>} : memref<4352xi32, #tpu.memory_space<vmem>>, vector<16xi32>,
      tpu.vector_store %arg9[%swap3A_142], %broadcast_in_dim3A_10 {strides = array<i32>} : memref<4352xi32, #tpu.memory_space<vmem>>, vector<16xi32>,
      %swap3A_144 = arith.constant 832 : index
      %swap3A_145 = tpu.vector_load %arg9[%swap3A_144] {strides = array<i32>} : memref<4352xi32, #tpu.memory_space<vmem>>, vector<16xi32>,
      tpu.vector_store %arg9[%swap3A_144], %broadcast_in_dim3A_10 {strides = array<i32>} : memref<4352xi32, #tpu.memory_space<vmem>>, vector<16xi32>,
      %swap3A_146 = arith.constant 848 : index
      %swap3A_147 = tpu.vector_load %arg9[%swap3A_146] {strides = array<i32>} : memref<4352xi32, #tpu.memory_space<vmem>>, vector<16xi32>,
      tpu.vector_store %arg9[%swap3A_146], %broadcast_in_dim3A_10 {strides = array<i32>} : memref<4352xi32, #tpu.memory_space<vmem>>, vector<16xi32>,
      %swap3A_148 = arith.constant 864 : index
      %swap3A_149 = tpu.vector_load %arg9[%swap3A_148] {strides = array<i32>} : memref<4352xi32, #tpu.memory_space<vmem>>, vector<16xi32>,
      tpu.vector_store %arg9[%swap3A_148], %broadcast_in_dim3A_10 {strides = array<i32>} : memref<4352xi32, #tpu.memory_space<vmem>>, vector<16xi32>,
      %swap3A_150 = arith.constant 880 : index
      %swap3A_151 = tpu.vector_load %arg9[%swap3A_150] {strides = array<i32>} : memref<4352xi32, #tpu.memory_space<vmem>>, vector<16xi32>,
      tpu.vector_store %arg9[%swap3A_150], %broadcast_in_dim3A_10 {strides = array<i32>} : memref<4352xi32, #tpu.memory_space<vmem>>, vector<16xi32>,
      %swap3A_152 = arith.constant 896 : index
      %swap3A_153 = tpu.vector_load %arg9[%swap3A_152] {strides = array<i32>} : memref<4352xi32, #tpu.memory_space<vmem>>, vector<16xi32>,
      tpu.vector_store %arg9[%swap3A_152], %broadcast_in_dim3A_10 {strides = array<i32>} : memref<4352xi32, #tpu.memory_space<vmem>>, vector<16xi32>,
      %swap3A_154 = arith.constant 912 : index
      %swap3A_155 = tpu.vector_load %arg9[%swap3A_154] {strides = array<i32>} : memref<4352xi32, #tpu.memory_space<vmem>>, vector<16xi32>,
      tpu.vector_store %arg9[%swap3A_154], %broadcast_in_dim3A_10 {strides = array<i32>} : memref<4352xi32, #tpu.memory_space<vmem>>, vector<16xi32>,
      %swap3A_156 = arith.constant 928 : index
      %swap3A_157 = tpu.vector_load %arg9[%swap3A_156] {strides = array<i32>} : memref<4352xi32, #tpu.memory_space<vmem>>, vector<16xi32>,
      tpu.vector_store %arg9[%swap3A_156], %broadcast_in_dim3A_10 {strides = array<i32>} : memref<4352xi32, #tpu.memory_space<vmem>>, vector<16xi32>,
      %swap3A_158 = arith.constant 944 : index
      %swap3A_159 = tpu.vector_load %arg9[%swap3A_158] {strides = array<i32>} : memref<4352xi32, #tpu.memory_space<vmem>>, vector<16xi32>,
      tpu.vector_store %arg9[%swap3A_158], %broadcast_in_dim3A_10 {strides = array<i32>} : memref<4352xi32, #tpu.memory_space<vmem>>, vector<16xi32>,
      %swap3A_160 = arith.constant 960 : index
      %swap3A_161 = tpu.vector_load %arg9[%swap3A_160] {strides = array<i32>} : memref<4352xi32, #tpu.memory_space<vmem>>, vector<16xi32>,
      tpu.vector_store %arg9[%swap3A_160], %broadcast_in_dim3A_10 {strides = array<i32>} : memref<4352xi32, #tpu.memory_space<vmem>>, vector<16xi32>,
      %swap3A_162 = arith.constant 976 : index
      %swap3A_163 = tpu.vector_load %arg9[%swap3A_162] {strides = array<i32>} : memref<4352xi32, #tpu.memory_space<vmem>>, vector<16xi32>,
      tpu.vector_store %arg9[%swap3A_162], %broadcast_in_dim3A_10 {strides = array<i32>} : memref<4352xi32, #tpu.memory_space<vmem>>, vector<16xi32>,
      %swap3A_164 = arith.constant 992 : index
      %swap3A_165 = tpu.vector_load %arg9[%swap3A_164] {strides = array<i32>} : memref<4352xi32, #tpu.memory_space<vmem>>, vector<16xi32>,
      tpu.vector_store %arg9[%swap3A_164], %broadcast_in_dim3A_10 {strides = array<i32>} : memref<4352xi32, #tpu.memory_space<vmem>>, vector<16xi32>,
      %swap3A_166 = arith.constant 1008 : index
      %swap3A_167 = tpu.vector_load %arg9[%swap3A_166] {strides = array<i32>} : memref<4352xi32, #tpu.memory_space<vmem>>, vector<16xi32>,
      tpu.vector_store %arg9[%swap3A_166], %broadcast_in_dim3A_10 {strides = array<i32>} : memref<4352xi32, #tpu.memory_space<vmem>>, vector<16xi32>,
      %swap3A_168 = arith.constant 1024 : index
      %swap3A_169 = tpu.vector_load %arg9[%swap3A_168] {strides = array<i32>} : memref<4352xi32, #tpu.memory_space<vmem>>, vector<16xi32>,
      tpu.vector_store %arg9[%swap3A_168], %broadcast_in_dim3A_10 {strides = array<i32>} : memref<4352xi32, #tpu.memory_space<vmem>>, vector<16xi32>,
      %swap3A_170 = arith.constant 1040 : index
      %swap3A_171 = tpu.vector_load %arg9[%swap3A_170] {strides = array<i32>} : memref<4352xi32, #tpu.memory_space<vmem>>, vector<16xi32>,
      tpu.vector_store %arg9[%swap3A_170], %broadcast_in_dim3A_10 {strides = array<i32>} : memref<4352xi32, #tpu.memory_space<vmem>>, vector<16xi32>,
      %swap3A_172 = arith.constant 1056 : index
      %swap3A_173 = tpu.vector_load %arg9[%swap3A_172] {strides = array<i32>} : memref<4352xi32, #tpu.memory_space<vmem>>, vector<16xi32>,
      tpu.vector_store %arg9[%swap3A_172], %broadcast_in_dim3A_10 {strides = array<i32>} : memref<4352xi32, #tpu.memory_space<vmem>>, vector<16xi32>,
      %swap3A_174 = arith.constant 1072 : index
      %swap3A_175 = tpu.vector_load %arg9[%swap3A_174] {strides = array<i32>} : memref<4352xi32, #tpu.memory_space<vmem>>, vector<16xi32>,
      tpu.vector_store %arg9[%swap3A_174], %broadcast_in_dim3A_10 {strides = array<i32>} : memref<4352xi32, #tpu.memory_space<vmem>>, vector<16xi32>,
      %swap3A_176 = arith.constant 1088 : index
      %swap3A_177 = tpu.vector_load %arg9[%swap3A_176] {strides = array<i32>} : memref<4352xi32, #tpu.memory_space<vmem>>, vector<16xi32>,
      tpu.vector_store %arg9[%swap3A_176], %broadcast_in_dim3A_10 {strides = array<i32>} : memref<4352xi32, #tpu.memory_space<vmem>>, vector<16xi32>,
      %swap3A_178 = arith.constant 1104 : index
      %swap3A_179 = tpu.vector_load %arg9[%swap3A_178] {strides = array<i32>} : memref<4352xi32, #tpu.memory_space<vmem>>, vector<16xi32>,
      tpu.vector_store %arg9[%swap3A_178], %broadcast_in_dim3A_10 {strides = array<i32>} : memref<4352xi32, #tpu.memory_space<vmem>>, vector<16xi32>,
      %swap3A_180 = arith.constant 1120 : index
      %swap3A_181 = tpu.vector_load %arg9[%swap3A_180] {strides = array<i32>} : memref<4352xi32, #tpu.memory_space<vmem>>, vector<16xi32>,
      tpu.vector_store %arg9[%swap3A_180], %broadcast_in_dim3A_10 {strides = array<i32>} : memref<4352xi32, #tpu.memory_space<vmem>>, vector<16xi32>,
      %swap3A_182 = arith.constant 1136 : index
      %swap3A_183 = tpu.vector_load %arg9[%swap3A_182] {strides = array<i32>} : memref<4352xi32, #tpu.memory_space<vmem>>, vector<16xi32>,
      tpu.vector_store %arg9[%swap3A_182], %broadcast_in_dim3A_10 {strides = array<i32>} : memref<4352xi32, #tpu.memory_space<vmem>>, vector<16xi32>,
      %swap3A_184 = arith.constant 1152 : index
      %swap3A_185 = tpu.vector_load %arg9[%swap3A_184] {strides = array<i32>} : memref<4352xi32, #tpu.memory_space<vmem>>, vector<16xi32>,
      tpu.vector_store %arg9[%swap3A_184], %broadcast_in_dim3A_10 {strides = array<i32>} : memref<4352xi32, #tpu.memory_space<vmem>>, vector<16xi32>,
      %swap3A_186 = arith.constant 1168 : index
      %swap3A_187 = tpu.vector_load %arg9[%swap3A_186] {strides = array<i32>} : memref<4352xi32, #tpu.memory_space<vmem>>, vector<16xi32>,
      tpu.vector_store %arg9[%swap3A_186], %broadcast_in_dim3A_10 {strides = array<i32>} : memref<4352xi32, #tpu.memory_space<vmem>>, vector<16xi32>,
      %swap3A_188 = arith.constant 1184 : index
      %swap3A_189 = tpu.vector_load %arg9[%swap3A_188] {strides = array<i32>} : memref<4352xi32, #tpu.memory_space<vmem>>, vector<16xi32>,
      tpu.vector_store %arg9[%swap3A_188], %broadcast_in_dim3A_10 {strides = array<i32>} : memref<4352xi32, #tpu.memory_space<vmem>>, vector<16xi32>,
      %swap3A_190 = arith.constant 1200 : index
      %swap3A_191 = tpu.vector_load %arg9[%swap3A_190] {strides = array<i32>} : memref<4352xi32, #tpu.memory_space<vmem>>, vector<16xi32>,
      tpu.vector_store %arg9[%swap3A_190], %broadcast_in_dim3A_10 {strides = array<i32>} : memref<4352xi32, #tpu.memory_space<vmem>>, vector<16xi32>,
      %swap3A_192 = arith.constant 1216 : index
      %swap3A_193 = tpu.vector_load %arg9[%swap3A_192] {strides = array<i32>} : memref<4352xi32, #tpu.memory_space<vmem>>, vector<16xi32>,
      tpu.vector_store %arg9[%swap3A_192], %broadcast_in_dim3A_10 {strides = array<i32>} : memref<4352xi32, #tpu.memory_space<vmem>>, vector<16xi32>,
      %swap3A_194 = arith.constant 1232 : index
      %swap3A_195 = tpu.vector_load %arg9[%swap3A_194] {strides = array<i32>} : memref<4352xi32, #tpu.memory_space<vmem>>, vector<16xi32>,
      tpu.vector_store %arg9[%swap3A_194], %broadcast_in_dim3A_10 {strides = array<i32>} : memref<4352xi32, #tpu.memory_space<vmem>>, vector<16xi32>,
      %swap3A_196 = arith.constant 1248 : index
      %swap3A_197 = tpu.vector_load %arg9[%swap3A_196] {strides = array<i32>} : memref<4352xi32, #tpu.memory_space<vmem>>, vector<16xi32>,
      tpu.vector_store %arg9[%swap3A_196], %broadcast_in_dim3A_10 {strides = array<i32>} : memref<4352xi32, #tpu.memory_space<vmem>>, vector<16xi32>,
      %swap3A_198 = arith.constant 1264 : index
      %swap3A_199 = tpu.vector_load %arg9[%swap3A_198] {strides = array<i32>} : memref<4352xi32, #tpu.memory_space<vmem>>, vector<16xi32>,
      tpu.vector_store %arg9[%swap3A_198], %broadcast_in_dim3A_10 {strides = array<i32>} : memref<4352xi32, #tpu.memory_space<vmem>>, vector<16xi32>,
      %swap3A_200 = arith.constant 1280 : index
      %swap3A_201 = tpu.vector_load %arg9[%swap3A_200] {strides = array<i32>} : memref<4352xi32, #tpu.memory_space<vmem>>, vector<16xi32>,
      tpu.vector_store %arg9[%swap3A_200], %broadcast_in_dim3A_10 {strides = array<i32>} : memref<4352xi32, #tpu.memory_space<vmem>>, vector<16xi32>,
      %swap3A_202 = arith.constant 1296 : index
      %swap3A_203 = tpu.vector_load %arg9[%swap3A_202] {strides = array<i32>} : memref<4352xi32, #tpu.memory_space<vmem>>, vector<16xi32>,
      tpu.vector_store %arg9[%swap3A_202], %broadcast_in_dim3A_10 {strides = array<i32>} : memref<4352xi32, #tpu.memory_space<vmem>>, vector<16xi32>,
      %swap3A_204 = arith.constant 1312 : index
      %swap3A_205 = tpu.vector_load %arg9[%swap3A_204] {strides = array<i32>} : memref<4352xi32, #tpu.memory_space<vmem>>, vector<16xi32>,
      tpu.vector_store %arg9[%swap3A_204], %broadcast_in_dim3A_10 {strides = array<i32>} : memref<4352xi32, #tpu.memory_space<vmem>>, vector<16xi32>,
      %swap3A_206 = arith.constant 1328 : index
      %swap3A_207 = tpu.vector_load %arg9[%swap3A_206] {strides = array<i32>} : memref<4352xi32, #tpu.memory_space<vmem>>, vector<16xi32>,
      tpu.vector_store %arg9[%swap3A_206], %broadcast_in_dim3A_10 {strides = array<i32>} : memref<4352xi32, #tpu.memory_space<vmem>>, vector<16xi32>,
      %swap3A_208 = arith.constant 1344 : index
      %swap3A_209 = tpu.vector_load %arg9[%swap3A_208] {strides = array<i32>} : memref<4352xi32, #tpu.memory_space<vmem>>, vector<16xi32>,
      tpu.vector_store %arg9[%swap3A_208], %broadcast_in_dim3A_10 {strides = array<i32>} : memref<4352xi32, #tpu.memory_space<vmem>>, vector<16xi32>,
      %swap3A_210 = arith.constant 1360 : index
      %swap3A_211 = tpu.vector_load %arg9[%swap3A_210] {strides = array<i32>} : memref<4352xi32, #tpu.memory_space<vmem>>, vector<16xi32>,
      tpu.vector_store %arg9[%swap3A_210], %broadcast_in_dim3A_10 {strides = array<i32>} : memref<4352xi32, #tpu.memory_space<vmem>>, vector<16xi32>,
      %swap3A_212 = arith.constant 1376 : index
      %swap3A_213 = tpu.vector_load %arg9[%swap3A_212] {strides = array<i32>} : memref<4352xi32, #tpu.memory_space<vmem>>, vector<16xi32>,
      tpu.vector_store %arg9[%swap3A_212], %broadcast_in_dim3A_10 {strides = array<i32>} : memref<4352xi32, #tpu.memory_space<vmem>>, vector<16xi32>,
      %swap3A_214 = arith.constant 1392 : index
      %swap3A_215 = tpu.vector_load %arg9[%swap3A_214] {strides = array<i32>} : memref<4352xi32, #tpu.memory_space<vmem>>, vector<16xi32>,
      tpu.vector_store %arg9[%swap3A_214], %broadcast_in_dim3A_10 {strides = array<i32>} : memref<4352xi32, #tpu.memory_space<vmem>>, vector<16xi32>,
      %swap3A_216 = arith.constant 1408 : index
      %swap3A_217 = tpu.vector_load %arg9[%swap3A_216] {strides = array<i32>} : memref<4352xi32, #tpu.memory_space<vmem>>, vector<16xi32>,
      tpu.vector_store %arg9[%swap3A_216], %broadcast_in_dim3A_10 {strides = array<i32>} : memref<4352xi32, #tpu.memory_space<vmem>>, vector<16xi32>,
      %swap3A_218 = arith.constant 1424 : index
      %swap3A_219 = tpu.vector_load %arg9[%swap3A_218] {strides = array<i32>} : memref<4352xi32, #tpu.memory_space<vmem>>, vector<16xi32>,
      tpu.vector_store %arg9[%swap3A_218], %broadcast_in_dim3A_10 {strides = array<i32>} : memref<4352xi32, #tpu.memory_space<vmem>>, vector<16xi32>,
      %swap3A_220 = arith.constant 1440 : index
      %swap3A_221 = tpu.vector_load %arg9[%swap3A_220] {strides = array<i32>} : memref<4352xi32, #tpu.memory_space<vmem>>, vector<16xi32>,
      tpu.vector_store %arg9[%swap3A_220], %broadcast_in_dim3A_10 {strides = array<i32>} : memref<4352xi32, #tpu.memory_space<vmem>>, vector<16xi32>,
      %swap3A_222 = arith.constant 1456 : index
      %swap3A_223 = tpu.vector_load %arg9[%swap3A_222] {strides = array<i32>} : memref<4352xi32, #tpu.memory_space<vmem>>, vector<16xi32>,
      tpu.vector_store %arg9[%swap3A_222], %broadcast_in_dim3A_10 {strides = array<i32>} : memref<4352xi32, #tpu.memory_space<vmem>>, vector<16xi32>,
      %swap3A_224 = arith.constant 1472 : index
      %swap3A_225 = tpu.vector_load %arg9[%swap3A_224] {strides = array<i32>} : memref<4352xi32, #tpu.memory_space<vmem>>, vector<16xi32>,
      tpu.vector_store %arg9[%swap3A_224], %broadcast_in_dim3A_10 {strides = array<i32>} : memref<4352xi32, #tpu.memory_space<vmem>>, vector<16xi32>,
      %swap3A_226 = arith.constant 1488 : index
      %swap3A_227 = tpu.vector_load %arg9[%swap3A_226] {strides = array<i32>} : memref<4352xi32, #tpu.memory_space<vmem>>, vector<16xi32>,
      tpu.vector_store %arg9[%swap3A_226], %broadcast_in_dim3A_10 {strides = array<i32>} : memref<4352xi32, #tpu.memory_space<vmem>>, vector<16xi32>,
      %swap3A_228 = arith.constant 1504 : index
      %swap3A_229 = tpu.vector_load %arg9[%swap3A_228] {strides = array<i32>} : memref<4352xi32, #tpu.memory_space<vmem>>, vector<16xi32>,
      tpu.vector_store %arg9[%swap3A_228], %broadcast_in_dim3A_10 {strides = array<i32>} : memref<4352xi32, #tpu.memory_space<vmem>>, vector<16xi32>,
      %swap3A_230 = arith.constant 1520 : index
      %swap3A_231 = tpu.vector_load %arg9[%swap3A_230] {strides = array<i32>} : memref<4352xi32, #tpu.memory_space<vmem>>, vector<16xi32>,
      tpu.vector_store %arg9[%swap3A_230], %broadcast_in_dim3A_10 {strides = array<i32>} : memref<4352xi32, #tpu.memory_space<vmem>>, vector<16xi32>,
      %swap3A_232 = arith.constant 1536 : index
      %swap3A_233 = tpu.vector_load %arg9[%swap3A_232] {strides = array<i32>} : memref<4352xi32, #tpu.memory_space<vmem>>, vector<16xi32>,
      tpu.vector_store %arg9[%swap3A_232], %broadcast_in_dim3A_10 {strides = array<i32>} : memref<4352xi32, #tpu.memory_space<vmem>>, vector<16xi32>,
      %swap3A_234 = arith.constant 1552 : index
      %swap3A_235 = tpu.vector_load %arg9[%swap3A_234] {strides = array<i32>} : memref<4352xi32, #tpu.memory_space<vmem>>, vector<16xi32>,
      tpu.vector_store %arg9[%swap3A_234], %broadcast_in_dim3A_10 {strides = array<i32>} : memref<4352xi32, #tpu.memory_space<vmem>>, vector<16xi32>,
      %swap3A_236 = arith.constant 1568 : index
      %swap3A_237 = tpu.vector_load %arg9[%swap3A_236] {strides = array<i32>} : memref<4352xi32, #tpu.memory_space<vmem>>, vector<16xi32>,
      tpu.vector_store %arg9[%swap3A_236], %broadcast_in_dim3A_10 {strides = array<i32>} : memref<4352xi32, #tpu.memory_space<vmem>>, vector<16xi32>,
      %swap3A_238 = arith.constant 1584 : index
      %swap3A_239 = tpu.vector_load %arg9[%swap3A_238] {strides = array<i32>} : memref<4352xi32, #tpu.memory_space<vmem>>, vector<16xi32>,
      tpu.vector_store %arg9[%swap3A_238], %broadcast_in_dim3A_10 {strides = array<i32>} : memref<4352xi32, #tpu.memory_space<vmem>>, vector<16xi32>,
      %swap3A_240 = arith.constant 1600 : index
      %swap3A_241 = tpu.vector_load %arg9[%swap3A_240] {strides = array<i32>} : memref<4352xi32, #tpu.memory_space<vmem>>, vector<16xi32>,
      tpu.vector_store %arg9[%swap3A_240], %broadcast_in_dim3A_10 {strides = array<i32>} : memref<4352xi32, #tpu.memory_space<vmem>>, vector<16xi32>,
      %swap3A_242 = arith.constant 1616 : index
      %swap3A_243 = tpu.vector_load %arg9[%swap3A_242] {strides = array<i32>} : memref<4352xi32, #tpu.memory_space<vmem>>, vector<16xi32>,
      tpu.vector_store %arg9[%swap3A_242], %broadcast_in_dim3A_10 {strides = array<i32>} : memref<4352xi32, #tpu.memory_space<vmem>>, vector<16xi32>,
      %swap3A_244 = arith.constant 1632 : index
      %swap3A_245 = tpu.vector_load %arg9[%swap3A_244] {strides = array<i32>} : memref<4352xi32, #tpu.memory_space<vmem>>, vector<16xi32>,
      tpu.vector_store %arg9[%swap3A_244], %broadcast_in_dim3A_10 {strides = array<i32>} : memref<4352xi32, #tpu.memory_space<vmem>>, vector<16xi32>,
      %swap3A_246 = arith.constant 1648 : index
      %swap3A_247 = tpu.vector_load %arg9[%swap3A_246] {strides = array<i32>} : memref<4352xi32, #tpu.memory_space<vmem>>, vector<16xi32>,
      tpu.vector_store %arg9[%swap3A_246], %broadcast_in_dim3A_10 {strides = array<i32>} : memref<4352xi32, #tpu.memory_space<vmem>>, vector<16xi32>,
      %swap3A_248 = arith.constant 1664 : index
      %swap3A_249 = tpu.vector_load %arg9[%swap3A_248] {strides = array<i32>} : memref<4352xi32, #tpu.memory_space<vmem>>, vector<16xi32>,
      tpu.vector_store %arg9[%swap3A_248], %broadcast_in_dim3A_10 {strides = array<i32>} : memref<4352xi32, #tpu.memory_space<vmem>>, vector<16xi32>,
      %swap3A_250 = arith.constant 1680 : index
      %swap3A_251 = tpu.vector_load %arg9[%swap3A_250] {strides = array<i32>} : memref<4352xi32, #tpu.memory_space<vmem>>, vector<16xi32>,
      tpu.vector_store %arg9[%swap3A_250], %broadcast_in_dim3A_10 {strides = array<i32>} : memref<4352xi32, #tpu.memory_space<vmem>>, vector<16xi32>,
      %swap3A_252 = arith.constant 1696 : index
      %swap3A_253 = tpu.vector_load %arg9[%swap3A_252] {strides = array<i32>} : memref<4352xi32, #tpu.memory_space<vmem>>, vector<16xi32>,
      tpu.vector_store %arg9[%swap3A_252], %broadcast_in_dim3A_10 {strides = array<i32>} : memref<4352xi32, #tpu.memory_space<vmem>>, vector<16xi32>,
      %swap3A_254 = arith.constant 1712 : index
      %swap3A_255 = tpu.vector_load %arg9[%swap3A_254] {strides = array<i32>} : memref<4352xi32, #tpu.memory_space<vmem>>, vector<16xi32>,
      tpu.vector_store %arg9[%swap3A_254], %broadcast_in_dim3A_10 {strides = array<i32>} : memref<4352xi32, #tpu.memory_space<vmem>>, vector<16xi32>,
      %swap3A_256 = arith.constant 1728 : index
      %swap3A_257 = tpu.vector_load %arg9[%swap3A_256] {strides = array<i32>} : memref<4352xi32, #tpu.memory_space<vmem>>, vector<16xi32>,
      tpu.vector_store %arg9[%swap3A_256], %broadcast_in_dim3A_10 {strides = array<i32>} : memref<4352xi32, #tpu.memory_space<vmem>>, vector<16xi32>,
      %swap3A_258 = arith.constant 1744 : index
      %swap3A_259 = tpu.vector_load %arg9[%swap3A_258] {strides = array<i32>} : memref<4352xi32, #tpu.memory_space<vmem>>, vector<16xi32>,
      tpu.vector_store %arg9[%swap3A_258], %broadcast_in_dim3A_10 {strides = array<i32>} : memref<4352xi32, #tpu.memory_space<vmem>>, vector<16xi32>,
      %swap3A_260 = arith.constant 1760 : index
      %swap3A_261 = tpu.vector_load %arg9[%swap3A_260] {strides = array<i32>} : memref<4352xi32, #tpu.memory_space<vmem>>, vector<16xi32>,
      tpu.vector_store %arg9[%swap3A_260], %broadcast_in_dim3A_10 {strides = array<i32>} : memref<4352xi32, #tpu.memory_space<vmem>>, vector<16xi32>,
      %swap3A_262 = arith.constant 1776 : index
      %swap3A_263 = tpu.vector_load %arg9[%swap3A_262] {strides = array<i32>} : memref<4352xi32, #tpu.memory_space<vmem>>, vector<16xi32>,
      tpu.vector_store %arg9[%swap3A_262], %broadcast_in_dim3A_10 {strides = array<i32>} : memref<4352xi32, #tpu.memory_space<vmem>>, vector<16xi32>,
      %swap3A_264 = arith.constant 1792 : index
      %swap3A_265 = tpu.vector_load %arg9[%swap3A_264] {strides = array<i32>} : memref<4352xi32, #tpu.memory_space<vmem>>, vector<16xi32>,
      tpu.vector_store %arg9[%swap3A_264], %broadcast_in_dim3A_10 {strides = array<i32>} : memref<4352xi32, #tpu.memory_space<vmem>>, vector<16xi32>,
      %swap3A_266 = arith.constant 1808 : index
      %swap3A_267 = tpu.vector_load %arg9[%swap3A_266] {strides = array<i32>} : memref<4352xi32, #tpu.memory_space<vmem>>, vector<16xi32>,
      tpu.vector_store %arg9[%swap3A_266], %broadcast_in_dim3A_10 {strides = array<i32>} : memref<4352xi32, #tpu.memory_space<vmem>>, vector<16xi32>,
      %swap3A_268 = arith.constant 1824 : index
      %swap3A_269 = tpu.vector_load %arg9[%swap3A_268] {strides = array<i32>} : memref<4352xi32, #tpu.memory_space<vmem>>, vector<16xi32>,
      tpu.vector_store %arg9[%swap3A_268], %broadcast_in_dim3A_10 {strides = array<i32>} : memref<4352xi32, #tpu.memory_space<vmem>>, vector<16xi32>,
      %swap3A_270 = arith.constant 1840 : index
      %swap3A_271 = tpu.vector_load %arg9[%swap3A_270] {strides = array<i32>} : memref<4352xi32, #tpu.memory_space<vmem>>, vector<16xi32>,
      tpu.vector_store %arg9[%swap3A_270], %broadcast_in_dim3A_10 {strides = array<i32>} : memref<4352xi32, #tpu.memory_space<vmem>>, vector<16xi32>,
      %swap3A_272 = arith.constant 1856 : index
      %swap3A_273 = tpu.vector_load %arg9[%swap3A_272] {strides = array<i32>} : memref<4352xi32, #tpu.memory_space<vmem>>, vector<16xi32>,
      tpu.vector_store %arg9[%swap3A_272], %broadcast_in_dim3A_10 {strides = array<i32>} : memref<4352xi32, #tpu.memory_space<vmem>>, vector<16xi32>,
      %swap3A_274 = arith.constant 1872 : index
      %swap3A_275 = tpu.vector_load %arg9[%swap3A_274] {strides = array<i32>} : memref<4352xi32, #tpu.memory_space<vmem>>, vector<16xi32>,
      tpu.vector_store %arg9[%swap3A_274], %broadcast_in_dim3A_10 {strides = array<i32>} : memref<4352xi32, #tpu.memory_space<vmem>>, vector<16xi32>,
      %swap3A_276 = arith.constant 1888 : index
      %swap3A_277 = tpu.vector_load %arg9[%swap3A_276] {strides = array<i32>} : memref<4352xi32, #tpu.memory_space<vmem>>, vector<16xi32>,
      tpu.vector_store %arg9[%swap3A_276], %broadcast_in_dim3A_10 {strides = array<i32>} : memref<4352xi32, #tpu.memory_space<vmem>>, vector<16xi32>,
      %swap3A_278 = arith.constant 1904 : index
      %swap3A_279 = tpu.vector_load %arg9[%swap3A_278] {strides = array<i32>} : memref<4352xi32, #tpu.memory_space<vmem>>, vector<16xi32>,
      tpu.vector_store %arg9[%swap3A_278], %broadcast_in_dim3A_10 {strides = array<i32>} : memref<4352xi32, #tpu.memory_space<vmem>>, vector<16xi32>,
      %swap3A_280 = arith.constant 1920 : index
      %swap3A_281 = tpu.vector_load %arg9[%swap3A_280] {strides = array<i32>} : memref<4352xi32, #tpu.memory_space<vmem>>, vector<16xi32>,
      tpu.vector_store %arg9[%swap3A_280], %broadcast_in_dim3A_10 {strides = array<i32>} : memref<4352xi32, #tpu.memory_space<vmem>>, vector<16xi32>,
      %swap3A_282 = arith.constant 1936 : index
      %swap3A_283 = tpu.vector_load %arg9[%swap3A_282] {strides = array<i32>} : memref<4352xi32, #tpu.memory_space<vmem>>, vector<16xi32>,
      tpu.vector_store %arg9[%swap3A_282], %broadcast_in_dim3A_10 {strides = array<i32>} : memref<4352xi32, #tpu.memory_space<vmem>>, vector<16xi32>,
      %swap3A_284 = arith.constant 1952 : index
      %swap3A_285 = tpu.vector_load %arg9[%swap3A_284] {strides = array<i32>} : memref<4352xi32, #tpu.memory_space<vmem>>, vector<16xi32>,
      tpu.vector_store %arg9[%swap3A_284], %broadcast_in_dim3A_10 {strides = array<i32>} : memref<4352xi32, #tpu.memory_space<vmem>>, vector<16xi32>,
      %swap3A_286 = arith.constant 1968 : index
      %swap3A_287 = tpu.vector_load %arg9[%swap3A_286] {strides = array<i32>} : memref<4352xi32, #tpu.memory_space<vmem>>, vector<16xi32>,
      tpu.vector_store %arg9[%swap3A_286], %broadcast_in_dim3A_10 {strides = array<i32>} : memref<4352xi32, #tpu.memory_space<vmem>>, vector<16xi32>,
      %swap3A_288 = arith.constant 1984 : index
      %swap3A_289 = tpu.vector_load %arg9[%swap3A_288] {strides = array<i32>} : memref<4352xi32, #tpu.memory_space<vmem>>, vector<16xi32>,
      tpu.vector_store %arg9[%swap3A_288], %broadcast_in_dim3A_10 {strides = array<i32>} : memref<4352xi32, #tpu.memory_space<vmem>>, vector<16xi32>,
      %swap3A_290 = arith.constant 2000 : index
      %swap3A_291 = tpu.vector_load %arg9[%swap3A_290] {strides = array<i32>} : memref<4352xi32, #tpu.memory_space<vmem>>, vector<16xi32>,
      tpu.vector_store %arg9[%swap3A_290], %broadcast_in_dim3A_10 {strides = array<i32>} : memref<4352xi32, #tpu.memory_space<vmem>>, vector<16xi32>,
      %swap3A_292 = arith.constant 2016 : index
      %swap3A_293 = tpu.vector_load %arg9[%swap3A_292] {strides = array<i32>} : memref<4352xi32, #tpu.memory_space<vmem>>, vector<16xi32>,
      tpu.vector_store %arg9[%swap3A_292], %broadcast_in_dim3A_10 {strides = array<i32>} : memref<4352xi32, #tpu.memory_space<vmem>>, vector<16xi32>,
      %swap3A_294 = arith.constant 2032 : index
      %swap3A_295 = tpu.vector_load %arg9[%swap3A_294] {strides = array<i32>} : memref<4352xi32, #tpu.memory_space<vmem>>, vector<16xi32>,
      tpu.vector_store %arg9[%swap3A_294], %broadcast_in_dim3A_10 {strides = array<i32>} : memref<4352xi32, #tpu.memory_space<vmem>>, vector<16xi32>,
      %swap3A_296 = arith.constant 2048 : index
      %swap3A_297 = tpu.vector_load %arg9[%swap3A_296] {strides = array<i32>} : memref<4352xi32, #tpu.memory_space<vmem>>, vector<16xi32>,
      tpu.vector_store %arg9[%swap3A_296], %broadcast_in_dim3A_10 {strides = array<i32>} : memref<4352xi32, #tpu.memory_space<vmem>>, vector<16xi32>,
      %swap3A_298 = arith.constant 2064 : index
      %swap3A_299 = tpu.vector_load %arg9[%swap3A_298] {strides = array<i32>} : memref<4352xi32, #tpu.memory_space<vmem>>, vector<16xi32>,
      tpu.vector_store %arg9[%swap3A_298], %broadcast_in_dim3A_10 {strides = array<i32>} : memref<4352xi32, #tpu.memory_space<vmem>>, vector<16xi32>,
      %swap3A_300 = arith.constant 2080 : index
      %swap3A_301 = tpu.vector_load %arg9[%swap3A_300] {strides = array<i32>} : memref<4352xi32, #tpu.memory_space<vmem>>, vector<16xi32>,
      tpu.vector_store %arg9[%swap3A_300], %broadcast_in_dim3A_10 {strides = array<i32>} : memref<4352xi32, #tpu.memory_space<vmem>>, vector<16xi32>,
      %swap3A_302 = arith.constant 2096 : index
      %swap3A_303 = tpu.vector_load %arg9[%swap3A_302] {strides = array<i32>} : memref<4352xi32, #tpu.memory_space<vmem>>, vector<16xi32>,
      tpu.vector_store %arg9[%swap3A_302], %broadcast_in_dim3A_10 {strides = array<i32>} : memref<4352xi32, #tpu.memory_space<vmem>>, vector<16xi32>,
      %swap3A_304 = arith.constant 2112 : index
      %swap3A_305 = tpu.vector_load %arg9[%swap3A_304] {strides = array<i32>} : memref<4352xi32, #tpu.memory_space<vmem>>, vector<16xi32>,
      tpu.vector_store %arg9[%swap3A_304], %broadcast_in_dim3A_10 {strides = array<i32>} : memref<4352xi32, #tpu.memory_space<vmem>>, vector<16xi32>,
      %swap3A_306 = arith.constant 2128 : index
      %swap3A_307 = tpu.vector_load %arg9[%swap3A_306] {strides = array<i32>} : memref<4352xi32, #tpu.memory_space<vmem>>, vector<16xi32>,
      tpu.vector_store %arg9[%swap3A_306], %broadcast_in_dim3A_10 {strides = array<i32>} : memref<4352xi32, #tpu.memory_space<vmem>>, vector<16xi32>,
      %swap3A_308 = arith.constant 2144 : index
      %swap3A_309 = tpu.vector_load %arg9[%swap3A_308] {strides = array<i32>} : memref<4352xi32, #tpu.memory_space<vmem>>, vector<16xi32>,
      tpu.vector_store %arg9[%swap3A_308], %broadcast_in_dim3A_10 {strides = array<i32>} : memref<4352xi32, #tpu.memory_space<vmem>>, vector<16xi32>,
      %swap3A_310 = arith.constant 2160 : index
      %swap3A_311 = tpu.vector_load %arg9[%swap3A_310] {strides = array<i32>} : memref<4352xi32, #tpu.memory_space<vmem>>, vector<16xi32>,
      tpu.vector_store %arg9[%swap3A_310], %broadcast_in_dim3A_10 {strides = array<i32>} : memref<4352xi32, #tpu.memory_space<vmem>>, vector<16xi32>,
      %swap3A_312 = arith.constant 2176 : index
      %swap3A_313 = tpu.vector_load %arg9[%swap3A_312] {strides = array<i32>} : memref<4352xi32, #tpu.memory_space<vmem>>, vector<16xi32>,
      tpu.vector_store %arg9[%swap3A_312], %broadcast_in_dim3A_10 {strides = array<i32>} : memref<4352xi32, #tpu.memory_space<vmem>>, vector<16xi32>,
      %swap3A_314 = arith.constant 2192 : index
      %swap3A_315 = tpu.vector_load %arg9[%swap3A_314] {strides = array<i32>} : memref<4352xi32, #tpu.memory_space<vmem>>, vector<16xi32>,
      tpu.vector_store %arg9[%swap3A_314], %broadcast_in_dim3A_10 {strides = array<i32>} : memref<4352xi32, #tpu.memory_space<vmem>>, vector<16xi32>,
      %swap3A_316 = arith.constant 2208 : index
      %swap3A_317 = tpu.vector_load %arg9[%swap3A_316] {strides = array<i32>} : memref<4352xi32, #tpu.memory_space<vmem>>, vector<16xi32>,
      tpu.vector_store %arg9[%swap3A_316], %broadcast_in_dim3A_10 {strides = array<i32>} : memref<4352xi32, #tpu.memory_space<vmem>>, vector<16xi32>,
      %swap3A_318 = arith.constant 2224 : index
      %swap3A_319 = tpu.vector_load %arg9[%swap3A_318] {strides = array<i32>} : memref<4352xi32, #tpu.memory_space<vmem>>, vector<16xi32>,
      tpu.vector_store %arg9[%swap3A_318], %broadcast_in_dim3A_10 {strides = array<i32>} : memref<4352xi32, #tpu.memory_space<vmem>>, vector<16xi32>,
      %swap3A_320 = arith.constant 2240 : index
      %swap3A_321 = tpu.vector_load %arg9[%swap3A_320] {strides = array<i32>} : memref<4352xi32, #tpu.memory_space<vmem>>, vector<16xi32>,
      tpu.vector_store %arg9[%swap3A_320], %broadcast_in_dim3A_10 {strides = array<i32>} : memref<4352xi32, #tpu.memory_space<vmem>>, vector<16xi32>,
      %swap3A_322 = arith.constant 2256 : index
      %swap3A_323 = tpu.vector_load %arg9[%swap3A_322] {strides = array<i32>} : memref<4352xi32, #tpu.memory_space<vmem>>, vector<16xi32>,
      tpu.vector_store %arg9[%swap3A_322], %broadcast_in_dim3A_10 {strides = array<i32>} : memref<4352xi32, #tpu.memory_space<vmem>>, vector<16xi32>,
      %swap3A_324 = arith.constant 2272 : index
      %swap3A_325 = tpu.vector_load %arg9[%swap3A_324] {strides = array<i32>} : memref<4352xi32, #tpu.memory_space<vmem>>, vector<16xi32>,
      tpu.vector_store %arg9[%swap3A_324], %broadcast_in_dim3A_10 {strides = array<i32>} : memref<4352xi32, #tpu.memory_space<vmem>>, vector<16xi32>,
      %swap3A_326 = arith.constant 2288 : index
      %swap3A_327 = tpu.vector_load %arg9[%swap3A_326] {strides = array<i32>} : memref<4352xi32, #tpu.memory_space<vmem>>, vector<16xi32>,
      tpu.vector_store %arg9[%swap3A_326], %broadcast_in_dim3A_10 {strides = array<i32>} : memref<4352xi32, #tpu.memory_space<vmem>>, vector<16xi32>,
      %swap3A_328 = arith.constant 2304 : index
      %swap3A_329 = tpu.vector_load %arg9[%swap3A_328] {strides = array<i32>} : memref<4352xi32, #tpu.memory_space<vmem>>, vector<16xi32>,
      tpu.vector_store %arg9[%swap3A_328], %broadcast_in_dim3A_10 {strides = array<i32>} : memref<4352xi32, #tpu.memory_space<vmem>>, vector<16xi32>,
      %swap3A_330 = arith.constant 2320 : index
      %swap3A_331 = tpu.vector_load %arg9[%swap3A_330] {strides = array<i32>} : memref<4352xi32, #tpu.memory_space<vmem>>, vector<16xi32>,
      tpu.vector_store %arg9[%swap3A_330], %broadcast_in_dim3A_10 {strides = array<i32>} : memref<4352xi32, #tpu.memory_space<vmem>>, vector<16xi32>,
      %swap3A_332 = arith.constant 2336 : index
      %swap3A_333 = tpu.vector_load %arg9[%swap3A_332] {strides = array<i32>} : memref<4352xi32, #tpu.memory_space<vmem>>, vector<16xi32>,
      tpu.vector_store %arg9[%swap3A_332], %broadcast_in_dim3A_10 {strides = array<i32>} : memref<4352xi32, #tpu.memory_space<vmem>>, vector<16xi32>,
      %swap3A_334 = arith.constant 2352 : index
      %swap3A_335 = tpu.vector_load %arg9[%swap3A_334] {strides = array<i32>} : memref<4352xi32, #tpu.memory_space<vmem>>, vector<16xi32>,
      tpu.vector_store %arg9[%swap3A_334], %broadcast_in_dim3A_10 {strides = array<i32>} : memref<4352xi32, #tpu.memory_space<vmem>>, vector<16xi32>,
      %swap3A_336 = arith.constant 2368 : index
      %swap3A_337 = tpu.vector_load %arg9[%swap3A_336] {strides = array<i32>} : memref<4352xi32, #tpu.memory_space<vmem>>, vector<16xi32>,
      tpu.vector_store %arg9[%swap3A_336], %broadcast_in_dim3A_10 {strides = array<i32>} : memref<4352xi32, #tpu.memory_space<vmem>>, vector<16xi32>,
      %swap3A_338 = arith.constant 2384 : index
      %swap3A_339 = tpu.vector_load %arg9[%swap3A_338] {strides = array<i32>} : memref<4352xi32, #tpu.memory_space<vmem>>, vector<16xi32>,
      tpu.vector_store %arg9[%swap3A_338], %broadcast_in_dim3A_10 {strides = array<i32>} : memref<4352xi32, #tpu.memory_space<vmem>>, vector<16xi32>,
      %swap3A_340 = arith.constant 2400 : index
      %swap3A_341 = tpu.vector_load %arg9[%swap3A_340] {strides = array<i32>} : memref<4352xi32, #tpu.memory_space<vmem>>, vector<16xi32>,
      tpu.vector_store %arg9[%swap3A_340], %broadcast_in_dim3A_10 {strides = array<i32>} : memref<4352xi32, #tpu.memory_space<vmem>>, vector<16xi32>,
      %swap3A_342 = arith.constant 2416 : index
      %swap3A_343 = tpu.vector_load %arg9[%swap3A_342] {strides = array<i32>} : memref<4352xi32, #tpu.memory_space<vmem>>, vector<16xi32>,
      tpu.vector_store %arg9[%swap3A_342], %broadcast_in_dim3A_10 {strides = array<i32>} : memref<4352xi32, #tpu.memory_space<vmem>>, vector<16xi32>,
      %swap3A_344 = arith.constant 2432 : index
      %swap3A_345 = tpu.vector_load %arg9[%swap3A_344] {strides = array<i32>} : memref<4352xi32, #tpu.memory_space<vmem>>, vector<16xi32>,
      tpu.vector_store %arg9[%swap3A_344], %broadcast_in_dim3A_10 {strides = array<i32>} : memref<4352xi32, #tpu.memory_space<vmem>>, vector<16xi32>,
      %swap3A_346 = arith.constant 2448 : index
      %swap3A_347 = tpu.vector_load %arg9[%swap3A_346] {strides = array<i32>} : memref<4352xi32, #tpu.memory_space<vmem>>, vector<16xi32>,
      tpu.vector_store %arg9[%swap3A_346], %broadcast_in_dim3A_10 {strides = array<i32>} : memref<4352xi32, #tpu.memory_space<vmem>>, vector<16xi32>,
      %swap3A_348 = arith.constant 2464 : index
      %swap3A_349 = tpu.vector_load %arg9[%swap3A_348] {strides = array<i32>} : memref<4352xi32, #tpu.memory_space<vmem>>, vector<16xi32>,
      tpu.vector_store %arg9[%swap3A_348], %broadcast_in_dim3A_10 {strides = array<i32>} : memref<4352xi32, #tpu.memory_space<vmem>>, vector<16xi32>,
      %swap3A_350 = arith.constant 2480 : index
      %swap3A_351 = tpu.vector_load %arg9[%swap3A_350] {strides = array<i32>} : memref<4352xi32, #tpu.memory_space<vmem>>, vector<16xi32>,
      tpu.vector_store %arg9[%swap3A_350], %broadcast_in_dim3A_10 {strides = array<i32>} : memref<4352xi32, #tpu.memory_space<vmem>>, vector<16xi32>,
      %swap3A_352 = arith.constant 2496 : index
      %swap3A_353 = tpu.vector_load %arg9[%swap3A_352] {strides = array<i32>} : memref<4352xi32, #tpu.memory_space<vmem>>, vector<16xi32>,
      tpu.vector_store %arg9[%swap3A_352], %broadcast_in_dim3A_10 {strides = array<i32>} : memref<4352xi32, #tpu.memory_space<vmem>>, vector<16xi32>,
      %swap3A_354 = arith.constant 2512 : index
      %swap3A_355 = tpu.vector_load %arg9[%swap3A_354] {strides = array<i32>} : memref<4352xi32, #tpu.memory_space<vmem>>, vector<16xi32>,
      tpu.vector_store %arg9[%swap3A_354], %broadcast_in_dim3A_10 {strides = array<i32>} : memref<4352xi32, #tpu.memory_space<vmem>>, vector<16xi32>,
      %swap3A_356 = arith.constant 2528 : index
      %swap3A_357 = tpu.vector_load %arg9[%swap3A_356] {strides = array<i32>} : memref<4352xi32, #tpu.memory_space<vmem>>, vector<16xi32>,
      tpu.vector_store %arg9[%swap3A_356], %broadcast_in_dim3A_10 {strides = array<i32>} : memref<4352xi32, #tpu.memory_space<vmem>>, vector<16xi32>,
      %swap3A_358 = arith.constant 2544 : index
      %swap3A_359 = tpu.vector_load %arg9[%swap3A_358] {strides = array<i32>} : memref<4352xi32, #tpu.memory_space<vmem>>, vector<16xi32>,
      tpu.vector_store %arg9[%swap3A_358], %broadcast_in_dim3A_10 {strides = array<i32>} : memref<4352xi32, #tpu.memory_space<vmem>>, vector<16xi32>,
      %swap3A_360 = arith.constant 2560 : index
      %swap3A_361 = tpu.vector_load %arg9[%swap3A_360] {strides = array<i32>} : memref<4352xi32, #tpu.memory_space<vmem>>, vector<16xi32>,
      tpu.vector_store %arg9[%swap3A_360], %broadcast_in_dim3A_10 {strides = array<i32>} : memref<4352xi32, #tpu.memory_space<vmem>>, vector<16xi32>,
      %swap3A_362 = arith.constant 2576 : index
      %swap3A_363 = tpu.vector_load %arg9[%swap3A_362] {strides = array<i32>} : memref<4352xi32, #tpu.memory_space<vmem>>, vector<16xi32>,
      tpu.vector_store %arg9[%swap3A_362], %broadcast_in_dim3A_10 {strides = array<i32>} : memref<4352xi32, #tpu.memory_space<vmem>>, vector<16xi32>,
      %swap3A_364 = arith.constant 2592 : index
      %swap3A_365 = tpu.vector_load %arg9[%swap3A_364] {strides = array<i32>} : memref<4352xi32, #tpu.memory_space<vmem>>, vector<16xi32>,
      tpu.vector_store %arg9[%swap3A_364], %broadcast_in_dim3A_10 {strides = array<i32>} : memref<4352xi32, #tpu.memory_space<vmem>>, vector<16xi32>,
      %swap3A_366 = arith.constant 2608 : index
      %swap3A_367 = tpu.vector_load %arg9[%swap3A_366] {strides = array<i32>} : memref<4352xi32, #tpu.memory_space<vmem>>, vector<16xi32>,
      tpu.vector_store %arg9[%swap3A_366], %broadcast_in_dim3A_10 {strides = array<i32>} : memref<4352xi32, #tpu.memory_space<vmem>>, vector<16xi32>,
      %swap3A_368 = arith.constant 2624 : index
      %swap3A_369 = tpu.vector_load %arg9[%swap3A_368] {strides = array<i32>} : memref<4352xi32, #tpu.memory_space<vmem>>, vector<16xi32>,
      tpu.vector_store %arg9[%swap3A_368], %broadcast_in_dim3A_10 {strides = array<i32>} : memref<4352xi32, #tpu.memory_space<vmem>>, vector<16xi32>,
      %swap3A_370 = arith.constant 2640 : index
      %swap3A_371 = tpu.vector_load %arg9[%swap3A_370] {strides = array<i32>} : memref<4352xi32, #tpu.memory_space<vmem>>, vector<16xi32>,
      tpu.vector_store %arg9[%swap3A_370], %broadcast_in_dim3A_10 {strides = array<i32>} : memref<4352xi32, #tpu.memory_space<vmem>>, vector<16xi32>,
      %swap3A_372 = arith.constant 2656 : index
      %swap3A_373 = tpu.vector_load %arg9[%swap3A_372] {strides = array<i32>} : memref<4352xi32, #tpu.memory_space<vmem>>, vector<16xi32>,
      tpu.vector_store %arg9[%swap3A_372], %broadcast_in_dim3A_10 {strides = array<i32>} : memref<4352xi32, #tpu.memory_space<vmem>>, vector<16xi32>,
      %swap3A_374 = arith.constant 2672 : index
      %swap3A_375 = tpu.vector_load %arg9[%swap3A_374] {strides = array<i32>} : memref<4352xi32, #tpu.memory_space<vmem>>, vector<16xi32>,
      tpu.vector_store %arg9[%swap3A_374], %broadcast_in_dim3A_10 {strides = array<i32>} : memref<4352xi32, #tpu.memory_space<vmem>>, vector<16xi32>,
      %swap3A_376 = arith.constant 2688 : index
      %swap3A_377 = tpu.vector_load %arg9[%swap3A_376] {strides = array<i32>} : memref<4352xi32, #tpu.memory_space<vmem>>, vector<16xi32>,
      tpu.vector_store %arg9[%swap3A_376], %broadcast_in_dim3A_10 {strides = array<i32>} : memref<4352xi32, #tpu.memory_space<vmem>>, vector<16xi32>,
      %swap3A_378 = arith.constant 2704 : index
      %swap3A_379 = tpu.vector_load %arg9[%swap3A_378] {strides = array<i32>} : memref<4352xi32, #tpu.memory_space<vmem>>, vector<16xi32>,
      tpu.vector_store %arg9[%swap3A_378], %broadcast_in_dim3A_10 {strides = array<i32>} : memref<4352xi32, #tpu.memory_space<vmem>>, vector<16xi32>,
      %swap3A_380 = arith.constant 2720 : index
      %swap3A_381 = tpu.vector_load %arg9[%swap3A_380] {strides = array<i32>} : memref<4352xi32, #tpu.memory_space<vmem>>, vector<16xi32>,
      tpu.vector_store %arg9[%swap3A_380], %broadcast_in_dim3A_10 {strides = array<i32>} : memref<4352xi32, #tpu.memory_space<vmem>>, vector<16xi32>,
      %swap3A_382 = arith.constant 2736 : index
      %swap3A_383 = tpu.vector_load %arg9[%swap3A_382] {strides = array<i32>} : memref<4352xi32, #tpu.memory_space<vmem>>, vector<16xi32>,
      tpu.vector_store %arg9[%swap3A_382], %broadcast_in_dim3A_10 {strides = array<i32>} : memref<4352xi32, #tpu.memory_space<vmem>>, vector<16xi32>,
      %swap3A_384 = arith.constant 2752 : index
      %swap3A_385 = tpu.vector_load %arg9[%swap3A_384] {strides = array<i32>} : memref<4352xi32, #tpu.memory_space<vmem>>, vector<16xi32>,
      tpu.vector_store %arg9[%swap3A_384], %broadcast_in_dim3A_10 {strides = array<i32>} : memref<4352xi32, #tpu.memory_space<vmem>>, vector<16xi32>,
      %swap3A_386 = arith.constant 2768 : index
      %swap3A_387 = tpu.vector_load %arg9[%swap3A_386] {strides = array<i32>} : memref<4352xi32, #tpu.memory_space<vmem>>, vector<16xi32>,
      tpu.vector_store %arg9[%swap3A_386], %broadcast_in_dim3A_10 {strides = array<i32>} : memref<4352xi32, #tpu.memory_space<vmem>>, vector<16xi32>,
      %swap3A_388 = arith.constant 2784 : index
      %swap3A_389 = tpu.vector_load %arg9[%swap3A_388] {strides = array<i32>} : memref<4352xi32, #tpu.memory_space<vmem>>, vector<16xi32>,
      tpu.vector_store %arg9[%swap3A_388], %broadcast_in_dim3A_10 {strides = array<i32>} : memref<4352xi32, #tpu.memory_space<vmem>>, vector<16xi32>,
      %swap3A_390 = arith.constant 2800 : index
      %swap3A_391 = tpu.vector_load %arg9[%swap3A_390] {strides = array<i32>} : memref<4352xi32, #tpu.memory_space<vmem>>, vector<16xi32>,
      tpu.vector_store %arg9[%swap3A_390], %broadcast_in_dim3A_10 {strides = array<i32>} : memref<4352xi32, #tpu.memory_space<vmem>>, vector<16xi32>,
      %swap3A_392 = arith.constant 2816 : index
      %swap3A_393 = tpu.vector_load %arg9[%swap3A_392] {strides = array<i32>} : memref<4352xi32, #tpu.memory_space<vmem>>, vector<16xi32>,
      tpu.vector_store %arg9[%swap3A_392], %broadcast_in_dim3A_10 {strides = array<i32>} : memref<4352xi32, #tpu.memory_space<vmem>>, vector<16xi32>,
      %swap3A_394 = arith.constant 2832 : index
      %swap3A_395 = tpu.vector_load %arg9[%swap3A_394] {strides = array<i32>} : memref<4352xi32, #tpu.memory_space<vmem>>, vector<16xi32>,
      tpu.vector_store %arg9[%swap3A_394], %broadcast_in_dim3A_10 {strides = array<i32>} : memref<4352xi32, #tpu.memory_space<vmem>>, vector<16xi32>,
      %swap3A_396 = arith.constant 2848 : index
      %swap3A_397 = tpu.vector_load %arg9[%swap3A_396] {strides = array<i32>} : memref<4352xi32, #tpu.memory_space<vmem>>, vector<16xi32>,
      tpu.vector_store %arg9[%swap3A_396], %broadcast_in_dim3A_10 {strides = array<i32>} : memref<4352xi32, #tpu.memory_space<vmem>>, vector<16xi32>,
      %swap3A_398 = arith.constant 2864 : index
      %swap3A_399 = tpu.vector_load %arg9[%swap3A_398] {strides = array<i32>} : memref<4352xi32, #tpu.memory_space<vmem>>, vector<16xi32>,
      tpu.vector_store %arg9[%swap3A_398], %broadcast_in_dim3A_10 {strides = array<i32>} : memref<4352xi32, #tpu.memory_space<vmem>>, vector<16xi32>,
      %swap3A_400 = arith.constant 2880 : index
      %swap3A_401 = tpu.vector_load %arg9[%swap3A_400] {strides = array<i32>} : memref<4352xi32, #tpu.memory_space<vmem>>, vector<16xi32>,
      tpu.vector_store %arg9[%swap3A_400], %broadcast_in_dim3A_10 {strides = array<i32>} : memref<4352xi32, #tpu.memory_space<vmem>>, vector<16xi32>,
      %swap3A_402 = arith.constant 2896 : index
      %swap3A_403 = tpu.vector_load %arg9[%swap3A_402] {strides = array<i32>} : memref<4352xi32, #tpu.memory_space<vmem>>, vector<16xi32>,
      tpu.vector_store %arg9[%swap3A_402], %broadcast_in_dim3A_10 {strides = array<i32>} : memref<4352xi32, #tpu.memory_space<vmem>>, vector<16xi32>,
      %swap3A_404 = arith.constant 2912 : index
      %swap3A_405 = tpu.vector_load %arg9[%swap3A_404] {strides = array<i32>} : memref<4352xi32, #tpu.memory_space<vmem>>, vector<16xi32>,
      tpu.vector_store %arg9[%swap3A_404], %broadcast_in_dim3A_10 {strides = array<i32>} : memref<4352xi32, #tpu.memory_space<vmem>>, vector<16xi32>,
      %swap3A_406 = arith.constant 2928 : index
      %swap3A_407 = tpu.vector_load %arg9[%swap3A_406] {strides = array<i32>} : memref<4352xi32, #tpu.memory_space<vmem>>, vector<16xi32>,
      tpu.vector_store %arg9[%swap3A_406], %broadcast_in_dim3A_10 {strides = array<i32>} : memref<4352xi32, #tpu.memory_space<vmem>>, vector<16xi32>,
      %swap3A_408 = arith.constant 2944 : index
      %swap3A_409 = tpu.vector_load %arg9[%swap3A_408] {strides = array<i32>} : memref<4352xi32, #tpu.memory_space<vmem>>, vector<16xi32>,
      tpu.vector_store %arg9[%swap3A_408], %broadcast_in_dim3A_10 {strides = array<i32>} : memref<4352xi32, #tpu.memory_space<vmem>>, vector<16xi32>,
      %swap3A_410 = arith.constant 2960 : index
      %swap3A_411 = tpu.vector_load %arg9[%swap3A_410] {strides = array<i32>} : memref<4352xi32, #tpu.memory_space<vmem>>, vector<16xi32>,
      tpu.vector_store %arg9[%swap3A_410], %broadcast_in_dim3A_10 {strides = array<i32>} : memref<4352xi32, #tpu.memory_space<vmem>>, vector<16xi32>,
      %swap3A_412 = arith.constant 2976 : index
      %swap3A_413 = tpu.vector_load %arg9[%swap3A_412] {strides = array<i32>} : memref<4352xi32, #tpu.memory_space<vmem>>, vector<16xi32>,
      tpu.vector_store %arg9[%swap3A_412], %broadcast_in_dim3A_10 {strides = array<i32>} : memref<4352xi32, #tpu.memory_space<vmem>>, vector<16xi32>,
      %swap3A_414 = arith.constant 2992 : index
      %swap3A_415 = tpu.vector_load %arg9[%swap3A_414] {strides = array<i32>} : memref<4352xi32, #tpu.memory_space<vmem>>, vector<16xi32>,
      tpu.vector_store %arg9[%swap3A_414], %broadcast_in_dim3A_10 {strides = array<i32>} : memref<4352xi32, #tpu.memory_space<vmem>>, vector<16xi32>,
      %swap3A_416 = arith.constant 3008 : index
      %swap3A_417 = tpu.vector_load %arg9[%swap3A_416] {strides = array<i32>} : memref<4352xi32, #tpu.memory_space<vmem>>, vector<16xi32>,
      tpu.vector_store %arg9[%swap3A_416], %broadcast_in_dim3A_10 {strides = array<i32>} : memref<4352xi32, #tpu.memory_space<vmem>>, vector<16xi32>,
      %swap3A_418 = arith.constant 3024 : index
      %swap3A_419 = tpu.vector_load %arg9[%swap3A_418] {strides = array<i32>} : memref<4352xi32, #tpu.memory_space<vmem>>, vector<16xi32>,
      tpu.vector_store %arg9[%swap3A_418], %broadcast_in_dim3A_10 {strides = array<i32>} : memref<4352xi32, #tpu.memory_space<vmem>>, vector<16xi32>,
      %swap3A_420 = arith.constant 3040 : index
      %swap3A_421 = tpu.vector_load %arg9[%swap3A_420] {strides = array<i32>} : memref<4352xi32, #tpu.memory_space<vmem>>, vector<16xi32>,
      tpu.vector_store %arg9[%swap3A_420], %broadcast_in_dim3A_10 {strides = array<i32>} : memref<4352xi32, #tpu.memory_space<vmem>>, vector<16xi32>,
      %swap3A_422 = arith.constant 3056 : index
      %swap3A_423 = tpu.vector_load %arg9[%swap3A_422] {strides = array<i32>} : memref<4352xi32, #tpu.memory_space<vmem>>, vector<16xi32>,
      tpu.vector_store %arg9[%swap3A_422], %broadcast_in_dim3A_10 {strides = array<i32>} : memref<4352xi32, #tpu.memory_space<vmem>>, vector<16xi32>,
      %swap3A_424 = arith.constant 3072 : index
      %swap3A_425 = tpu.vector_load %arg9[%swap3A_424] {strides = array<i32>} : memref<4352xi32, #tpu.memory_space<vmem>>, vector<16xi32>,
      tpu.vector_store %arg9[%swap3A_424], %broadcast_in_dim3A_10 {strides = array<i32>} : memref<4352xi32, #tpu.memory_space<vmem>>, vector<16xi32>,
      %swap3A_426 = arith.constant 3088 : index
      %swap3A_427 = tpu.vector_load %arg9[%swap3A_426] {strides = array<i32>} : memref<4352xi32, #tpu.memory_space<vmem>>, vector<16xi32>,
      tpu.vector_store %arg9[%swap3A_426], %broadcast_in_dim3A_10 {strides = array<i32>} : memref<4352xi32, #tpu.memory_space<vmem>>, vector<16xi32>,
      %swap3A_428 = arith.constant 3104 : index
      %swap3A_429 = tpu.vector_load %arg9[%swap3A_428] {strides = array<i32>} : memref<4352xi32, #tpu.memory_space<vmem>>, vector<16xi32>,
      tpu.vector_store %arg9[%swap3A_428], %broadcast_in_dim3A_10 {strides = array<i32>} : memref<4352xi32, #tpu.memory_space<vmem>>, vector<16xi32>,
      %swap3A_430 = arith.constant 3120 : index
      %swap3A_431 = tpu.vector_load %arg9[%swap3A_430] {strides = array<i32>} : memref<4352xi32, #tpu.memory_space<vmem>>, vector<16xi32>,
      tpu.vector_store %arg9[%swap3A_430], %broadcast_in_dim3A_10 {strides = array<i32>} : memref<4352xi32, #tpu.memory_space<vmem>>, vector<16xi32>,
      %swap3A_432 = arith.constant 3136 : index
      %swap3A_433 = tpu.vector_load %arg9[%swap3A_432] {strides = array<i32>} : memref<4352xi32, #tpu.memory_space<vmem>>, vector<16xi32>,
      tpu.vector_store %arg9[%swap3A_432], %broadcast_in_dim3A_10 {strides = array<i32>} : memref<4352xi32, #tpu.memory_space<vmem>>, vector<16xi32>,
      %swap3A_434 = arith.constant 3152 : index
      %swap3A_435 = tpu.vector_load %arg9[%swap3A_434] {strides = array<i32>} : memref<4352xi32, #tpu.memory_space<vmem>>, vector<16xi32>,
      tpu.vector_store %arg9[%swap3A_434], %broadcast_in_dim3A_10 {strides = array<i32>} : memref<4352xi32, #tpu.memory_space<vmem>>, vector<16xi32>,
      %swap3A_436 = arith.constant 3168 : index
      %swap3A_437 = tpu.vector_load %arg9[%swap3A_436] {strides = array<i32>} : memref<4352xi32, #tpu.memory_space<vmem>>, vector<16xi32>,
      tpu.vector_store %arg9[%swap3A_436], %broadcast_in_dim3A_10 {strides = array<i32>} : memref<4352xi32, #tpu.memory_space<vmem>>, vector<16xi32>,
      %swap3A_438 = arith.constant 3184 : index
      %swap3A_439 = tpu.vector_load %arg9[%swap3A_438] {strides = array<i32>} : memref<4352xi32, #tpu.memory_space<vmem>>, vector<16xi32>,
      tpu.vector_store %arg9[%swap3A_438], %broadcast_in_dim3A_10 {strides = array<i32>} : memref<4352xi32, #tpu.memory_space<vmem>>, vector<16xi32>,
      %swap3A_440 = arith.constant 3200 : index
      %swap3A_441 = tpu.vector_load %arg9[%swap3A_440] {strides = array<i32>} : memref<4352xi32, #tpu.memory_space<vmem>>, vector<16xi32>,
      tpu.vector_store %arg9[%swap3A_440], %broadcast_in_dim3A_10 {strides = array<i32>} : memref<4352xi32, #tpu.memory_space<vmem>>, vector<16xi32>,
      %swap3A_442 = arith.constant 3216 : index
      %swap3A_443 = tpu.vector_load %arg9[%swap3A_442] {strides = array<i32>} : memref<4352xi32, #tpu.memory_space<vmem>>, vector<16xi32>,
      tpu.vector_store %arg9[%swap3A_442], %broadcast_in_dim3A_10 {strides = array<i32>} : memref<4352xi32, #tpu.memory_space<vmem>>, vector<16xi32>,
      %swap3A_444 = arith.constant 3232 : index
      %swap3A_445 = tpu.vector_load %arg9[%swap3A_444] {strides = array<i32>} : memref<4352xi32, #tpu.memory_space<vmem>>, vector<16xi32>,
      tpu.vector_store %arg9[%swap3A_444], %broadcast_in_dim3A_10 {strides = array<i32>} : memref<4352xi32, #tpu.memory_space<vmem>>, vector<16xi32>,
      %swap3A_446 = arith.constant 3248 : index
      %swap3A_447 = tpu.vector_load %arg9[%swap3A_446] {strides = array<i32>} : memref<4352xi32, #tpu.memory_space<vmem>>, vector<16xi32>,
      tpu.vector_store %arg9[%swap3A_446], %broadcast_in_dim3A_10 {strides = array<i32>} : memref<4352xi32, #tpu.memory_space<vmem>>, vector<16xi32>,
      %swap3A_448 = arith.constant 3264 : index
      %swap3A_449 = tpu.vector_load %arg9[%swap3A_448] {strides = array<i32>} : memref<4352xi32, #tpu.memory_space<vmem>>, vector<16xi32>,
      tpu.vector_store %arg9[%swap3A_448], %broadcast_in_dim3A_10 {strides = array<i32>} : memref<4352xi32, #tpu.memory_space<vmem>>, vector<16xi32>,
      %swap3A_450 = arith.constant 3280 : index
      %swap3A_451 = tpu.vector_load %arg9[%swap3A_450] {strides = array<i32>} : memref<4352xi32, #tpu.memory_space<vmem>>, vector<16xi32>,
      tpu.vector_store %arg9[%swap3A_450], %broadcast_in_dim3A_10 {strides = array<i32>} : memref<4352xi32, #tpu.memory_space<vmem>>, vector<16xi32>,
      %swap3A_452 = arith.constant 3296 : index
      %swap3A_453 = tpu.vector_load %arg9[%swap3A_452] {strides = array<i32>} : memref<4352xi32, #tpu.memory_space<vmem>>, vector<16xi32>,
      tpu.vector_store %arg9[%swap3A_452], %broadcast_in_dim3A_10 {strides = array<i32>} : memref<4352xi32, #tpu.memory_space<vmem>>, vector<16xi32>,
      %swap3A_454 = arith.constant 3312 : index
      %swap3A_455 = tpu.vector_load %arg9[%swap3A_454] {strides = array<i32>} : memref<4352xi32, #tpu.memory_space<vmem>>, vector<16xi32>,
      tpu.vector_store %arg9[%swap3A_454], %broadcast_in_dim3A_10 {strides = array<i32>} : memref<4352xi32, #tpu.memory_space<vmem>>, vector<16xi32>,
      %swap3A_456 = arith.constant 3328 : index
      %swap3A_457 = tpu.vector_load %arg9[%swap3A_456] {strides = array<i32>} : memref<4352xi32, #tpu.memory_space<vmem>>, vector<16xi32>,
      tpu.vector_store %arg9[%swap3A_456], %broadcast_in_dim3A_10 {strides = array<i32>} : memref<4352xi32, #tpu.memory_space<vmem>>, vector<16xi32>,
      %swap3A_458 = arith.constant 3344 : index
      %swap3A_459 = tpu.vector_load %arg9[%swap3A_458] {strides = array<i32>} : memref<4352xi32, #tpu.memory_space<vmem>>, vector<16xi32>,
      tpu.vector_store %arg9[%swap3A_458], %broadcast_in_dim3A_10 {strides = array<i32>} : memref<4352xi32, #tpu.memory_space<vmem>>, vector<16xi32>,
      %swap3A_460 = arith.constant 3360 : index
      %swap3A_461 = tpu.vector_load %arg9[%swap3A_460] {strides = array<i32>} : memref<4352xi32, #tpu.memory_space<vmem>>, vector<16xi32>,
      tpu.vector_store %arg9[%swap3A_460], %broadcast_in_dim3A_10 {strides = array<i32>} : memref<4352xi32, #tpu.memory_space<vmem>>, vector<16xi32>,
      %swap3A_462 = arith.constant 3376 : index
      %swap3A_463 = tpu.vector_load %arg9[%swap3A_462] {strides = array<i32>} : memref<4352xi32, #tpu.memory_space<vmem>>, vector<16xi32>,
      tpu.vector_store %arg9[%swap3A_462], %broadcast_in_dim3A_10 {strides = array<i32>} : memref<4352xi32, #tpu.memory_space<vmem>>, vector<16xi32>,
      %swap3A_464 = arith.constant 3392 : index
      %swap3A_465 = tpu.vector_load %arg9[%swap3A_464] {strides = array<i32>} : memref<4352xi32, #tpu.memory_space<vmem>>, vector<16xi32>,
      tpu.vector_store %arg9[%swap3A_464], %broadcast_in_dim3A_10 {strides = array<i32>} : memref<4352xi32, #tpu.memory_space<vmem>>, vector<16xi32>,
      %swap3A_466 = arith.constant 3408 : index
      %swap3A_467 = tpu.vector_load %arg9[%swap3A_466] {strides = array<i32>} : memref<4352xi32, #tpu.memory_space<vmem>>, vector<16xi32>,
      tpu.vector_store %arg9[%swap3A_466], %broadcast_in_dim3A_10 {strides = array<i32>} : memref<4352xi32, #tpu.memory_space<vmem>>, vector<16xi32>,
      %swap3A_468 = arith.constant 3424 : index
      %swap3A_469 = tpu.vector_load %arg9[%swap3A_468] {strides = array<i32>} : memref<4352xi32, #tpu.memory_space<vmem>>, vector<16xi32>,
      tpu.vector_store %arg9[%swap3A_468], %broadcast_in_dim3A_10 {strides = array<i32>} : memref<4352xi32, #tpu.memory_space<vmem>>, vector<16xi32>,
      %swap3A_470 = arith.constant 3440 : index
      %swap3A_471 = tpu.vector_load %arg9[%swap3A_470] {strides = array<i32>} : memref<4352xi32, #tpu.memory_space<vmem>>, vector<16xi32>,
      tpu.vector_store %arg9[%swap3A_470], %broadcast_in_dim3A_10 {strides = array<i32>} : memref<4352xi32, #tpu.memory_space<vmem>>, vector<16xi32>,
      %swap3A_472 = arith.constant 3456 : index
      %swap3A_473 = tpu.vector_load %arg9[%swap3A_472] {strides = array<i32>} : memref<4352xi32, #tpu.memory_space<vmem>>, vector<16xi32>,
      tpu.vector_store %arg9[%swap3A_472], %broadcast_in_dim3A_10 {strides = array<i32>} : memref<4352xi32, #tpu.memory_space<vmem>>, vector<16xi32>,
      %swap3A_474 = arith.constant 3472 : index
      %swap3A_475 = tpu.vector_load %arg9[%swap3A_474] {strides = array<i32>} : memref<4352xi32, #tpu.memory_space<vmem>>, vector<16xi32>,
      tpu.vector_store %arg9[%swap3A_474], %broadcast_in_dim3A_10 {strides = array<i32>} : memref<4352xi32, #tpu.memory_space<vmem>>, vector<16xi32>,
      %swap3A_476 = arith.constant 3488 : index
      %swap3A_477 = tpu.vector_load %arg9[%swap3A_476] {strides = array<i32>} : memref<4352xi32, #tpu.memory_space<vmem>>, vector<16xi32>,
      tpu.vector_store %arg9[%swap3A_476], %broadcast_in_dim3A_10 {strides = array<i32>} : memref<4352xi32, #tpu.memory_space<vmem>>, vector<16xi32>,
      %swap3A_478 = arith.constant 3504 : index
      %swap3A_479 = tpu.vector_load %arg9[%swap3A_478] {strides = array<i32>} : memref<4352xi32, #tpu.memory_space<vmem>>, vector<16xi32>,
      tpu.vector_store %arg9[%swap3A_478], %broadcast_in_dim3A_10 {strides = array<i32>} : memref<4352xi32, #tpu.memory_space<vmem>>, vector<16xi32>,
      %swap3A_480 = arith.constant 3520 : index
      %swap3A_481 = tpu.vector_load %arg9[%swap3A_480] {strides = array<i32>} : memref<4352xi32, #tpu.memory_space<vmem>>, vector<16xi32>,
      tpu.vector_store %arg9[%swap3A_480], %broadcast_in_dim3A_10 {strides = array<i32>} : memref<4352xi32, #tpu.memory_space<vmem>>, vector<16xi32>,
      %swap3A_482 = arith.constant 3536 : index
      %swap3A_483 = tpu.vector_load %arg9[%swap3A_482] {strides = array<i32>} : memref<4352xi32, #tpu.memory_space<vmem>>, vector<16xi32>,
      tpu.vector_store %arg9[%swap3A_482], %broadcast_in_dim3A_10 {strides = array<i32>} : memref<4352xi32, #tpu.memory_space<vmem>>, vector<16xi32>,
      %swap3A_484 = arith.constant 3552 : index
      %swap3A_485 = tpu.vector_load %arg9[%swap3A_484] {strides = array<i32>} : memref<4352xi32, #tpu.memory_space<vmem>>, vector<16xi32>,
      tpu.vector_store %arg9[%swap3A_484], %broadcast_in_dim3A_10 {strides = array<i32>} : memref<4352xi32, #tpu.memory_space<vmem>>, vector<16xi32>,
      %swap3A_486 = arith.constant 3568 : index
      %swap3A_487 = tpu.vector_load %arg9[%swap3A_486] {strides = array<i32>} : memref<4352xi32, #tpu.memory_space<vmem>>, vector<16xi32>,
      tpu.vector_store %arg9[%swap3A_486], %broadcast_in_dim3A_10 {strides = array<i32>} : memref<4352xi32, #tpu.memory_space<vmem>>, vector<16xi32>,
      %swap3A_488 = arith.constant 3584 : index
      %swap3A_489 = tpu.vector_load %arg9[%swap3A_488] {strides = array<i32>} : memref<4352xi32, #tpu.memory_space<vmem>>, vector<16xi32>,
      tpu.vector_store %arg9[%swap3A_488], %broadcast_in_dim3A_10 {strides = array<i32>} : memref<4352xi32, #tpu.memory_space<vmem>>, vector<16xi32>,
      %swap3A_490 = arith.constant 3600 : index
      %swap3A_491 = tpu.vector_load %arg9[%swap3A_490] {strides = array<i32>} : memref<4352xi32, #tpu.memory_space<vmem>>, vector<16xi32>,
      tpu.vector_store %arg9[%swap3A_490], %broadcast_in_dim3A_10 {strides = array<i32>} : memref<4352xi32, #tpu.memory_space<vmem>>, vector<16xi32>,
      %swap3A_492 = arith.constant 3616 : index
      %swap3A_493 = tpu.vector_load %arg9[%swap3A_492] {strides = array<i32>} : memref<4352xi32, #tpu.memory_space<vmem>>, vector<16xi32>,
      tpu.vector_store %arg9[%swap3A_492], %broadcast_in_dim3A_10 {strides = array<i32>} : memref<4352xi32, #tpu.memory_space<vmem>>, vector<16xi32>,
      %swap3A_494 = arith.constant 3632 : index
      %swap3A_495 = tpu.vector_load %arg9[%swap3A_494] {strides = array<i32>} : memref<4352xi32, #tpu.memory_space<vmem>>, vector<16xi32>,
      tpu.vector_store %arg9[%swap3A_494], %broadcast_in_dim3A_10 {strides = array<i32>} : memref<4352xi32, #tpu.memory_space<vmem>>, vector<16xi32>,
      %swap3A_496 = arith.constant 3648 : index
      %swap3A_497 = tpu.vector_load %arg9[%swap3A_496] {strides = array<i32>} : memref<4352xi32, #tpu.memory_space<vmem>>, vector<16xi32>,
      tpu.vector_store %arg9[%swap3A_496], %broadcast_in_dim3A_10 {strides = array<i32>} : memref<4352xi32, #tpu.memory_space<vmem>>, vector<16xi32>,
      %swap3A_498 = arith.constant 3664 : index
      %swap3A_499 = tpu.vector_load %arg9[%swap3A_498] {strides = array<i32>} : memref<4352xi32, #tpu.memory_space<vmem>>, vector<16xi32>,
      tpu.vector_store %arg9[%swap3A_498], %broadcast_in_dim3A_10 {strides = array<i32>} : memref<4352xi32, #tpu.memory_space<vmem>>, vector<16xi32>,
      %swap3A_500 = arith.constant 3680 : index
      %swap3A_501 = tpu.vector_load %arg9[%swap3A_500] {strides = array<i32>} : memref<4352xi32, #tpu.memory_space<vmem>>, vector<16xi32>,
      tpu.vector_store %arg9[%swap3A_500], %broadcast_in_dim3A_10 {strides = array<i32>} : memref<4352xi32, #tpu.memory_space<vmem>>, vector<16xi32>,
      %swap3A_502 = arith.constant 3696 : index
      %swap3A_503 = tpu.vector_load %arg9[%swap3A_502] {strides = array<i32>} : memref<4352xi32, #tpu.memory_space<vmem>>, vector<16xi32>,
      tpu.vector_store %arg9[%swap3A_502], %broadcast_in_dim3A_10 {strides = array<i32>} : memref<4352xi32, #tpu.memory_space<vmem>>, vector<16xi32>,
      %swap3A_504 = arith.constant 3712 : index
      %swap3A_505 = tpu.vector_load %arg9[%swap3A_504] {strides = array<i32>} : memref<4352xi32, #tpu.memory_space<vmem>>, vector<16xi32>,
      tpu.vector_store %arg9[%swap3A_504], %broadcast_in_dim3A_10 {strides = array<i32>} : memref<4352xi32, #tpu.memory_space<vmem>>, vector<16xi32>,
      %swap3A_506 = arith.constant 3728 : index
      %swap3A_507 = tpu.vector_load %arg9[%swap3A_506] {strides = array<i32>} : memref<4352xi32, #tpu.memory_space<vmem>>, vector<16xi32>,
      tpu.vector_store %arg9[%swap3A_506], %broadcast_in_dim3A_10 {strides = array<i32>} : memref<4352xi32, #tpu.memory_space<vmem>>, vector<16xi32>,
      %swap3A_508 = arith.constant 3744 : index
      %swap3A_509 = tpu.vector_load %arg9[%swap3A_508] {strides = array<i32>} : memref<4352xi32, #tpu.memory_space<vmem>>, vector<16xi32>,
      tpu.vector_store %arg9[%swap3A_508], %broadcast_in_dim3A_10 {strides = array<i32>} : memref<4352xi32, #tpu.memory_space<vmem>>, vector<16xi32>,
      %swap3A_510 = arith.constant 3760 : index
      %swap3A_511 = tpu.vector_load %arg9[%swap3A_510] {strides = array<i32>} : memref<4352xi32, #tpu.memory_space<vmem>>, vector<16xi32>,
      tpu.vector_store %arg9[%swap3A_510], %broadcast_in_dim3A_10 {strides = array<i32>} : memref<4352xi32, #tpu.memory_space<vmem>>, vector<16xi32>,
      %swap3A_512 = arith.constant 3776 : index
      %swap3A_513 = tpu.vector_load %arg9[%swap3A_512] {strides = array<i32>} : memref<4352xi32, #tpu.memory_space<vmem>>, vector<16xi32>,
      tpu.vector_store %arg9[%swap3A_512], %broadcast_in_dim3A_10 {strides = array<i32>} : memref<4352xi32, #tpu.memory_space<vmem>>, vector<16xi32>,
      %swap3A_514 = arith.constant 3792 : index
      %swap3A_515 = tpu.vector_load %arg9[%swap3A_514] {strides = array<i32>} : memref<4352xi32, #tpu.memory_space<vmem>>, vector<16xi32>,
      tpu.vector_store %arg9[%swap3A_514], %broadcast_in_dim3A_10 {strides = array<i32>} : memref<4352xi32, #tpu.memory_space<vmem>>, vector<16xi32>,
      %swap3A_516 = arith.constant 3808 : index
      %swap3A_517 = tpu.vector_load %arg9[%swap3A_516] {strides = array<i32>} : memref<4352xi32, #tpu.memory_space<vmem>>, vector<16xi32>,
      tpu.vector_store %arg9[%swap3A_516], %broadcast_in_dim3A_10 {strides = array<i32>} : memref<4352xi32, #tpu.memory_space<vmem>>, vector<16xi32>,
      %swap3A_518 = arith.constant 3824 : index
      %swap3A_519 = tpu.vector_load %arg9[%swap3A_518] {strides = array<i32>} : memref<4352xi32, #tpu.memory_space<vmem>>, vector<16xi32>,
      tpu.vector_store %arg9[%swap3A_518], %broadcast_in_dim3A_10 {strides = array<i32>} : memref<4352xi32, #tpu.memory_space<vmem>>, vector<16xi32>,
      %swap3A_520 = arith.constant 3840 : index
      %swap3A_521 = tpu.vector_load %arg9[%swap3A_520] {strides = array<i32>} : memref<4352xi32, #tpu.memory_space<vmem>>, vector<16xi32>,
      tpu.vector_store %arg9[%swap3A_520], %broadcast_in_dim3A_10 {strides = array<i32>} : memref<4352xi32, #tpu.memory_space<vmem>>, vector<16xi32>,
      %swap3A_522 = arith.constant 3856 : index
      %swap3A_523 = tpu.vector_load %arg9[%swap3A_522] {strides = array<i32>} : memref<4352xi32, #tpu.memory_space<vmem>>, vector<16xi32>,
      tpu.vector_store %arg9[%swap3A_522], %broadcast_in_dim3A_10 {strides = array<i32>} : memref<4352xi32, #tpu.memory_space<vmem>>, vector<16xi32>,
      %swap3A_524 = arith.constant 3872 : index
      %swap3A_525 = tpu.vector_load %arg9[%swap3A_524] {strides = array<i32>} : memref<4352xi32, #tpu.memory_space<vmem>>, vector<16xi32>,
      tpu.vector_store %arg9[%swap3A_524], %broadcast_in_dim3A_10 {strides = array<i32>} : memref<4352xi32, #tpu.memory_space<vmem>>, vector<16xi32>,
      %swap3A_526 = arith.constant 3888 : index
      %swap3A_527 = tpu.vector_load %arg9[%swap3A_526] {strides = array<i32>} : memref<4352xi32, #tpu.memory_space<vmem>>, vector<16xi32>,
      tpu.vector_store %arg9[%swap3A_526], %broadcast_in_dim3A_10 {strides = array<i32>} : memref<4352xi32, #tpu.memory_space<vmem>>, vector<16xi32>,
      %swap3A_528 = arith.constant 3904 : index
      %swap3A_529 = tpu.vector_load %arg9[%swap3A_528] {strides = array<i32>} : memref<4352xi32, #tpu.memory_space<vmem>>, vector<16xi32>,
      tpu.vector_store %arg9[%swap3A_528], %broadcast_in_dim3A_10 {strides = array<i32>} : memref<4352xi32, #tpu.memory_space<vmem>>, vector<16xi32>,
      %swap3A_530 = arith.constant 3920 : index
      %swap3A_531 = tpu.vector_load %arg9[%swap3A_530] {strides = array<i32>} : memref<4352xi32, #tpu.memory_space<vmem>>, vector<16xi32>,
      tpu.vector_store %arg9[%swap3A_530], %broadcast_in_dim3A_10 {strides = array<i32>} : memref<4352xi32, #tpu.memory_space<vmem>>, vector<16xi32>,
      %swap3A_532 = arith.constant 3936 : index
      %swap3A_533 = tpu.vector_load %arg9[%swap3A_532] {strides = array<i32>} : memref<4352xi32, #tpu.memory_space<vmem>>, vector<16xi32>,
      tpu.vector_store %arg9[%swap3A_532], %broadcast_in_dim3A_10 {strides = array<i32>} : memref<4352xi32, #tpu.memory_space<vmem>>, vector<16xi32>,
      %swap3A_534 = arith.constant 3952 : index
      %swap3A_535 = tpu.vector_load %arg9[%swap3A_534] {strides = array<i32>} : memref<4352xi32, #tpu.memory_space<vmem>>, vector<16xi32>,
      tpu.vector_store %arg9[%swap3A_534], %broadcast_in_dim3A_10 {strides = array<i32>} : memref<4352xi32, #tpu.memory_space<vmem>>, vector<16xi32>,
      %swap3A_536 = arith.constant 3968 : index
      %swap3A_537 = tpu.vector_load %arg9[%swap3A_536] {strides = array<i32>} : memref<4352xi32, #tpu.memory_space<vmem>>, vector<16xi32>,
      tpu.vector_store %arg9[%swap3A_536], %broadcast_in_dim3A_10 {strides = array<i32>} : memref<4352xi32, #tpu.memory_space<vmem>>, vector<16xi32>,
      %swap3A_538 = arith.constant 3984 : index
      %swap3A_539 = tpu.vector_load %arg9[%swap3A_538] {strides = array<i32>} : memref<4352xi32, #tpu.memory_space<vmem>>, vector<16xi32>,
      tpu.vector_store %arg9[%swap3A_538], %broadcast_in_dim3A_10 {strides = array<i32>} : memref<4352xi32, #tpu.memory_space<vmem>>, vector<16xi32>,
      %swap3A_540 = arith.constant 4000 : index
      %swap3A_541 = tpu.vector_load %arg9[%swap3A_540] {strides = array<i32>} : memref<4352xi32, #tpu.memory_space<vmem>>, vector<16xi32>,
      tpu.vector_store %arg9[%swap3A_540], %broadcast_in_dim3A_10 {strides = array<i32>} : memref<4352xi32, #tpu.memory_space<vmem>>, vector<16xi32>,
      %swap3A_542 = arith.constant 4016 : index
      %swap3A_543 = tpu.vector_load %arg9[%swap3A_542] {strides = array<i32>} : memref<4352xi32, #tpu.memory_space<vmem>>, vector<16xi32>,
      tpu.vector_store %arg9[%swap3A_542], %broadcast_in_dim3A_10 {strides = array<i32>} : memref<4352xi32, #tpu.memory_space<vmem>>, vector<16xi32>,
      %swap3A_544 = arith.constant 4032 : index
      %swap3A_545 = tpu.vector_load %arg9[%swap3A_544] {strides = array<i32>} : memref<4352xi32, #tpu.memory_space<vmem>>, vector<16xi32>,
      tpu.vector_store %arg9[%swap3A_544], %broadcast_in_dim3A_10 {strides = array<i32>} : memref<4352xi32, #tpu.memory_space<vmem>>, vector<16xi32>,
      %swap3A_546 = arith.constant 4048 : index
      %swap3A_547 = tpu.vector_load %arg9[%swap3A_546] {strides = array<i32>} : memref<4352xi32, #tpu.memory_space<vmem>>, vector<16xi32>,
      tpu.vector_store %arg9[%swap3A_546], %broadcast_in_dim3A_10 {strides = array<i32>} : memref<4352xi32, #tpu.memory_space<vmem>>, vector<16xi32>,
      %swap3A_548 = arith.constant 4064 : index
      %swap3A_549 = tpu.vector_load %arg9[%swap3A_548] {strides = array<i32>} : memref<4352xi32, #tpu.memory_space<vmem>>, vector<16xi32>,
      tpu.vector_store %arg9[%swap3A_548], %broadcast_in_dim3A_10 {strides = array<i32>} : memref<4352xi32, #tpu.memory_space<vmem>>, vector<16xi32>,
      %swap3A_550 = arith.constant 4080 : index
      %swap3A_551 = tpu.vector_load %arg9[%swap3A_550] {strides = array<i32>} : memref<4352xi32, #tpu.memory_space<vmem>>, vector<16xi32>,
      tpu.vector_store %arg9[%swap3A_550], %broadcast_in_dim3A_10 {strides = array<i32>} : memref<4352xi32, #tpu.memory_space<vmem>>, vector<16xi32>,
      %swap3A_552 = arith.constant 4096 : index
      %swap3A_553 = tpu.vector_load %arg9[%swap3A_552] {strides = array<i32>} : memref<4352xi32, #tpu.memory_space<vmem>>, vector<16xi32>,
      tpu.vector_store %arg9[%swap3A_552], %broadcast_in_dim3A_10 {strides = array<i32>} : memref<4352xi32, #tpu.memory_space<vmem>>, vector<16xi32>,
      %swap3A_554 = arith.constant 4112 : index
      %swap3A_555 = tpu.vector_load %arg9[%swap3A_554] {strides = array<i32>} : memref<4352xi32, #tpu.memory_space<vmem>>, vector<16xi32>,
      tpu.vector_store %arg9[%swap3A_554], %broadcast_in_dim3A_10 {strides = array<i32>} : memref<4352xi32, #tpu.memory_space<vmem>>, vector<16xi32>,
      %swap3A_556 = arith.constant 4128 : index
      %swap3A_557 = tpu.vector_load %arg9[%swap3A_556] {strides = array<i32>} : memref<4352xi32, #tpu.memory_space<vmem>>, vector<16xi32>,
      tpu.vector_store %arg9[%swap3A_556], %broadcast_in_dim3A_10 {strides = array<i32>} : memref<4352xi32, #tpu.memory_space<vmem>>, vector<16xi32>,
      %swap3A_558 = arith.constant 4144 : index
      %swap3A_559 = tpu.vector_load %arg9[%swap3A_558] {strides = array<i32>} : memref<4352xi32, #tpu.memory_space<vmem>>, vector<16xi32>,
      tpu.vector_store %arg9[%swap3A_558], %broadcast_in_dim3A_10 {strides = array<i32>} : memref<4352xi32, #tpu.memory_space<vmem>>, vector<16xi32>,
      %swap3A_560 = arith.constant 4160 : index
      %swap3A_561 = tpu.vector_load %arg9[%swap3A_560] {strides = array<i32>} : memref<4352xi32, #tpu.memory_space<vmem>>, vector<16xi32>,
      tpu.vector_store %arg9[%swap3A_560], %broadcast_in_dim3A_10 {strides = array<i32>} : memref<4352xi32, #tpu.memory_space<vmem>>, vector<16xi32>,
      %swap3A_562 = arith.constant 4176 : index
      %swap3A_563 = tpu.vector_load %arg9[%swap3A_562] {strides = array<i32>} : memref<4352xi32, #tpu.memory_space<vmem>>, vector<16xi32>,
      tpu.vector_store %arg9[%swap3A_562], %broadcast_in_dim3A_10 {strides = array<i32>} : memref<4352xi32, #tpu.memory_space<vmem>>, vector<16xi32>,
      %swap3A_564 = arith.constant 4192 : index
      %swap3A_565 = tpu.vector_load %arg9[%swap3A_564] {strides = array<i32>} : memref<4352xi32, #tpu.memory_space<vmem>>, vector<16xi32>,
      tpu.vector_store %arg9[%swap3A_564], %broadcast_in_dim3A_10 {strides = array<i32>} : memref<4352xi32, #tpu.memory_space<vmem>>, vector<16xi32>,
      %swap3A_566 = arith.constant 4208 : index
      %swap3A_567 = tpu.vector_load %arg9[%swap3A_566] {strides = array<i32>} : memref<4352xi32, #tpu.memory_space<vmem>>, vector<16xi32>,
      tpu.vector_store %arg9[%swap3A_566], %broadcast_in_dim3A_10 {strides = array<i32>} : memref<4352xi32, #tpu.memory_space<vmem>>, vector<16xi32>,
      %swap3A_568 = arith.constant 4224 : index
      %swap3A_569 = tpu.vector_load %arg9[%swap3A_568] {strides = array<i32>} : memref<4352xi32, #tpu.memory_space<vmem>>, vector<16xi32>,
      tpu.vector_store %arg9[%swap3A_568], %broadcast_in_dim3A_10 {strides = array<i32>} : memref<4352xi32, #tpu.memory_space<vmem>>, vector<16xi32>,
      %swap3A_570 = arith.constant 4240 : index
      %swap3A_571 = tpu.vector_load %arg9[%swap3A_570] {strides = array<i32>} : memref<4352xi32, #tpu.memory_space<vmem>>, vector<16xi32>,
      tpu.vector_store %arg9[%swap3A_570], %broadcast_in_dim3A_10 {strides = array<i32>} : memref<4352xi32, #tpu.memory_space<vmem>>, vector<16xi32>,
      %swap3A_572 = arith.constant 4256 : index
      %swap3A_573 = tpu.vector_load %arg9[%swap3A_572] {strides = array<i32>} : memref<4352xi32, #tpu.memory_space<vmem>>, vector<16xi32>,
      tpu.vector_store %arg9[%swap3A_572], %broadcast_in_dim3A_10 {strides = array<i32>} : memref<4352xi32, #tpu.memory_space<vmem>>, vector<16xi32>,
      %swap3A_574 = arith.constant 4272 : index
      %swap3A_575 = tpu.vector_load %arg9[%swap3A_574] {strides = array<i32>} : memref<4352xi32, #tpu.memory_space<vmem>>, vector<16xi32>,
      tpu.vector_store %arg9[%swap3A_574], %broadcast_in_dim3A_10 {strides = array<i32>} : memref<4352xi32, #tpu.memory_space<vmem>>, vector<16xi32>,
      %swap3A_576 = arith.constant 4288 : index
      %swap3A_577 = tpu.vector_load %arg9[%swap3A_576] {strides = array<i32>} : memref<4352xi32, #tpu.memory_space<vmem>>, vector<16xi32>,
      tpu.vector_store %arg9[%swap3A_576], %broadcast_in_dim3A_10 {strides = array<i32>} : memref<4352xi32, #tpu.memory_space<vmem>>, vector<16xi32>,
      %swap3A_578 = arith.constant 4304 : index
      %swap3A_579 = tpu.vector_load %arg9[%swap3A_578] {strides = array<i32>} : memref<4352xi32, #tpu.memory_space<vmem>>, vector<16xi32>,
      tpu.vector_store %arg9[%swap3A_578], %broadcast_in_dim3A_10 {strides = array<i32>} : memref<4352xi32, #tpu.memory_space<vmem>>, vector<16xi32>,
      %swap3A_580 = arith.constant 4320 : index
      %swap3A_581 = tpu.vector_load %arg9[%swap3A_580] {strides = array<i32>} : memref<4352xi32, #tpu.memory_space<vmem>>, vector<16xi32>,
      tpu.vector_store %arg9[%swap3A_580], %broadcast_in_dim3A_10 {strides = array<i32>} : memref<4352xi32, #tpu.memory_space<vmem>>, vector<16xi32>,
      %swap3A_582 = arith.constant 4336 : index
      %swap3A_583 = tpu.vector_load %arg9[%swap3A_582] {strides = array<i32>} : memref<4352xi32, #tpu.memory_space<vmem>>, vector<16xi32>,
      tpu.vector_store %arg9[%swap3A_582], %broadcast_in_dim3A_10 {strides = array<i32>} : memref<4352xi32, #tpu.memory_space<vmem>>, vector<16xi32>,
      %parallel_loop3A = arith.constant 0 : i32
      %parallel_loop3A_584 = arith.constant 160 : i32
      %parallel_loop3A_585 = arith.constant 1 : i32
      scf.for %parallel_loop3A_816 = %parallel_loop3A to %parallel_loop3A_584 step %parallel_loop3A_585  : i32 {
        %parallel_loop3A_817 = arith.constant 64 : i32
        %parallel_loop3A_818 = arith.muli %parallel_loop3A_816, %parallel_loop3A_817 : i32
        %parallel_loop3A_819 = arith.addi %mul3A_29, %parallel_loop3A_818 : i32
        %parallel_loop3A_820 = arith.constant 0 : i32
        %parallel_loop3A_821 = arith.addi %parallel_loop3A_819, %parallel_loop3A_820 : i32
        %parallel_loop3A_822 = arith.index_cast %parallel_loop3A_821 : i32 to index
        %parallel_loop3A_823 = tpu.vector_load %arg6[%parallel_loop3A_822] {strides = array<i32>} : memref<20480xi32, #tpu.memory_space<vmem>>, vector<16xi32>,
        %parallel_loop3A_824 = arith.constant 22 : i32
        %parallel_loop3A_825 = vector.broadcast %parallel_loop3A_824 : i32 to vector<16xi32>
        %parallel_loop3A_826 = arith.shrui %parallel_loop3A_823, %parallel_loop3A_825 : vector<16xi32>
        %parallel_loop3A_827 = arith.constant 271 : i32
        %parallel_loop3A_828 = vector.broadcast %parallel_loop3A_827 : i32 to vector<16xi32>
        %parallel_loop3A_829 = arith.minsi %parallel_loop3A_826, %parallel_loop3A_828 : vector<16xi32>
        %parallel_loop3A_830 = arith.addi %mul3A_7, %parallel_loop3A_829 : vector<16xi32>
        tpu.vector_store_idx %arg9[%parallel_loop3A_830], %broadcast_in_dim3A_8 {add = true} : memref<4352xi32, #tpu.memory_space<vmem>>[vector<16xi32>], vector<16xi32>,
        %parallel_loop3A_831 = arith.constant 16 : i32
        %parallel_loop3A_832 = arith.addi %parallel_loop3A_819, %parallel_loop3A_831 : i32
        %parallel_loop3A_833 = arith.index_cast %parallel_loop3A_832 : i32 to index
        %parallel_loop3A_834 = tpu.vector_load %arg6[%parallel_loop3A_833] {strides = array<i32>} : memref<20480xi32, #tpu.memory_space<vmem>>, vector<16xi32>,
        %parallel_loop3A_835 = arith.constant 22 : i32
        %parallel_loop3A_836 = vector.broadcast %parallel_loop3A_835 : i32 to vector<16xi32>
        %parallel_loop3A_837 = arith.shrui %parallel_loop3A_834, %parallel_loop3A_836 : vector<16xi32>
        %parallel_loop3A_838 = arith.constant 271 : i32
        %parallel_loop3A_839 = vector.broadcast %parallel_loop3A_838 : i32 to vector<16xi32>
        %parallel_loop3A_840 = arith.minsi %parallel_loop3A_837, %parallel_loop3A_839 : vector<16xi32>
        %parallel_loop3A_841 = arith.addi %mul3A_7, %parallel_loop3A_840 : vector<16xi32>
        tpu.vector_store_idx %arg9[%parallel_loop3A_841], %broadcast_in_dim3A_8 {add = true} : memref<4352xi32, #tpu.memory_space<vmem>>[vector<16xi32>], vector<16xi32>,
        %parallel_loop3A_842 = arith.constant 32 : i32
        %parallel_loop3A_843 = arith.addi %parallel_loop3A_819, %parallel_loop3A_842 : i32
        %parallel_loop3A_844 = arith.index_cast %parallel_loop3A_843 : i32 to index
        %parallel_loop3A_845 = tpu.vector_load %arg6[%parallel_loop3A_844] {strides = array<i32>} : memref<20480xi32, #tpu.memory_space<vmem>>, vector<16xi32>,
        %parallel_loop3A_846 = arith.constant 22 : i32
        %parallel_loop3A_847 = vector.broadcast %parallel_loop3A_846 : i32 to vector<16xi32>
        %parallel_loop3A_848 = arith.shrui %parallel_loop3A_845, %parallel_loop3A_847 : vector<16xi32>
        %parallel_loop3A_849 = arith.constant 271 : i32
        %parallel_loop3A_850 = vector.broadcast %parallel_loop3A_849 : i32 to vector<16xi32>
        %parallel_loop3A_851 = arith.minsi %parallel_loop3A_848, %parallel_loop3A_850 : vector<16xi32>
        %parallel_loop3A_852 = arith.addi %mul3A_7, %parallel_loop3A_851 : vector<16xi32>
        tpu.vector_store_idx %arg9[%parallel_loop3A_852], %broadcast_in_dim3A_8 {add = true} : memref<4352xi32, #tpu.memory_space<vmem>>[vector<16xi32>], vector<16xi32>,
        %parallel_loop3A_853 = arith.constant 48 : i32
        %parallel_loop3A_854 = arith.addi %parallel_loop3A_819, %parallel_loop3A_853 : i32
        %parallel_loop3A_855 = arith.index_cast %parallel_loop3A_854 : i32 to index
        %parallel_loop3A_856 = tpu.vector_load %arg6[%parallel_loop3A_855] {strides = array<i32>} : memref<20480xi32, #tpu.memory_space<vmem>>, vector<16xi32>,
        %parallel_loop3A_857 = arith.constant 22 : i32
        %parallel_loop3A_858 = vector.broadcast %parallel_loop3A_857 : i32 to vector<16xi32>
        %parallel_loop3A_859 = arith.shrui %parallel_loop3A_856, %parallel_loop3A_858 : vector<16xi32>
        %parallel_loop3A_860 = arith.constant 271 : i32
        %parallel_loop3A_861 = vector.broadcast %parallel_loop3A_860 : i32 to vector<16xi32>
        %parallel_loop3A_862 = arith.minsi %parallel_loop3A_859, %parallel_loop3A_861 : vector<16xi32>
        %parallel_loop3A_863 = arith.addi %mul3A_7, %parallel_loop3A_862 : vector<16xi32>
        tpu.vector_store_idx %arg9[%parallel_loop3A_863], %broadcast_in_dim3A_8 {add = true} : memref<4352xi32, #tpu.memory_space<vmem>>[vector<16xi32>], vector<16xi32>,
      } {sc.loop_unroll_factor = 2 : i64, sc.parallel_access}
      %scan3A_586 = arith.constant 0 : i32
      %scan3A_587 = arith.constant 9999 : i32
      %scan3A_588 = arith.constant 0 : i32
      %scan3A_589 = arith.constant 17 : i32
      %scan3A_590 = arith.addi %scan3A_588, %scan3A_589 : i32
      %scan3A_591 = arith.constant 1 : i32
      %scan3A_592:2 = scf.for %scan3A_816 = %scan3A_588 to %scan3A_590 step %scan3A_591 iter_args(%scan3A_817 = %scan3A_586, %scan3A_818 = %scan3A_587) -> (i32, i32)  : i32 {
        %mul3A_819 = arith.constant 16 : i32
        %mul3A_820 = arith.muli %scan3A_816, %mul3A_819 : i32
        %add3A_821 = arith.constant 0 : i32
        %add3A_822 = arith.addi %add3A_821, %mul3A_820 : i32
        %get3A_823 = arith.index_cast %add3A_822 : i32 to index
        %get3A_824 = tpu.vector_load %arg9[%get3A_823] {strides = array<i32>} : memref<4352xi32, #tpu.memory_space<vmem>>, vector<16xi32>,
        %add3A_825 = arith.addi %broadcast_in_dim3A_10, %get3A_824 : vector<16xi32>
        %mul3A_826 = arith.constant 16 : i32
        %mul3A_827 = arith.muli %scan3A_816, %mul3A_826 : i32
        %add3A_828 = arith.constant 272 : i32
        %add3A_829 = arith.addi %add3A_828, %mul3A_827 : i32
        %get3A_830 = arith.index_cast %add3A_829 : i32 to index
        %get3A_831 = tpu.vector_load %arg9[%get3A_830] {strides = array<i32>} : memref<4352xi32, #tpu.memory_space<vmem>>, vector<16xi32>,
        %add3A_832 = arith.addi %add3A_825, %get3A_831 : vector<16xi32>
        %mul3A_833 = arith.constant 16 : i32
        %mul3A_834 = arith.muli %scan3A_816, %mul3A_833 : i32
        %add3A_835 = arith.constant 544 : i32
        %add3A_836 = arith.addi %add3A_835, %mul3A_834 : i32
        %get3A_837 = arith.index_cast %add3A_836 : i32 to index
        %get3A_838 = tpu.vector_load %arg9[%get3A_837] {strides = array<i32>} : memref<4352xi32, #tpu.memory_space<vmem>>, vector<16xi32>,
        %add3A_839 = arith.addi %add3A_832, %get3A_838 : vector<16xi32>
        %mul3A_840 = arith.constant 16 : i32
        %mul3A_841 = arith.muli %scan3A_816, %mul3A_840 : i32
        %add3A_842 = arith.constant 816 : i32
        %add3A_843 = arith.addi %add3A_842, %mul3A_841 : i32
        %get3A_844 = arith.index_cast %add3A_843 : i32 to index
        %get3A_845 = tpu.vector_load %arg9[%get3A_844] {strides = array<i32>} : memref<4352xi32, #tpu.memory_space<vmem>>, vector<16xi32>,
        %add3A_846 = arith.addi %add3A_839, %get3A_845 : vector<16xi32>
        %mul3A_847 = arith.constant 16 : i32
        %mul3A_848 = arith.muli %scan3A_816, %mul3A_847 : i32
        %add3A_849 = arith.constant 1088 : i32
        %add3A_850 = arith.addi %add3A_849, %mul3A_848 : i32
        %get3A_851 = arith.index_cast %add3A_850 : i32 to index
        %get3A_852 = tpu.vector_load %arg9[%get3A_851] {strides = array<i32>} : memref<4352xi32, #tpu.memory_space<vmem>>, vector<16xi32>,
        %add3A_853 = arith.addi %add3A_846, %get3A_852 : vector<16xi32>
        %mul3A_854 = arith.constant 16 : i32
        %mul3A_855 = arith.muli %scan3A_816, %mul3A_854 : i32
        %add3A_856 = arith.constant 1360 : i32
        %add3A_857 = arith.addi %add3A_856, %mul3A_855 : i32
        %get3A_858 = arith.index_cast %add3A_857 : i32 to index
        %get3A_859 = tpu.vector_load %arg9[%get3A_858] {strides = array<i32>} : memref<4352xi32, #tpu.memory_space<vmem>>, vector<16xi32>,
        %add3A_860 = arith.addi %add3A_853, %get3A_859 : vector<16xi32>
        %mul3A_861 = arith.constant 16 : i32
        %mul3A_862 = arith.muli %scan3A_816, %mul3A_861 : i32
        %add3A_863 = arith.constant 1632 : i32
        %add3A_864 = arith.addi %add3A_863, %mul3A_862 : i32
        %get3A_865 = arith.index_cast %add3A_864 : i32 to index
        %get3A_866 = tpu.vector_load %arg9[%get3A_865] {strides = array<i32>} : memref<4352xi32, #tpu.memory_space<vmem>>, vector<16xi32>,
        %add3A_867 = arith.addi %add3A_860, %get3A_866 : vector<16xi32>
        %mul3A_868 = arith.constant 16 : i32
        %mul3A_869 = arith.muli %scan3A_816, %mul3A_868 : i32
        %add3A_870 = arith.constant 1904 : i32
        %add3A_871 = arith.addi %add3A_870, %mul3A_869 : i32
        %get3A_872 = arith.index_cast %add3A_871 : i32 to index
        %get3A_873 = tpu.vector_load %arg9[%get3A_872] {strides = array<i32>} : memref<4352xi32, #tpu.memory_space<vmem>>, vector<16xi32>,
        %add3A_874 = arith.addi %add3A_867, %get3A_873 : vector<16xi32>
        %mul3A_875 = arith.constant 16 : i32
        %mul3A_876 = arith.muli %scan3A_816, %mul3A_875 : i32
        %add3A_877 = arith.constant 2176 : i32
        %add3A_878 = arith.addi %add3A_877, %mul3A_876 : i32
        %get3A_879 = arith.index_cast %add3A_878 : i32 to index
        %get3A_880 = tpu.vector_load %arg9[%get3A_879] {strides = array<i32>} : memref<4352xi32, #tpu.memory_space<vmem>>, vector<16xi32>,
        %add3A_881 = arith.addi %add3A_874, %get3A_880 : vector<16xi32>
        %mul3A_882 = arith.constant 16 : i32
        %mul3A_883 = arith.muli %scan3A_816, %mul3A_882 : i32
        %add3A_884 = arith.constant 2448 : i32
        %add3A_885 = arith.addi %add3A_884, %mul3A_883 : i32
        %get3A_886 = arith.index_cast %add3A_885 : i32 to index
        %get3A_887 = tpu.vector_load %arg9[%get3A_886] {strides = array<i32>} : memref<4352xi32, #tpu.memory_space<vmem>>, vector<16xi32>,
        %add3A_888 = arith.addi %add3A_881, %get3A_887 : vector<16xi32>
        %mul3A_889 = arith.constant 16 : i32
        %mul3A_890 = arith.muli %scan3A_816, %mul3A_889 : i32
        %add3A_891 = arith.constant 2720 : i32
        %add3A_892 = arith.addi %add3A_891, %mul3A_890 : i32
        %get3A_893 = arith.index_cast %add3A_892 : i32 to index
        %get3A_894 = tpu.vector_load %arg9[%get3A_893] {strides = array<i32>} : memref<4352xi32, #tpu.memory_space<vmem>>, vector<16xi32>,
        %add3A_895 = arith.addi %add3A_888, %get3A_894 : vector<16xi32>
        %mul3A_896 = arith.constant 16 : i32
        %mul3A_897 = arith.muli %scan3A_816, %mul3A_896 : i32
        %add3A_898 = arith.constant 2992 : i32
        %add3A_899 = arith.addi %add3A_898, %mul3A_897 : i32
        %get3A_900 = arith.index_cast %add3A_899 : i32 to index
        %get3A_901 = tpu.vector_load %arg9[%get3A_900] {strides = array<i32>} : memref<4352xi32, #tpu.memory_space<vmem>>, vector<16xi32>,
        %add3A_902 = arith.addi %add3A_895, %get3A_901 : vector<16xi32>
        %mul3A_903 = arith.constant 16 : i32
        %mul3A_904 = arith.muli %scan3A_816, %mul3A_903 : i32
        %add3A_905 = arith.constant 3264 : i32
        %add3A_906 = arith.addi %add3A_905, %mul3A_904 : i32
        %get3A_907 = arith.index_cast %add3A_906 : i32 to index
        %get3A_908 = tpu.vector_load %arg9[%get3A_907] {strides = array<i32>} : memref<4352xi32, #tpu.memory_space<vmem>>, vector<16xi32>,
        %add3A_909 = arith.addi %add3A_902, %get3A_908 : vector<16xi32>
        %mul3A_910 = arith.constant 16 : i32
        %mul3A_911 = arith.muli %scan3A_816, %mul3A_910 : i32
        %add3A_912 = arith.constant 3536 : i32
        %add3A_913 = arith.addi %add3A_912, %mul3A_911 : i32
        %get3A_914 = arith.index_cast %add3A_913 : i32 to index
        %get3A_915 = tpu.vector_load %arg9[%get3A_914] {strides = array<i32>} : memref<4352xi32, #tpu.memory_space<vmem>>, vector<16xi32>,
        %add3A_916 = arith.addi %add3A_909, %get3A_915 : vector<16xi32>
        %mul3A_917 = arith.constant 16 : i32
        %mul3A_918 = arith.muli %scan3A_816, %mul3A_917 : i32
        %add3A_919 = arith.constant 3808 : i32
        %add3A_920 = arith.addi %add3A_919, %mul3A_918 : i32
        %get3A_921 = arith.index_cast %add3A_920 : i32 to index
        %get3A_922 = tpu.vector_load %arg9[%get3A_921] {strides = array<i32>} : memref<4352xi32, #tpu.memory_space<vmem>>, vector<16xi32>,
        %add3A_923 = arith.addi %add3A_916, %get3A_922 : vector<16xi32>
        %mul3A_924 = arith.constant 16 : i32
        %mul3A_925 = arith.muli %scan3A_816, %mul3A_924 : i32
        %add3A_926 = arith.constant 4080 : i32
        %add3A_927 = arith.addi %add3A_926, %mul3A_925 : i32
        %get3A_928 = arith.index_cast %add3A_927 : i32 to index
        %get3A_929 = tpu.vector_load %arg9[%get3A_928] {strides = array<i32>} : memref<4352xi32, #tpu.memory_space<vmem>>, vector<16xi32>,
        %add3A_930 = arith.addi %add3A_923, %get3A_929 : vector<16xi32>
        %broadcast_in_dim3A_931 = arith.constant true
        %broadcast_in_dim3A_932 = vector.broadcast %broadcast_in_dim3A_931 : i1 to vector<16xi1>
        %masked_cumsum3A = tpu.scan <sum>, %add3A_930 masked %broadcast_in_dim3A_932 : vector<16xi32>, vector<16xi1> -> vector<16xi32>
        %broadcast_in_dim3A_933 = vector.broadcast %scan3A_817 : i32 to vector<16xi32>
        %add3A_934 = arith.addi %masked_cumsum3A, %broadcast_in_dim3A_933 : vector<16xi32>
        %ge3A = arith.constant 64 : i32
        %ge3A_935 = vector.broadcast %ge3A : i32 to vector<16xi32>
        %ge3A_936 = arith.cmpi sge, %add3A_934, %ge3A_935 : vector<16xi32>
        %mul3A_937 = arith.constant 16 : i32
        %mul3A_938 = arith.muli %scan3A_816, %mul3A_937 : i32
        %add3A_939 = vector.broadcast %mul3A_938 : i32 to vector<16xi32>
        %add3A_940 = arith.addi %iota3A, %add3A_939 : vector<16xi32>
        %broadcast_in_dim3A_941 = arith.constant 9999 : i32
        %broadcast_in_dim3A_942 = vector.broadcast %broadcast_in_dim3A_941 : i32 to vector<16xi32>
        %select_n3A_943 = arith.select %ge3A_936, %add3A_940, %broadcast_in_dim3A_942 : vector<16xi1>, vector<16xi32>
        %slice3A_944 = vector.extract_strided_slice %add3A_934 {offsets = [15], sizes = [1], strides = [1]} : vector<16xi32> to vector<1xi32>
        %squeeze3A_945 = vector.extract %slice3A_944[0] : i32 from vector<1xi32>
        %reduce_min3A = arith.constant true
        %reduce_min3A_946 = vector.broadcast %reduce_min3A : i1 to vector<16xi1>
        %reduce_min3A_947 = arith.constant -2147483648 : i32
        %reduce_min3A_948 = vector.broadcast %reduce_min3A_947 : i32 to vector<16xi32>
        %reduce_min3A_949 = arith.xori %select_n3A_943, %reduce_min3A_948 : vector<16xi32>
        %reduce_min3A_950 = tpu.scan <min>, %reduce_min3A_949 masked %reduce_min3A_946 : vector<16xi32>, vector<16xi1> -> vector<16xi32>
        %reduce_min3A_951 = arith.xori %reduce_min3A_950, %reduce_min3A_948 : vector<16xi32>
        %reduce_min3A_952 = vector.extract %reduce_min3A_951[15] : i32 from vector<16xi32>
        %min3A = arith.minsi %scan3A_818, %reduce_min3A_952 : i32
        scf.yield %squeeze3A_945, %min3A : i32, i32
      }
      %scan3A_593 = arith.constant 17 : i32
      %broadcast_in_dim3A_594 = vector.broadcast %scan3A_592#1 : i32 to vector<16xi32>
      %parallel_loop3A_595 = arith.constant 0 : i32
      %parallel_loop3A_596 = arith.constant 160 : i32
      %parallel_loop3A_597 = arith.constant 1 : i32
      %parallel_loop3A_598 = arith.constant 0 : i32
      %parallel_loop3A_599 = scf.for %parallel_loop3A_816 = %parallel_loop3A_595 to %parallel_loop3A_596 step %parallel_loop3A_597 iter_args(%parallel_loop3A_817 = %parallel_loop3A_598) -> (i32)  : i32 {
        %parallel_loop3A_818 = arith.constant 64 : i32
        %parallel_loop3A_819 = arith.muli %parallel_loop3A_816, %parallel_loop3A_818 : i32
        %parallel_loop3A_820 = arith.addi %mul3A_29, %parallel_loop3A_819 : i32
        %parallel_loop3A_821 = arith.constant 0 : i32
        %parallel_loop3A_822 = arith.addi %parallel_loop3A_820, %parallel_loop3A_821 : i32
        %parallel_loop3A_823 = arith.index_cast %parallel_loop3A_822 : i32 to index
        %parallel_loop3A_824 = tpu.vector_load %arg6[%parallel_loop3A_823] {strides = array<i32>} : memref<20480xi32, #tpu.memory_space<vmem>>, vector<16xi32>,
        %parallel_loop3A_825 = arith.constant 22 : i32
        %parallel_loop3A_826 = vector.broadcast %parallel_loop3A_825 : i32 to vector<16xi32>
        %parallel_loop3A_827 = arith.shrui %parallel_loop3A_824, %parallel_loop3A_826 : vector<16xi32>
        %parallel_loop3A_828 = arith.cmpi sle, %parallel_loop3A_827, %broadcast_in_dim3A_594 : vector<16xi32>
        %parallel_loop3A_829 = arith.index_cast %parallel_loop3A_817 : i32 to index
        %parallel_loop3A_830 = tpu.vector_load %arg10[%parallel_loop3A_829] masked %parallel_loop3A_828 {strides = array<i32>} : memref<10256xi32, #tpu.memory_space<vmem>>, vector<16xi32>, vector<16xi1>
        tpu.vector_store %arg10[%parallel_loop3A_829], %parallel_loop3A_824 masked %parallel_loop3A_828 {strides = array<i32>} : memref<10256xi32, #tpu.memory_space<vmem>>, vector<16xi32>, vector<16xi1>
        %parallel_loop3A_831 = arith.constant 64 : i32
        %parallel_loop3A_832 = arith.muli %parallel_loop3A_816, %parallel_loop3A_831 : i32
        %parallel_loop3A_833 = vector.broadcast %parallel_loop3A_832 : i32 to vector<16xi32>
        %parallel_loop3A_834 = arith.addi %iota3A, %parallel_loop3A_833 : vector<16xi32>
        %parallel_loop3A_835 = arith.constant 0 : i32
        %parallel_loop3A_836 = vector.broadcast %parallel_loop3A_835 : i32 to vector<16xi32>
        %parallel_loop3A_837 = arith.addi %parallel_loop3A_834, %parallel_loop3A_836 : vector<16xi32>
        %parallel_loop3A_838 = arith.index_cast %parallel_loop3A_817 : i32 to index
        %parallel_loop3A_839 = tpu.vector_load %arg11[%parallel_loop3A_838] masked %parallel_loop3A_828 {strides = array<i32>} : memref<10256xi32, #tpu.memory_space<vmem>>, vector<16xi32>, vector<16xi1>
        tpu.vector_store %arg11[%parallel_loop3A_838], %parallel_loop3A_837 masked %parallel_loop3A_828 {strides = array<i32>} : memref<10256xi32, #tpu.memory_space<vmem>>, vector<16xi32>, vector<16xi1>
        %parallel_loop3A_840 = tpu.all_reduce %parallel_loop3A_828 {dim = 0 : i64, kind = #tpu.reduction_kind<sum>} : vector<16xi1> -> vector<16xi32>
        %parallel_loop3A_841 = vector.extract_strided_slice %parallel_loop3A_840 {offsets = [0], sizes = [1], strides = [1]} : vector<16xi32> to vector<1xi32>
        %parallel_loop3A_842 = vector.extract %parallel_loop3A_841[0] : i32 from vector<1xi32>
        %parallel_loop3A_843 = arith.addi %parallel_loop3A_817, %parallel_loop3A_842 : i32
        %parallel_loop3A_844 = arith.constant 16 : i32
        %parallel_loop3A_845 = arith.addi %parallel_loop3A_820, %parallel_loop3A_844 : i32
        %parallel_loop3A_846 = arith.index_cast %parallel_loop3A_845 : i32 to index
        %parallel_loop3A_847 = tpu.vector_load %arg6[%parallel_loop3A_846] {strides = array<i32>} : memref<20480xi32, #tpu.memory_space<vmem>>, vector<16xi32>,
        %parallel_loop3A_848 = arith.constant 22 : i32
        %parallel_loop3A_849 = vector.broadcast %parallel_loop3A_848 : i32 to vector<16xi32>
        %parallel_loop3A_850 = arith.shrui %parallel_loop3A_847, %parallel_loop3A_849 : vector<16xi32>
        %parallel_loop3A_851 = arith.cmpi sle, %parallel_loop3A_850, %broadcast_in_dim3A_594 : vector<16xi32>
        %parallel_loop3A_852 = arith.index_cast %parallel_loop3A_843 : i32 to index
        %parallel_loop3A_853 = tpu.vector_load %arg10[%parallel_loop3A_852] masked %parallel_loop3A_851 {strides = array<i32>} : memref<10256xi32, #tpu.memory_space<vmem>>, vector<16xi32>, vector<16xi1>
        tpu.vector_store %arg10[%parallel_loop3A_852], %parallel_loop3A_847 masked %parallel_loop3A_851 {strides = array<i32>} : memref<10256xi32, #tpu.memory_space<vmem>>, vector<16xi32>, vector<16xi1>
        %parallel_loop3A_854 = arith.constant 64 : i32
        %parallel_loop3A_855 = arith.muli %parallel_loop3A_816, %parallel_loop3A_854 : i32
        %parallel_loop3A_856 = vector.broadcast %parallel_loop3A_855 : i32 to vector<16xi32>
        %parallel_loop3A_857 = arith.addi %iota3A, %parallel_loop3A_856 : vector<16xi32>
        %parallel_loop3A_858 = arith.constant 16 : i32
        %parallel_loop3A_859 = vector.broadcast %parallel_loop3A_858 : i32 to vector<16xi32>
        %parallel_loop3A_860 = arith.addi %parallel_loop3A_857, %parallel_loop3A_859 : vector<16xi32>
        %parallel_loop3A_861 = arith.index_cast %parallel_loop3A_843 : i32 to index
        %parallel_loop3A_862 = tpu.vector_load %arg11[%parallel_loop3A_861] masked %parallel_loop3A_851 {strides = array<i32>} : memref<10256xi32, #tpu.memory_space<vmem>>, vector<16xi32>, vector<16xi1>
        tpu.vector_store %arg11[%parallel_loop3A_861], %parallel_loop3A_860 masked %parallel_loop3A_851 {strides = array<i32>} : memref<10256xi32, #tpu.memory_space<vmem>>, vector<16xi32>, vector<16xi1>
        %parallel_loop3A_863 = tpu.all_reduce %parallel_loop3A_851 {dim = 0 : i64, kind = #tpu.reduction_kind<sum>} : vector<16xi1> -> vector<16xi32>
        %parallel_loop3A_864 = vector.extract_strided_slice %parallel_loop3A_863 {offsets = [0], sizes = [1], strides = [1]} : vector<16xi32> to vector<1xi32>
        %parallel_loop3A_865 = vector.extract %parallel_loop3A_864[0] : i32 from vector<1xi32>
        %parallel_loop3A_866 = arith.addi %parallel_loop3A_843, %parallel_loop3A_865 : i32
        %parallel_loop3A_867 = arith.constant 32 : i32
        %parallel_loop3A_868 = arith.addi %parallel_loop3A_820, %parallel_loop3A_867 : i32
        %parallel_loop3A_869 = arith.index_cast %parallel_loop3A_868 : i32 to index
        %parallel_loop3A_870 = tpu.vector_load %arg6[%parallel_loop3A_869] {strides = array<i32>} : memref<20480xi32, #tpu.memory_space<vmem>>, vector<16xi32>,
        %parallel_loop3A_871 = arith.constant 22 : i32
        %parallel_loop3A_872 = vector.broadcast %parallel_loop3A_871 : i32 to vector<16xi32>
        %parallel_loop3A_873 = arith.shrui %parallel_loop3A_870, %parallel_loop3A_872 : vector<16xi32>
        %parallel_loop3A_874 = arith.cmpi sle, %parallel_loop3A_873, %broadcast_in_dim3A_594 : vector<16xi32>
        %parallel_loop3A_875 = arith.index_cast %parallel_loop3A_866 : i32 to index
        %parallel_loop3A_876 = tpu.vector_load %arg10[%parallel_loop3A_875] masked %parallel_loop3A_874 {strides = array<i32>} : memref<10256xi32, #tpu.memory_space<vmem>>, vector<16xi32>, vector<16xi1>
        tpu.vector_store %arg10[%parallel_loop3A_875], %parallel_loop3A_870 masked %parallel_loop3A_874 {strides = array<i32>} : memref<10256xi32, #tpu.memory_space<vmem>>, vector<16xi32>, vector<16xi1>
        %parallel_loop3A_877 = arith.constant 64 : i32
        %parallel_loop3A_878 = arith.muli %parallel_loop3A_816, %parallel_loop3A_877 : i32
        %parallel_loop3A_879 = vector.broadcast %parallel_loop3A_878 : i32 to vector<16xi32>
        %parallel_loop3A_880 = arith.addi %iota3A, %parallel_loop3A_879 : vector<16xi32>
        %parallel_loop3A_881 = arith.constant 32 : i32
        %parallel_loop3A_882 = vector.broadcast %parallel_loop3A_881 : i32 to vector<16xi32>
        %parallel_loop3A_883 = arith.addi %parallel_loop3A_880, %parallel_loop3A_882 : vector<16xi32>
        %parallel_loop3A_884 = arith.index_cast %parallel_loop3A_866 : i32 to index
        %parallel_loop3A_885 = tpu.vector_load %arg11[%parallel_loop3A_884] masked %parallel_loop3A_874 {strides = array<i32>} : memref<10256xi32, #tpu.memory_space<vmem>>, vector<16xi32>, vector<16xi1>
        tpu.vector_store %arg11[%parallel_loop3A_884], %parallel_loop3A_883 masked %parallel_loop3A_874 {strides = array<i32>} : memref<10256xi32, #tpu.memory_space<vmem>>, vector<16xi32>, vector<16xi1>
        %parallel_loop3A_886 = tpu.all_reduce %parallel_loop3A_874 {dim = 0 : i64, kind = #tpu.reduction_kind<sum>} : vector<16xi1> -> vector<16xi32>
        %parallel_loop3A_887 = vector.extract_strided_slice %parallel_loop3A_886 {offsets = [0], sizes = [1], strides = [1]} : vector<16xi32> to vector<1xi32>
        %parallel_loop3A_888 = vector.extract %parallel_loop3A_887[0] : i32 from vector<1xi32>
        %parallel_loop3A_889 = arith.addi %parallel_loop3A_866, %parallel_loop3A_888 : i32
        %parallel_loop3A_890 = arith.constant 48 : i32
        %parallel_loop3A_891 = arith.addi %parallel_loop3A_820, %parallel_loop3A_890 : i32
        %parallel_loop3A_892 = arith.index_cast %parallel_loop3A_891 : i32 to index
        %parallel_loop3A_893 = tpu.vector_load %arg6[%parallel_loop3A_892] {strides = array<i32>} : memref<20480xi32, #tpu.memory_space<vmem>>, vector<16xi32>,
        %parallel_loop3A_894 = arith.constant 22 : i32
        %parallel_loop3A_895 = vector.broadcast %parallel_loop3A_894 : i32 to vector<16xi32>
        %parallel_loop3A_896 = arith.shrui %parallel_loop3A_893, %parallel_loop3A_895 : vector<16xi32>
        %parallel_loop3A_897 = arith.cmpi sle, %parallel_loop3A_896, %broadcast_in_dim3A_594 : vector<16xi32>
        %parallel_loop3A_898 = arith.index_cast %parallel_loop3A_889 : i32 to index
        %parallel_loop3A_899 = tpu.vector_load %arg10[%parallel_loop3A_898] masked %parallel_loop3A_897 {strides = array<i32>} : memref<10256xi32, #tpu.memory_space<vmem>>, vector<16xi32>, vector<16xi1>
        tpu.vector_store %arg10[%parallel_loop3A_898], %parallel_loop3A_893 masked %parallel_loop3A_897 {strides = array<i32>} : memref<10256xi32, #tpu.memory_space<vmem>>, vector<16xi32>, vector<16xi1>
        %parallel_loop3A_900 = arith.constant 64 : i32
        %parallel_loop3A_901 = arith.muli %parallel_loop3A_816, %parallel_loop3A_900 : i32
        %parallel_loop3A_902 = vector.broadcast %parallel_loop3A_901 : i32 to vector<16xi32>
        %parallel_loop3A_903 = arith.addi %iota3A, %parallel_loop3A_902 : vector<16xi32>
        %parallel_loop3A_904 = arith.constant 48 : i32
        %parallel_loop3A_905 = vector.broadcast %parallel_loop3A_904 : i32 to vector<16xi32>
        %parallel_loop3A_906 = arith.addi %parallel_loop3A_903, %parallel_loop3A_905 : vector<16xi32>
        %parallel_loop3A_907 = arith.index_cast %parallel_loop3A_889 : i32 to index
        %parallel_loop3A_908 = tpu.vector_load %arg11[%parallel_loop3A_907] masked %parallel_loop3A_897 {strides = array<i32>} : memref<10256xi32, #tpu.memory_space<vmem>>, vector<16xi32>, vector<16xi1>
        tpu.vector_store %arg11[%parallel_loop3A_907], %parallel_loop3A_906 masked %parallel_loop3A_897 {strides = array<i32>} : memref<10256xi32, #tpu.memory_space<vmem>>, vector<16xi32>, vector<16xi1>
        %parallel_loop3A_909 = tpu.all_reduce %parallel_loop3A_897 {dim = 0 : i64, kind = #tpu.reduction_kind<sum>} : vector<16xi1> -> vector<16xi32>
        %parallel_loop3A_910 = vector.extract_strided_slice %parallel_loop3A_909 {offsets = [0], sizes = [1], strides = [1]} : vector<16xi32> to vector<1xi32>
        %parallel_loop3A_911 = vector.extract %parallel_loop3A_910[0] : i32 from vector<1xi32>
        %parallel_loop3A_912 = arith.addi %parallel_loop3A_889, %parallel_loop3A_911 : i32
        scf.yield %parallel_loop3A_912 : i32
      } {sc.loop_unroll_factor = 2 : i64, sc.parallel_access}
      %broadcast_in_dim3A_600 = arith.constant 2130706432 : i32
      %broadcast_in_dim3A_601 = vector.broadcast %broadcast_in_dim3A_600 : i32 to vector<16xi32>
      %swap3A_602 = arith.index_cast %parallel_loop3A_599 : i32 to index
      %swap3A_603 = tpu.vector_load %arg10[%swap3A_602] {strides = array<i32>} : memref<10256xi32, #tpu.memory_space<vmem>>, vector<16xi32>,
      tpu.vector_store %arg10[%swap3A_602], %broadcast_in_dim3A_601 {strides = array<i32>} : memref<10256xi32, #tpu.memory_space<vmem>>, vector<16xi32>,
      %add3A_604 = arith.constant 15 : i32
      %add3A_605 = arith.addi %parallel_loop3A_599, %add3A_604 : i32
      %jit3A = arith.constant 16 : i32
      %div3A = arith.divsi %add3A_605, %jit3A : i32
      %sign3A = arith.constant 0 : i32
      %sign3A_606 = arith.cmpi sgt, %add3A_605, %sign3A : i32
      %sign3A_607 = arith.extui %sign3A_606 : i1 to i32
      %sign3A_608 = arith.constant 0 : i32
      %sign3A_609 = arith.cmpi slt, %add3A_605, %sign3A_608 : i32
      %sign3A_610 = arith.extui %sign3A_609 : i1 to i32
      %sign3A_611 = arith.subi %sign3A_607, %sign3A_610 : i32
      %sign3A_612 = arith.constant 0 : i32
      %sign3A_613 = arith.cmpi sgt, %jit3A, %sign3A_612 : i32
      %sign3A_614 = arith.extui %sign3A_613 : i1 to i32
      %sign3A_615 = arith.constant 0 : i32
      %sign3A_616 = arith.cmpi slt, %jit3A, %sign3A_615 : i32
      %sign3A_617 = arith.extui %sign3A_616 : i1 to i32
      %sign3A_618 = arith.subi %sign3A_614, %sign3A_617 : i32
      %ne3A = arith.cmpi ne, %sign3A_611, %sign3A_618 : i32
      %rem3A = arith.remsi %add3A_605, %jit3A : i32
      %ne3A_619 = arith.constant 0 : i32
      %ne3A_620 = arith.cmpi ne, %rem3A, %ne3A_619 : i32
      %and3A_621 = arith.andi %ne3A, %ne3A_620 : i1
      %sub3A = arith.constant 1 : i32
      %sub3A_622 = arith.subi %div3A, %sub3A : i32
      %select_n3A = arith.select %and3A_621, %sub3A_622, %div3A : i32
      %shift_left3A = arith.constant 22 : i32
      %shift_left3A_623 = arith.shli %scan3A_592#1, %shift_left3A : i32
      %sub3A_624 = arith.constant 1 : i32
      %sub3A_625 = arith.subi %shift_left3A_623, %sub3A_624 : i32
      %add3A_626 = arith.constant 1 : i32
      %add3A_627 = arith.addi %scan3A_592#1, %add3A_626 : i32
      %shift_left3A_628 = arith.constant 22 : i32
      %shift_left3A_629 = arith.shli %add3A_627, %shift_left3A_628 : i32
      %sub3A_630 = arith.constant 1 : i32
      %sub3A_631 = arith.subi %shift_left3A_629, %sub3A_630 : i32
      %scan3A_632 = arith.constant 0 : i32
      %scan3A_633 = arith.constant 22 : i32
      %scan3A_634 = arith.addi %scan3A_632, %scan3A_633 : i32
      %scan3A_635 = arith.constant 1 : i32
      %scan3A_636:2 = scf.for %scan3A_816 = %scan3A_632 to %scan3A_634 step %scan3A_635 iter_args(%scan3A_817 = %sub3A_625, %scan3A_818 = %sub3A_631) -> (i32, i32)  : i32 {
        %sub3A_819 = arith.subi %scan3A_818, %scan3A_817 : i32
        %jit3A_820 = arith.constant 2 : i32
        %div3A_821 = arith.divsi %sub3A_819, %jit3A_820 : i32
        %sign3A_822 = arith.constant 0 : i32
        %sign3A_823 = arith.cmpi sgt, %sub3A_819, %sign3A_822 : i32
        %sign3A_824 = arith.extui %sign3A_823 : i1 to i32
        %sign3A_825 = arith.constant 0 : i32
        %sign3A_826 = arith.cmpi slt, %sub3A_819, %sign3A_825 : i32
        %sign3A_827 = arith.extui %sign3A_826 : i1 to i32
        %sign3A_828 = arith.subi %sign3A_824, %sign3A_827 : i32
        %sign3A_829 = arith.constant 0 : i32
        %sign3A_830 = arith.cmpi sgt, %jit3A_820, %sign3A_829 : i32
        %sign3A_831 = arith.extui %sign3A_830 : i1 to i32
        %sign3A_832 = arith.constant 0 : i32
        %sign3A_833 = arith.cmpi slt, %jit3A_820, %sign3A_832 : i32
        %sign3A_834 = arith.extui %sign3A_833 : i1 to i32
        %sign3A_835 = arith.subi %sign3A_831, %sign3A_834 : i32
        %ne3A_836 = arith.cmpi ne, %sign3A_828, %sign3A_835 : i32
        %rem3A_837 = arith.remsi %sub3A_819, %jit3A_820 : i32
        %ne3A_838 = arith.constant 0 : i32
        %ne3A_839 = arith.cmpi ne, %rem3A_837, %ne3A_838 : i32
        %and3A_840 = arith.andi %ne3A_836, %ne3A_839 : i1
        %sub3A_841 = arith.constant 1 : i32
        %sub3A_842 = arith.subi %div3A_821, %sub3A_841 : i32
        %select_n3A_843 = arith.select %and3A_840, %sub3A_842, %div3A_821 : i32
        %add3A_844 = arith.addi %scan3A_817, %select_n3A_843 : i32
        %broadcast_in_dim3A_845 = vector.broadcast %add3A_844 : i32 to vector<16xi32>
        %while3A_846 = arith.constant 0 : i32
        %while3A_847 = arith.subi %select_n3A, %while3A_846 : i32
        %while3A_848 = arith.addi %while3A_846, %while3A_847 : i32
        %while3A_849 = arith.constant 1 : i32
        %while3A_850 = arith.divsi %while3A_847, %while3A_849 : i32
        %while3A_851 = arith.muli %while3A_850, %while3A_849 : i32
        %while3A_852 = arith.addi %while3A_846, %while3A_851 : i32
        %while3A_853 = arith.constant 1 : i32
        %while3A_854 = scf.for %while3A_862 = %while3A_846 to %while3A_852 step %while3A_853 iter_args(%while3A_863 = %broadcast_in_dim3A_10) -> (vector<16xi32>)  : i32 {
          %mul3A_864 = arith.constant 16 : i32
          %mul3A_865 = arith.muli %while3A_862, %mul3A_864 : i32
          %get3A_866 = arith.index_cast %mul3A_865 : i32 to index
          %get3A_867 = tpu.vector_load %arg10[%get3A_866] {strides = array<i32>} : memref<10256xi32, #tpu.memory_space<vmem>>, vector<16xi32>,
          %le3A = arith.cmpi sle, %get3A_867, %broadcast_in_dim3A_845 : vector<16xi32>
          %all_reduce_population_count3A = tpu.all_reduce %le3A {dim = 0 : i64, kind = #tpu.reduction_kind<sum>} : vector<16xi1> -> vector<16xi32>
          %add3A_868 = arith.addi %while3A_863, %all_reduce_population_count3A : vector<16xi32>
          scf.yield %add3A_868 : vector<16xi32>
        }
        %while3A_855 = arith.constant 1 : i32
        %while3A_856 = scf.for %while3A_862 = %while3A_852 to %while3A_848 step %while3A_855 iter_args(%while3A_863 = %while3A_854) -> (vector<16xi32>)  : i32 {
          %mul3A_864 = arith.constant 16 : i32
          %mul3A_865 = arith.muli %while3A_862, %mul3A_864 : i32
          %get3A_866 = arith.index_cast %mul3A_865 : i32 to index
          %get3A_867 = tpu.vector_load %arg10[%get3A_866] {strides = array<i32>} : memref<10256xi32, #tpu.memory_space<vmem>>, vector<16xi32>,
          %le3A = arith.cmpi sle, %get3A_867, %broadcast_in_dim3A_845 : vector<16xi32>
          %all_reduce_population_count3A = tpu.all_reduce %le3A {dim = 0 : i64, kind = #tpu.reduction_kind<sum>} : vector<16xi1> -> vector<16xi32>
          %add3A_868 = arith.addi %while3A_863, %all_reduce_population_count3A : vector<16xi32>
          scf.yield %add3A_868 : vector<16xi32>
        }
        %slice3A_857 = vector.extract_strided_slice %while3A_856 {offsets = [0], sizes = [1], strides = [1]} : vector<16xi32> to vector<1xi32>
        %squeeze3A_858 = vector.extract %slice3A_857[0] : i32 from vector<1xi32>
        %ge3A = arith.constant 64 : i32
        %ge3A_859 = arith.cmpi sge, %squeeze3A_858, %ge3A : i32
        %select_n3A_860 = arith.select %ge3A_859, %scan3A_817, %add3A_844 : i32
        %select_n3A_861 = arith.select %ge3A_859, %add3A_844, %scan3A_818 : i32
        scf.yield %select_n3A_860, %select_n3A_861 : i32, i32
      }
      %scan3A_637 = arith.constant 22 : i32
      %broadcast_in_dim3A_638 = vector.broadcast %scan3A_636#1 : i32 to vector<16xi32>
      %while3A = arith.constant 0 : i32
      %while3A_639 = arith.constant 0 : i32
      %while3A_640 = arith.subi %select_n3A, %while3A : i32
      %while3A_641 = arith.addi %while3A, %while3A_640 : i32
      %while3A_642 = arith.constant 1 : i32
      %while3A_643 = arith.divsi %while3A_640, %while3A_642 : i32
      %while3A_644 = arith.muli %while3A_643, %while3A_642 : i32
      %while3A_645 = arith.addi %while3A, %while3A_644 : i32
      %while3A_646 = arith.constant 1 : i32
      %while3A_647 = scf.for %while3A_816 = %while3A to %while3A_645 step %while3A_646 iter_args(%while3A_817 = %while3A_639) -> (i32)  : i32 {
        %mul3A_818 = arith.constant 16 : i32
        %mul3A_819 = arith.muli %while3A_816, %mul3A_818 : i32
        %get3A_820 = arith.index_cast %mul3A_819 : i32 to index
        %get3A_821 = tpu.vector_load %arg10[%get3A_820] {strides = array<i32>} : memref<10256xi32, #tpu.memory_space<vmem>>, vector<16xi32>,
        %le3A = arith.cmpi sle, %get3A_821, %broadcast_in_dim3A_638 : vector<16xi32>
        %mul3A_822 = arith.constant 16 : i32
        %mul3A_823 = arith.muli %while3A_816, %mul3A_822 : i32
        %get3A_824 = arith.index_cast %mul3A_823 : i32 to index
        %get3A_825 = tpu.vector_load %arg11[%get3A_824] {strides = array<i32>} : memref<10256xi32, #tpu.memory_space<vmem>>, vector<16xi32>,
        %swap3A_826 = arith.index_cast %while3A_817 : i32 to index
        %swap3A_827 = tpu.vector_load %arg12[%swap3A_826] masked %le3A {strides = array<i32>} : memref<10256xi32, #tpu.memory_space<vmem>>, vector<16xi32>, vector<16xi1>
        tpu.vector_store %arg12[%swap3A_826], %get3A_825 masked %le3A {strides = array<i32>} : memref<10256xi32, #tpu.memory_space<vmem>>, vector<16xi32>, vector<16xi1>
        %all_reduce_population_count3A = tpu.all_reduce %le3A {dim = 0 : i64, kind = #tpu.reduction_kind<sum>} : vector<16xi1> -> vector<16xi32>
        %slice3A_828 = vector.extract_strided_slice %all_reduce_population_count3A {offsets = [0], sizes = [1], strides = [1]} : vector<16xi32> to vector<1xi32>
        %squeeze3A_829 = vector.extract %slice3A_828[0] : i32 from vector<1xi32>
        %add3A_830 = arith.addi %while3A_817, %squeeze3A_829 : i32
        scf.yield %add3A_830 : i32
      }
      %while3A_648 = arith.constant 1 : i32
      %while3A_649 = scf.for %while3A_816 = %while3A_645 to %while3A_641 step %while3A_648 iter_args(%while3A_817 = %while3A_647) -> (i32)  : i32 {
        %mul3A_818 = arith.constant 16 : i32
        %mul3A_819 = arith.muli %while3A_816, %mul3A_818 : i32
        %get3A_820 = arith.index_cast %mul3A_819 : i32 to index
        %get3A_821 = tpu.vector_load %arg10[%get3A_820] {strides = array<i32>} : memref<10256xi32, #tpu.memory_space<vmem>>, vector<16xi32>,
        %le3A = arith.cmpi sle, %get3A_821, %broadcast_in_dim3A_638 : vector<16xi32>
        %mul3A_822 = arith.constant 16 : i32
        %mul3A_823 = arith.muli %while3A_816, %mul3A_822 : i32
        %get3A_824 = arith.index_cast %mul3A_823 : i32 to index
        %get3A_825 = tpu.vector_load %arg11[%get3A_824] {strides = array<i32>} : memref<10256xi32, #tpu.memory_space<vmem>>, vector<16xi32>,
        %swap3A_826 = arith.index_cast %while3A_817 : i32 to index
        %swap3A_827 = tpu.vector_load %arg12[%swap3A_826] masked %le3A {strides = array<i32>} : memref<10256xi32, #tpu.memory_space<vmem>>, vector<16xi32>, vector<16xi1>
        tpu.vector_store %arg12[%swap3A_826], %get3A_825 masked %le3A {strides = array<i32>} : memref<10256xi32, #tpu.memory_space<vmem>>, vector<16xi32>, vector<16xi1>
        %all_reduce_population_count3A = tpu.all_reduce %le3A {dim = 0 : i64, kind = #tpu.reduction_kind<sum>} : vector<16xi1> -> vector<16xi32>
        %slice3A_828 = vector.extract_strided_slice %all_reduce_population_count3A {offsets = [0], sizes = [1], strides = [1]} : vector<16xi32> to vector<1xi32>
        %squeeze3A_829 = vector.extract %slice3A_828[0] : i32 from vector<1xi32>
        %add3A_830 = arith.addi %while3A_817, %squeeze3A_829 : i32
        scf.yield %add3A_830 : i32
      }
      %slice3A = vector.extract_strided_slice %get3A_40 {offsets = [0], sizes = [1], strides = [1]} : vector<16xf32> to vector<1xf32>
      %squeeze3A = vector.extract %slice3A[0] : f32 from vector<1xf32>
      %broadcast_in_dim3A_650 = vector.broadcast %squeeze3A : f32 to vector<16xf32>
      %slice3A_651 = vector.extract_strided_slice %get3A_40 {offsets = [1], sizes = [1], strides = [1]} : vector<16xf32> to vector<1xf32>
      %squeeze3A_652 = vector.extract %slice3A_651[0] : f32 from vector<1xf32>
      %broadcast_in_dim3A_653 = vector.broadcast %squeeze3A_652 : f32 to vector<16xf32>
      %slice3A_654 = vector.extract_strided_slice %get3A_40 {offsets = [2], sizes = [1], strides = [1]} : vector<16xf32> to vector<1xf32>
      %squeeze3A_655 = vector.extract %slice3A_654[0] : f32 from vector<1xf32>
      %broadcast_in_dim3A_656 = vector.broadcast %squeeze3A_655 : f32 to vector<16xf32>
      %get3A_657 = arith.constant 0 : index
      %get3A_658 = tpu.vector_load %arg12[%get3A_657] {strides = array<i32>} : memref<10256xi32, #tpu.memory_space<vmem>>, vector<16xi32>,
      %add3A_659 = arith.constant 0 : i32
      %add3A_660 = vector.broadcast %add3A_659 : i32 to vector<16xi32>
      %add3A_661 = arith.addi %iota3A, %add3A_660 : vector<16xi32>
      %mul3A_662 = arith.constant 4 : i32
      %mul3A_663 = vector.broadcast %mul3A_662 : i32 to vector<16xi32>
      %mul3A_664 = arith.muli %add3A_661, %mul3A_663 : vector<16xi32>
      %broadcast_in_dim3A_665 = arith.constant 0.000000e+00 : f32
      %broadcast_in_dim3A_666 = vector.broadcast %broadcast_in_dim3A_665 : f32 to vector<16xf32>
      %broadcast_in_dim3A_667 = arith.constant 0 : i32
      %broadcast_in_dim3A_668 = vector.broadcast %broadcast_in_dim3A_667 : i32 to vector<16xi32>
      %gather3A = tpu.vector_load_idx %arg8[%broadcast_in_dim3A_668, %get3A_658] : memref<4x10240xf32, #tpu.memory_space<vmem>>[vector<16xi32>, vector<16xi32>], vector<16xf32>,
      %sub3A_669 = arith.subf %broadcast_in_dim3A_650, %gather3A : vector<16xf32>
      %add3A_670 = arith.constant 0 : i32
      %add3A_671 = vector.broadcast %add3A_670 : i32 to vector<16xi32>
      %add3A_672 = arith.addi %mul3A_664, %add3A_671 : vector<16xi32>
      tpu.vector_store_idx %arg13[%add3A_672], %sub3A_669 : memref<256xf32, #tpu.memory_space<vmem>>[vector<16xi32>], vector<16xf32>,
      %mul3A_673 = arith.mulf %sub3A_669, %sub3A_669 : vector<16xf32>
      %add3A_674 = arith.addf %broadcast_in_dim3A_666, %mul3A_673 : vector<16xf32>
      %broadcast_in_dim3A_675 = arith.constant 1 : i32
      %broadcast_in_dim3A_676 = vector.broadcast %broadcast_in_dim3A_675 : i32 to vector<16xi32>
      %gather3A_677 = tpu.vector_load_idx %arg8[%broadcast_in_dim3A_676, %get3A_658] : memref<4x10240xf32, #tpu.memory_space<vmem>>[vector<16xi32>, vector<16xi32>], vector<16xf32>,
      %sub3A_678 = arith.subf %broadcast_in_dim3A_653, %gather3A_677 : vector<16xf32>
      %add3A_679 = arith.constant 1 : i32
      %add3A_680 = vector.broadcast %add3A_679 : i32 to vector<16xi32>
      %add3A_681 = arith.addi %mul3A_664, %add3A_680 : vector<16xi32>
      tpu.vector_store_idx %arg13[%add3A_681], %sub3A_678 : memref<256xf32, #tpu.memory_space<vmem>>[vector<16xi32>], vector<16xf32>,
      %mul3A_682 = arith.mulf %sub3A_678, %sub3A_678 : vector<16xf32>
      %add3A_683 = arith.addf %add3A_674, %mul3A_682 : vector<16xf32>
      %broadcast_in_dim3A_684 = arith.constant 2 : i32
      %broadcast_in_dim3A_685 = vector.broadcast %broadcast_in_dim3A_684 : i32 to vector<16xi32>
      %gather3A_686 = tpu.vector_load_idx %arg8[%broadcast_in_dim3A_685, %get3A_658] : memref<4x10240xf32, #tpu.memory_space<vmem>>[vector<16xi32>, vector<16xi32>], vector<16xf32>,
      %sub3A_687 = arith.subf %broadcast_in_dim3A_656, %gather3A_686 : vector<16xf32>
      %add3A_688 = arith.constant 2 : i32
      %add3A_689 = vector.broadcast %add3A_688 : i32 to vector<16xi32>
      %add3A_690 = arith.addi %mul3A_664, %add3A_689 : vector<16xi32>
      tpu.vector_store_idx %arg13[%add3A_690], %sub3A_687 : memref<256xf32, #tpu.memory_space<vmem>>[vector<16xi32>], vector<16xf32>,
      %mul3A_691 = arith.mulf %sub3A_687, %sub3A_687 : vector<16xf32>
      %add3A_692 = arith.addf %add3A_683, %mul3A_691 : vector<16xf32>
      %add3A_693 = arith.constant 3 : i32
      %add3A_694 = vector.broadcast %add3A_693 : i32 to vector<16xi32>
      %add3A_695 = arith.addi %mul3A_664, %add3A_694 : vector<16xi32>
      tpu.vector_store_idx %arg13[%add3A_695], %add3A_692 : memref<256xf32, #tpu.memory_space<vmem>>[vector<16xi32>], vector<16xf32>,
      %get3A_696 = arith.constant 16 : index
      %get3A_697 = tpu.vector_load %arg12[%get3A_696] {strides = array<i32>} : memref<10256xi32, #tpu.memory_space<vmem>>, vector<16xi32>,
      %add3A_698 = arith.constant 16 : i32
      %add3A_699 = vector.broadcast %add3A_698 : i32 to vector<16xi32>
      %add3A_700 = arith.addi %iota3A, %add3A_699 : vector<16xi32>
      %mul3A_701 = arith.constant 4 : i32
      %mul3A_702 = vector.broadcast %mul3A_701 : i32 to vector<16xi32>
      %mul3A_703 = arith.muli %add3A_700, %mul3A_702 : vector<16xi32>
      %broadcast_in_dim3A_704 = arith.constant 0.000000e+00 : f32
      %broadcast_in_dim3A_705 = vector.broadcast %broadcast_in_dim3A_704 : f32 to vector<16xf32>
      %broadcast_in_dim3A_706 = arith.constant 0 : i32
      %broadcast_in_dim3A_707 = vector.broadcast %broadcast_in_dim3A_706 : i32 to vector<16xi32>
      %gather3A_708 = tpu.vector_load_idx %arg8[%broadcast_in_dim3A_707, %get3A_697] : memref<4x10240xf32, #tpu.memory_space<vmem>>[vector<16xi32>, vector<16xi32>], vector<16xf32>,
      %sub3A_709 = arith.subf %broadcast_in_dim3A_650, %gather3A_708 : vector<16xf32>
      %add3A_710 = arith.constant 0 : i32
      %add3A_711 = vector.broadcast %add3A_710 : i32 to vector<16xi32>
      %add3A_712 = arith.addi %mul3A_703, %add3A_711 : vector<16xi32>
      tpu.vector_store_idx %arg13[%add3A_712], %sub3A_709 : memref<256xf32, #tpu.memory_space<vmem>>[vector<16xi32>], vector<16xf32>,
      %mul3A_713 = arith.mulf %sub3A_709, %sub3A_709 : vector<16xf32>
      %add3A_714 = arith.addf %broadcast_in_dim3A_705, %mul3A_713 : vector<16xf32>
      %broadcast_in_dim3A_715 = arith.constant 1 : i32
      %broadcast_in_dim3A_716 = vector.broadcast %broadcast_in_dim3A_715 : i32 to vector<16xi32>
      %gather3A_717 = tpu.vector_load_idx %arg8[%broadcast_in_dim3A_716, %get3A_697] : memref<4x10240xf32, #tpu.memory_space<vmem>>[vector<16xi32>, vector<16xi32>], vector<16xf32>,
      %sub3A_718 = arith.subf %broadcast_in_dim3A_653, %gather3A_717 : vector<16xf32>
      %add3A_719 = arith.constant 1 : i32
      %add3A_720 = vector.broadcast %add3A_719 : i32 to vector<16xi32>
      %add3A_721 = arith.addi %mul3A_703, %add3A_720 : vector<16xi32>
      tpu.vector_store_idx %arg13[%add3A_721], %sub3A_718 : memref<256xf32, #tpu.memory_space<vmem>>[vector<16xi32>], vector<16xf32>,
      %mul3A_722 = arith.mulf %sub3A_718, %sub3A_718 : vector<16xf32>
      %add3A_723 = arith.addf %add3A_714, %mul3A_722 : vector<16xf32>
      %broadcast_in_dim3A_724 = arith.constant 2 : i32
      %broadcast_in_dim3A_725 = vector.broadcast %broadcast_in_dim3A_724 : i32 to vector<16xi32>
      %gather3A_726 = tpu.vector_load_idx %arg8[%broadcast_in_dim3A_725, %get3A_697] : memref<4x10240xf32, #tpu.memory_space<vmem>>[vector<16xi32>, vector<16xi32>], vector<16xf32>,
      %sub3A_727 = arith.subf %broadcast_in_dim3A_656, %gather3A_726 : vector<16xf32>
      %add3A_728 = arith.constant 2 : i32
      %add3A_729 = vector.broadcast %add3A_728 : i32 to vector<16xi32>
      %add3A_730 = arith.addi %mul3A_703, %add3A_729 : vector<16xi32>
      tpu.vector_store_idx %arg13[%add3A_730], %sub3A_727 : memref<256xf32, #tpu.memory_space<vmem>>[vector<16xi32>], vector<16xf32>,
      %mul3A_731 = arith.mulf %sub3A_727, %sub3A_727 : vector<16xf32>
      %add3A_732 = arith.addf %add3A_723, %mul3A_731 : vector<16xf32>
      %add3A_733 = arith.constant 3 : i32
      %add3A_734 = vector.broadcast %add3A_733 : i32 to vector<16xi32>
      %add3A_735 = arith.addi %mul3A_703, %add3A_734 : vector<16xi32>
      tpu.vector_store_idx %arg13[%add3A_735], %add3A_732 : memref<256xf32, #tpu.memory_space<vmem>>[vector<16xi32>], vector<16xf32>,
      %get3A_736 = arith.constant 32 : index
      %get3A_737 = tpu.vector_load %arg12[%get3A_736] {strides = array<i32>} : memref<10256xi32, #tpu.memory_space<vmem>>, vector<16xi32>,
      %add3A_738 = arith.constant 32 : i32
      %add3A_739 = vector.broadcast %add3A_738 : i32 to vector<16xi32>
      %add3A_740 = arith.addi %iota3A, %add3A_739 : vector<16xi32>
      %mul3A_741 = arith.constant 4 : i32
      %mul3A_742 = vector.broadcast %mul3A_741 : i32 to vector<16xi32>
      %mul3A_743 = arith.muli %add3A_740, %mul3A_742 : vector<16xi32>
      %broadcast_in_dim3A_744 = arith.constant 0.000000e+00 : f32
      %broadcast_in_dim3A_745 = vector.broadcast %broadcast_in_dim3A_744 : f32 to vector<16xf32>
      %broadcast_in_dim3A_746 = arith.constant 0 : i32
      %broadcast_in_dim3A_747 = vector.broadcast %broadcast_in_dim3A_746 : i32 to vector<16xi32>
      %gather3A_748 = tpu.vector_load_idx %arg8[%broadcast_in_dim3A_747, %get3A_737] : memref<4x10240xf32, #tpu.memory_space<vmem>>[vector<16xi32>, vector<16xi32>], vector<16xf32>,
      %sub3A_749 = arith.subf %broadcast_in_dim3A_650, %gather3A_748 : vector<16xf32>
      %add3A_750 = arith.constant 0 : i32
      %add3A_751 = vector.broadcast %add3A_750 : i32 to vector<16xi32>
      %add3A_752 = arith.addi %mul3A_743, %add3A_751 : vector<16xi32>
      tpu.vector_store_idx %arg13[%add3A_752], %sub3A_749 : memref<256xf32, #tpu.memory_space<vmem>>[vector<16xi32>], vector<16xf32>,
      %mul3A_753 = arith.mulf %sub3A_749, %sub3A_749 : vector<16xf32>
      %add3A_754 = arith.addf %broadcast_in_dim3A_745, %mul3A_753 : vector<16xf32>
      %broadcast_in_dim3A_755 = arith.constant 1 : i32
      %broadcast_in_dim3A_756 = vector.broadcast %broadcast_in_dim3A_755 : i32 to vector<16xi32>
      %gather3A_757 = tpu.vector_load_idx %arg8[%broadcast_in_dim3A_756, %get3A_737] : memref<4x10240xf32, #tpu.memory_space<vmem>>[vector<16xi32>, vector<16xi32>], vector<16xf32>,
      %sub3A_758 = arith.subf %broadcast_in_dim3A_653, %gather3A_757 : vector<16xf32>
      %add3A_759 = arith.constant 1 : i32
      %add3A_760 = vector.broadcast %add3A_759 : i32 to vector<16xi32>
      %add3A_761 = arith.addi %mul3A_743, %add3A_760 : vector<16xi32>
      tpu.vector_store_idx %arg13[%add3A_761], %sub3A_758 : memref<256xf32, #tpu.memory_space<vmem>>[vector<16xi32>], vector<16xf32>,
      %mul3A_762 = arith.mulf %sub3A_758, %sub3A_758 : vector<16xf32>
      %add3A_763 = arith.addf %add3A_754, %mul3A_762 : vector<16xf32>
      %broadcast_in_dim3A_764 = arith.constant 2 : i32
      %broadcast_in_dim3A_765 = vector.broadcast %broadcast_in_dim3A_764 : i32 to vector<16xi32>
      %gather3A_766 = tpu.vector_load_idx %arg8[%broadcast_in_dim3A_765, %get3A_737] : memref<4x10240xf32, #tpu.memory_space<vmem>>[vector<16xi32>, vector<16xi32>], vector<16xf32>,
      %sub3A_767 = arith.subf %broadcast_in_dim3A_656, %gather3A_766 : vector<16xf32>
      %add3A_768 = arith.constant 2 : i32
      %add3A_769 = vector.broadcast %add3A_768 : i32 to vector<16xi32>
      %add3A_770 = arith.addi %mul3A_743, %add3A_769 : vector<16xi32>
      tpu.vector_store_idx %arg13[%add3A_770], %sub3A_767 : memref<256xf32, #tpu.memory_space<vmem>>[vector<16xi32>], vector<16xf32>,
      %mul3A_771 = arith.mulf %sub3A_767, %sub3A_767 : vector<16xf32>
      %add3A_772 = arith.addf %add3A_763, %mul3A_771 : vector<16xf32>
      %add3A_773 = arith.constant 3 : i32
      %add3A_774 = vector.broadcast %add3A_773 : i32 to vector<16xi32>
      %add3A_775 = arith.addi %mul3A_743, %add3A_774 : vector<16xi32>
      tpu.vector_store_idx %arg13[%add3A_775], %add3A_772 : memref<256xf32, #tpu.memory_space<vmem>>[vector<16xi32>], vector<16xf32>,
      %get3A_776 = arith.constant 48 : index
      %get3A_777 = tpu.vector_load %arg12[%get3A_776] {strides = array<i32>} : memref<10256xi32, #tpu.memory_space<vmem>>, vector<16xi32>,
      %add3A_778 = arith.constant 48 : i32
      %add3A_779 = vector.broadcast %add3A_778 : i32 to vector<16xi32>
      %add3A_780 = arith.addi %iota3A, %add3A_779 : vector<16xi32>
      %mul3A_781 = arith.constant 4 : i32
      %mul3A_782 = vector.broadcast %mul3A_781 : i32 to vector<16xi32>
      %mul3A_783 = arith.muli %add3A_780, %mul3A_782 : vector<16xi32>
      %broadcast_in_dim3A_784 = arith.constant 0.000000e+00 : f32
      %broadcast_in_dim3A_785 = vector.broadcast %broadcast_in_dim3A_784 : f32 to vector<16xf32>
      %broadcast_in_dim3A_786 = arith.constant 0 : i32
      %broadcast_in_dim3A_787 = vector.broadcast %broadcast_in_dim3A_786 : i32 to vector<16xi32>
      %gather3A_788 = tpu.vector_load_idx %arg8[%broadcast_in_dim3A_787, %get3A_777] : memref<4x10240xf32, #tpu.memory_space<vmem>>[vector<16xi32>, vector<16xi32>], vector<16xf32>,
      %sub3A_789 = arith.subf %broadcast_in_dim3A_650, %gather3A_788 : vector<16xf32>
      %add3A_790 = arith.constant 0 : i32
      %add3A_791 = vector.broadcast %add3A_790 : i32 to vector<16xi32>
      %add3A_792 = arith.addi %mul3A_783, %add3A_791 : vector<16xi32>
      tpu.vector_store_idx %arg13[%add3A_792], %sub3A_789 : memref<256xf32, #tpu.memory_space<vmem>>[vector<16xi32>], vector<16xf32>,
      %mul3A_793 = arith.mulf %sub3A_789, %sub3A_789 : vector<16xf32>
      %add3A_794 = arith.addf %broadcast_in_dim3A_785, %mul3A_793 : vector<16xf32>
      %broadcast_in_dim3A_795 = arith.constant 1 : i32
      %broadcast_in_dim3A_796 = vector.broadcast %broadcast_in_dim3A_795 : i32 to vector<16xi32>
      %gather3A_797 = tpu.vector_load_idx %arg8[%broadcast_in_dim3A_796, %get3A_777] : memref<4x10240xf32, #tpu.memory_space<vmem>>[vector<16xi32>, vector<16xi32>], vector<16xf32>,
      %sub3A_798 = arith.subf %broadcast_in_dim3A_653, %gather3A_797 : vector<16xf32>
      %add3A_799 = arith.constant 1 : i32
      %add3A_800 = vector.broadcast %add3A_799 : i32 to vector<16xi32>
      %add3A_801 = arith.addi %mul3A_783, %add3A_800 : vector<16xi32>
      tpu.vector_store_idx %arg13[%add3A_801], %sub3A_798 : memref<256xf32, #tpu.memory_space<vmem>>[vector<16xi32>], vector<16xf32>,
      %mul3A_802 = arith.mulf %sub3A_798, %sub3A_798 : vector<16xf32>
      %add3A_803 = arith.addf %add3A_794, %mul3A_802 : vector<16xf32>
      %broadcast_in_dim3A_804 = arith.constant 2 : i32
      %broadcast_in_dim3A_805 = vector.broadcast %broadcast_in_dim3A_804 : i32 to vector<16xi32>
      %gather3A_806 = tpu.vector_load_idx %arg8[%broadcast_in_dim3A_805, %get3A_777] : memref<4x10240xf32, #tpu.memory_space<vmem>>[vector<16xi32>, vector<16xi32>], vector<16xf32>,
      %sub3A_807 = arith.subf %broadcast_in_dim3A_656, %gather3A_806 : vector<16xf32>
      %add3A_808 = arith.constant 2 : i32
      %add3A_809 = vector.broadcast %add3A_808 : i32 to vector<16xi32>
      %add3A_810 = arith.addi %mul3A_783, %add3A_809 : vector<16xi32>
      tpu.vector_store_idx %arg13[%add3A_810], %sub3A_807 : memref<256xf32, #tpu.memory_space<vmem>>[vector<16xi32>], vector<16xf32>,
      %mul3A_811 = arith.mulf %sub3A_807, %sub3A_807 : vector<16xf32>
      %add3A_812 = arith.addf %add3A_803, %mul3A_811 : vector<16xf32>
      %add3A_813 = arith.constant 3 : i32
      %add3A_814 = vector.broadcast %add3A_813 : i32 to vector<16xi32>
      %add3A_815 = arith.addi %mul3A_783, %add3A_814 : vector<16xi32>
      tpu.vector_store_idx %arg13[%add3A_815], %add3A_812 : memref<256xf32, #tpu.memory_space<vmem>>[vector<16xi32>], vector<16xf32>,
      "tpu.region"() ({
        %run_scoped3A = tpu.sem_alloc : memref<!tpu.dma_semaphore, #tpu.memory_space<semaphore_mem>>
        %dma_start3A_816 = arith.constant 0 : i32
        %dma_start3A_817 = tpu.memref_slice %arg5[%add3A_26, %dma_start3A_816] : memref<2048x256xf32, #tpu.memory_space<hbm>> -> memref<1x256xf32, #tpu.memory_space<hbm>>
        %dma_start3A_818 = tpu.memref_squeeze %dma_start3A_817 : memref<1x256xf32, #tpu.memory_space<hbm>> -> memref<256xf32, #tpu.memory_space<hbm>>
        %dma_start3A_819 = arith.constant 0 : i32
        %dma_start3A_820 = tpu.memref_slice %arg5[%add3A_26, %dma_start3A_819] : memref<2048x256xf32, #tpu.memory_space<hbm>> -> memref<1x256xf32, #tpu.memory_space<hbm>>
        %dma_start3A_821 = tpu.memref_squeeze %dma_start3A_820 : memref<1x256xf32, #tpu.memory_space<hbm>> -> memref<256xf32, #tpu.memory_space<hbm>>
        tpu.enqueue_dma source(%arg13 : memref<256xf32, #tpu.memory_space<vmem>>) target(%dma_start3A_821 : memref<256xf32, #tpu.memory_space<hbm>>) target_semaphore(%run_scoped3A : memref<!tpu.dma_semaphore, #tpu.memory_space<semaphore_mem>>)
        %dma_wait3A = arith.constant 0 : i32
        %dma_wait3A_822 = tpu.memref_slice %arg5[%add3A_26, %dma_wait3A] : memref<2048x256xf32, #tpu.memory_space<hbm>> -> memref<1x256xf32, #tpu.memory_space<hbm>>
        %dma_wait3A_823 = tpu.memref_squeeze %dma_wait3A_822 : memref<1x256xf32, #tpu.memory_space<hbm>> -> memref<256xf32, #tpu.memory_space<hbm>>
        %dma_wait3A_824 = arith.constant 0 : i32
        %dma_wait3A_825 = tpu.memref_slice %arg5[%add3A_26, %dma_wait3A_824] : memref<2048x256xf32, #tpu.memory_space<hbm>> -> memref<1x256xf32, #tpu.memory_space<hbm>>
        %dma_wait3A_826 = tpu.memref_squeeze %dma_wait3A_825 : memref<1x256xf32, #tpu.memory_space<hbm>> -> memref<256xf32, #tpu.memory_space<hbm>>
        tpu.wait_dma2 semaphore(%run_scoped3A : memref<!tpu.dma_semaphore, #tpu.memory_space<semaphore_mem>>) src(%arg13 : memref<256xf32, #tpu.memory_space<vmem>>) dst(%dma_wait3A_826 : memref<256xf32, #tpu.memory_space<hbm>>)
        tpu.yield
      }) : () -> ()
    }
    %scan3A_24 = arith.constant 64 : i32
    return
  }
}

module attributes {stable_mosaic.version = 14 : i64} {
  func.func @_stage_a_body(%arg0: i32, %arg1: memref<128x1xi32, #tpu.memory_space<vmem>>, %arg2: memref<10240x8xf32, #tpu.memory_space<vmem>>, %arg3: memref<8x10240xf32, #tpu.memory_space<vmem>>, %arg4: memref<128x10240xi32, #tpu.memory_space<vmem>>, %arg5: memref<128x8xf32, #tpu.memory_space<vmem>>) attributes {dimension_semantics = [#tpu.dimension_semantics<arbitrary>], iteration_bounds = array<i64: 16>, scalar_prefetch = 0 : i64, scratch_operands = 0 : i64, tpu.core_type = #tpu.core_type<tc>, window_params = [{transform_indices = @transform_0, window_bounds = array<i64: 128, 1>}, {pipeline_mode = #tpu.pipeline_mode<synchronous>, transform_indices = @transform_1, window_bounds = array<i64: 10240, 8>}, {pipeline_mode = #tpu.pipeline_mode<synchronous>, transform_indices = @transform_2, window_bounds = array<i64: 8, 10240>}, {transform_indices = @transform_3, window_bounds = array<i64: 128, 10240>}, {transform_indices = @transform_4, window_bounds = array<i64: 128, 8>}]} {
    %get3A = arith.constant 0 : index
    %get3A_0 = arith.constant 0 : index
    %get3A_1 = vector.load %arg1[%get3A, %get3A_0] : memref<128x1xi32, #tpu.memory_space<vmem>>, vector<128x1xi32>
    %iota3A = tpu.iota {dimensions = array<i32: 1>} : vector<128x10240xi32>
    %eq3A = vector.broadcast %get3A_1 : vector<128x1xi32> to vector<128x10240xi32>
    %eq3A_2 = arith.cmpi eq, %iota3A, %eq3A : vector<128x10240xi32>
    %convert_element_type3A = arith.extui %eq3A_2 : vector<128x10240xi1> to vector<128x10240xi32>
    %convert_element_type3A_3 = arith.sitofp %convert_element_type3A : vector<128x10240xi32> to vector<128x10240xf32>
    %get3A_4 = arith.constant 0 : index
    %get3A_5 = arith.constant 0 : index
    %get3A_6 = vector.load %arg2[%get3A_4, %get3A_5] : memref<10240x8xf32, #tpu.memory_space<vmem>>, vector<10240x8xf32>
    %dot_general3A = arith.constant dense<0.000000e+00> : vector<128x8xf32>
    %dot_general3A_7 = tpu.matmul %convert_element_type3A_3, %get3A_6, %dot_general3A {dimension_numbers = #tpu.dot_dimension_numbers<[1], [0], [0], [1], [0, 0, 1, 1], [], []>, transpose_lhs_hint = false} : vector<128x10240xf32>, vector<10240x8xf32>, vector<128x8xf32> -> vector<128x8xf32>
    %swap3A = arith.constant 0 : index
    %swap3A_8 = arith.constant 0 : index
    %swap3A_9 = vector.load %arg5[%swap3A, %swap3A_8] : memref<128x8xf32, #tpu.memory_space<vmem>>, vector<128x8xf32>
    tpu.vector_store %arg5[%swap3A, %swap3A_8], %dot_general3A_7 {strides = array<i32>} : memref<128x8xf32, #tpu.memory_space<vmem>>, vector<128x8xf32>,
    %get3A_10 = arith.constant 0 : index
    %get3A_11 = arith.constant 0 : index
    %get3A_12 = vector.load %arg3[%get3A_10, %get3A_11] : memref<8x10240xf32, #tpu.memory_space<vmem>>, vector<8x10240xf32>
    %mul3A = arith.mulf %get3A_12, %get3A_12 : vector<8x10240xf32>
    %reduce_sum3A = arith.constant dense<0.000000e+00> : vector<10240xf32>
    %reduce_sum3A_13 = vector.multi_reduction <add>, %mul3A, %reduce_sum3A [0] : vector<8x10240xf32> to vector<10240xf32>
    %broadcast_in_dim3A = vector.shape_cast %reduce_sum3A_13 : vector<10240xf32> to vector<1x10240xf32>
    %mul3A_14 = arith.mulf %dot_general3A_7, %dot_general3A_7 : vector<128x8xf32>
    %reduce_sum3A_15 = arith.constant dense<0.000000e+00> : vector<128xf32>
    %reduce_sum3A_16 = vector.multi_reduction <add>, %mul3A_14, %reduce_sum3A_15 [1] : vector<128x8xf32> to vector<128xf32>
    %broadcast_in_dim3A_17 = vector.shape_cast %reduce_sum3A_16 : vector<128xf32> to vector<128x1xf32>
    %dot_general3A_18 = arith.constant dense<0.000000e+00> : vector<128x10240xf32>
    %dot_general3A_19 = tpu.matmul %dot_general3A_7, %get3A_12, %dot_general3A_18 {dimension_numbers = #tpu.dot_dimension_numbers<[1], [0], [0], [1], [0, 0, 1, 1], [], []>, transpose_lhs_hint = false} : vector<128x8xf32>, vector<8x10240xf32>, vector<128x10240xf32> -> vector<128x10240xf32>
    %add3A = vector.broadcast %broadcast_in_dim3A_17 : vector<128x1xf32> to vector<128x10240xf32>
    %add3A_20 = vector.broadcast %broadcast_in_dim3A : vector<1x10240xf32> to vector<128x10240xf32>
    %add3A_21 = arith.addf %add3A, %add3A_20 : vector<128x10240xf32>
    %mul3A_22 = arith.constant 2.000000e+00 : f32
    %mul3A_23 = vector.broadcast %mul3A_22 : f32 to vector<128x10240xf32>
    %mul3A_24 = arith.mulf %mul3A_23, %dot_general3A_19 : vector<128x10240xf32>
    %sub3A = arith.subf %add3A_21, %mul3A_24 : vector<128x10240xf32>
    %max3A = arith.constant 0.000000e+00 : f32
    %max3A_25 = vector.broadcast %max3A : f32 to vector<128x10240xf32>
    %max3A_26 = arith.maximumf %sub3A, %max3A_25 : vector<128x10240xf32>
    %bitcast_convert_type3A = tpu.bitcast %max3A_26 : vector<128x10240xf32> -> vector<128x10240xi32>
    %ge3A = arith.constant 10000 : i32
    %ge3A_27 = vector.broadcast %ge3A : i32 to vector<128x10240xi32>
    %ge3A_28 = arith.cmpi sge, %iota3A, %ge3A_27 : vector<128x10240xi32>
    %jit3A = arith.constant 2130706432 : i32
    %broadcast_in_dim3A_29 = vector.broadcast %jit3A : i32 to vector<128x10240xi32>
    %select_n3A = arith.select %ge3A_28, %broadcast_in_dim3A_29, %bitcast_convert_type3A : vector<128x10240xi1>, vector<128x10240xi32>
    %swap3A_30 = arith.constant 0 : index
    %swap3A_31 = arith.constant 0 : index
    %swap3A_32 = vector.load %arg4[%swap3A_30, %swap3A_31] : memref<128x10240xi32, #tpu.memory_space<vmem>>, vector<128x10240xi32>
    tpu.vector_store %arg4[%swap3A_30, %swap3A_31], %select_n3A {strides = array<i32>} : memref<128x10240xi32, #tpu.memory_space<vmem>>, vector<128x10240xi32>,
    return
  }
  func.func @transform_0(%arg0: i32) -> (i32, i32) {
    %c0_i32 = arith.constant 0 : i32
    %c0_i32_0 = arith.constant 0 : i32
    return %arg0, %c0_i32 : i32, i32
  }
  func.func @transform_1(%arg0: i32) -> (i32, i32) {
    %c0_i32 = arith.constant 0 : i32
    %c0_i32_0 = arith.constant 0 : i32
    %c0_i32_1 = arith.constant 0 : i32
    return %c0_i32, %c0_i32_0 : i32, i32
  }
  func.func @transform_2(%arg0: i32) -> (i32, i32) {
    %c0_i32 = arith.constant 0 : i32
    %c0_i32_0 = arith.constant 0 : i32
    %c0_i32_1 = arith.constant 0 : i32
    return %c0_i32, %c0_i32_0 : i32, i32
  }
  func.func @transform_3(%arg0: i32) -> (i32, i32) {
    %c0_i32 = arith.constant 0 : i32
    %c0_i32_0 = arith.constant 0 : i32
    return %arg0, %c0_i32 : i32, i32
  }
  func.func @transform_4(%arg0: i32) -> (i32, i32) {
    %c0_i32 = arith.constant 0 : i32
    %c0_i32_0 = arith.constant 0 : i32
    return %arg0, %c0_i32 : i32, i32
  }
}

module attributes {stable_mosaic.version = 14 : i64} {
  func.func @_stage_c_body(%arg0: i32, %arg1: memref<4096x4xf32, #tpu.memory_space<vmem>>, %arg2: memref<64x8xf32, #tpu.memory_space<vmem>>, %arg3: memref<256x256xf32, #tpu.memory_space<vmem>>, %arg4: memref<1x256xf32, #tpu.memory_space<vmem>>, %arg5: memref<256x256xf32, #tpu.memory_space<vmem>>, %arg6: memref<1x256xf32, #tpu.memory_space<vmem>>, %arg7: memref<512x256xf32, #tpu.memory_space<vmem>>, %arg8: memref<1x256xf32, #tpu.memory_space<vmem>>, %arg9: memref<64x256xf32, #tpu.memory_space<vmem>>) attributes {dimension_semantics = [#tpu.dimension_semantics<arbitrary>], iteration_bounds = array<i64: 32>, scalar_prefetch = 0 : i64, scratch_operands = 0 : i64, tpu.core_type = #tpu.core_type<tc>, window_params = [{transform_indices = @transform_0, window_bounds = array<i64: 4096, 4>}, {transform_indices = @transform_1, window_bounds = array<i64: 64, 8>}, {pipeline_mode = #tpu.pipeline_mode<synchronous>, transform_indices = @transform_2, window_bounds = array<i64: 256, 256>}, {pipeline_mode = #tpu.pipeline_mode<synchronous>, transform_indices = @transform_3, window_bounds = array<i64: 1, 256>}, {pipeline_mode = #tpu.pipeline_mode<synchronous>, transform_indices = @transform_4, window_bounds = array<i64: 256, 256>}, {pipeline_mode = #tpu.pipeline_mode<synchronous>, transform_indices = @transform_5, window_bounds = array<i64: 1, 256>}, {pipeline_mode = #tpu.pipeline_mode<synchronous>, transform_indices = @transform_6, window_bounds = array<i64: 512, 256>}, {pipeline_mode = #tpu.pipeline_mode<synchronous>, transform_indices = @transform_7, window_bounds = array<i64: 1, 256>}, {transform_indices = @transform_8, window_bounds = array<i64: 64, 256>}]} {
    %get3A = arith.constant 0 : index
    %get3A_0 = arith.constant 0 : index
    %get3A_1 = vector.load %arg1[%get3A, %get3A_0] : memref<4096x4xf32, #tpu.memory_space<vmem>>, vector<4096x4xf32>
    %slice3A = vector.extract_strided_slice %get3A_1 {offsets = [0, 3], sizes = [4096, 1], strides = [1, 1]} : vector<4096x4xf32> to vector<4096x1xf32>
    %max3A = arith.constant 0.000000e+00 : f32
    %max3A_2 = vector.broadcast %max3A : f32 to vector<4096x1xf32>
    %max3A_3 = arith.maximumf %slice3A, %max3A_2 : vector<4096x1xf32>
    %sqrt3A = math.sqrt %max3A_3 : vector<4096x1xf32>
    %slice3A_4 = vector.extract_strided_slice %get3A_1 {offsets = [0, 0], sizes = [4096, 1], strides = [1, 1]} : vector<4096x4xf32> to vector<4096x1xf32>
    %iota3A = tpu.iota {dimensions = array<i32: 1>} : vector<1x32xi32>
    %convert_element_type3A = arith.sitofp %iota3A : vector<1x32xi32> to vector<1x32xf32>
    %mul3A = arith.constant -0.287823141 : f32
    %mul3A_5 = vector.broadcast %mul3A : f32 to vector<1x32xf32>
    %mul3A_6 = arith.mulf %convert_element_type3A, %mul3A_5 : vector<1x32xf32>
    %exp3A = math.exp %mul3A_6 : vector<1x32xf32>
    %mul3A_7 = vector.broadcast %slice3A_4 : vector<4096x1xf32> to vector<4096x32xf32>
    %mul3A_8 = vector.broadcast %exp3A : vector<1x32xf32> to vector<4096x32xf32>
    %mul3A_9 = arith.mulf %mul3A_7, %mul3A_8 : vector<4096x32xf32>
    %mul3A_10 = arith.mulf %mul3A_9, %mul3A_9 : vector<4096x32xf32>
    %mul3A_11 = arith.constant -1.70339481E-4 : f32
    %mul3A_12 = vector.broadcast %mul3A_11 : f32 to vector<4096x32xf32>
    %mul3A_13 = arith.mulf %mul3A_10, %mul3A_12 : vector<4096x32xf32>
    %add3A = arith.constant 8.233720e-03 : f32
    %add3A_14 = vector.broadcast %add3A : f32 to vector<4096x32xf32>
    %add3A_15 = arith.addf %add3A_14, %mul3A_13 : vector<4096x32xf32>
    %mul3A_16 = arith.mulf %mul3A_10, %add3A_15 : vector<4096x32xf32>
    %add3A_17 = arith.constant -0.16653426 : f32
    %add3A_18 = vector.broadcast %add3A_17 : f32 to vector<4096x32xf32>
    %add3A_19 = arith.addf %add3A_18, %mul3A_16 : vector<4096x32xf32>
    %mul3A_20 = arith.mulf %mul3A_10, %add3A_19 : vector<4096x32xf32>
    %add3A_21 = arith.constant 0.999952256 : f32
    %add3A_22 = vector.broadcast %add3A_21 : f32 to vector<4096x32xf32>
    %add3A_23 = arith.addf %add3A_22, %mul3A_20 : vector<4096x32xf32>
    %mul3A_24 = arith.mulf %mul3A_9, %add3A_23 : vector<4096x32xf32>
    %mul3A_25 = arith.constant 2.16615244E-5 : f32
    %mul3A_26 = vector.broadcast %mul3A_25 : f32 to vector<4096x32xf32>
    %mul3A_27 = arith.mulf %mul3A_10, %mul3A_26 : vector<4096x32xf32>
    %add3A_28 = arith.constant -0.00137585972 : f32
    %add3A_29 = vector.broadcast %add3A_28 : f32 to vector<4096x32xf32>
    %add3A_30 = arith.addf %add3A_29, %mul3A_27 : vector<4096x32xf32>
    %mul3A_31 = arith.mulf %mul3A_10, %add3A_30 : vector<4096x32xf32>
    %add3A_32 = arith.constant 0.0416443758 : f32
    %add3A_33 = vector.broadcast %add3A_32 : f32 to vector<4096x32xf32>
    %add3A_34 = arith.addf %add3A_33, %mul3A_31 : vector<4096x32xf32>
    %mul3A_35 = arith.mulf %mul3A_10, %add3A_34 : vector<4096x32xf32>
    %add3A_36 = arith.constant -0.499986589 : f32
    %add3A_37 = vector.broadcast %add3A_36 : f32 to vector<4096x32xf32>
    %add3A_38 = arith.addf %add3A_37, %mul3A_35 : vector<4096x32xf32>
    %mul3A_39 = arith.mulf %mul3A_10, %add3A_38 : vector<4096x32xf32>
    %add3A_40 = arith.constant 0.999998688 : f32
    %add3A_41 = vector.broadcast %add3A_40 : f32 to vector<4096x32xf32>
    %add3A_42 = arith.addf %add3A_41, %mul3A_39 : vector<4096x32xf32>
    %slice3A_43 = vector.extract_strided_slice %get3A_1 {offsets = [0, 1], sizes = [4096, 1], strides = [1, 1]} : vector<4096x4xf32> to vector<4096x1xf32>
    %iota3A_44 = tpu.iota {dimensions = array<i32: 1>} : vector<1x32xi32>
    %convert_element_type3A_45 = arith.sitofp %iota3A_44 : vector<1x32xi32> to vector<1x32xf32>
    %mul3A_46 = arith.constant -0.287823141 : f32
    %mul3A_47 = vector.broadcast %mul3A_46 : f32 to vector<1x32xf32>
    %mul3A_48 = arith.mulf %convert_element_type3A_45, %mul3A_47 : vector<1x32xf32>
    %exp3A_49 = math.exp %mul3A_48 : vector<1x32xf32>
    %mul3A_50 = vector.broadcast %slice3A_43 : vector<4096x1xf32> to vector<4096x32xf32>
    %mul3A_51 = vector.broadcast %exp3A_49 : vector<1x32xf32> to vector<4096x32xf32>
    %mul3A_52 = arith.mulf %mul3A_50, %mul3A_51 : vector<4096x32xf32>
    %mul3A_53 = arith.mulf %mul3A_52, %mul3A_52 : vector<4096x32xf32>
    %mul3A_54 = arith.constant -1.70339481E-4 : f32
    %mul3A_55 = vector.broadcast %mul3A_54 : f32 to vector<4096x32xf32>
    %mul3A_56 = arith.mulf %mul3A_53, %mul3A_55 : vector<4096x32xf32>
    %add3A_57 = arith.constant 8.233720e-03 : f32
    %add3A_58 = vector.broadcast %add3A_57 : f32 to vector<4096x32xf32>
    %add3A_59 = arith.addf %add3A_58, %mul3A_56 : vector<4096x32xf32>
    %mul3A_60 = arith.mulf %mul3A_53, %add3A_59 : vector<4096x32xf32>
    %add3A_61 = arith.constant -0.16653426 : f32
    %add3A_62 = vector.broadcast %add3A_61 : f32 to vector<4096x32xf32>
    %add3A_63 = arith.addf %add3A_62, %mul3A_60 : vector<4096x32xf32>
    %mul3A_64 = arith.mulf %mul3A_53, %add3A_63 : vector<4096x32xf32>
    %add3A_65 = arith.constant 0.999952256 : f32
    %add3A_66 = vector.broadcast %add3A_65 : f32 to vector<4096x32xf32>
    %add3A_67 = arith.addf %add3A_66, %mul3A_64 : vector<4096x32xf32>
    %mul3A_68 = arith.mulf %mul3A_52, %add3A_67 : vector<4096x32xf32>
    %mul3A_69 = arith.constant 2.16615244E-5 : f32
    %mul3A_70 = vector.broadcast %mul3A_69 : f32 to vector<4096x32xf32>
    %mul3A_71 = arith.mulf %mul3A_53, %mul3A_70 : vector<4096x32xf32>
    %add3A_72 = arith.constant -0.00137585972 : f32
    %add3A_73 = vector.broadcast %add3A_72 : f32 to vector<4096x32xf32>
    %add3A_74 = arith.addf %add3A_73, %mul3A_71 : vector<4096x32xf32>
    %mul3A_75 = arith.mulf %mul3A_53, %add3A_74 : vector<4096x32xf32>
    %add3A_76 = arith.constant 0.0416443758 : f32
    %add3A_77 = vector.broadcast %add3A_76 : f32 to vector<4096x32xf32>
    %add3A_78 = arith.addf %add3A_77, %mul3A_75 : vector<4096x32xf32>
    %mul3A_79 = arith.mulf %mul3A_53, %add3A_78 : vector<4096x32xf32>
    %add3A_80 = arith.constant -0.499986589 : f32
    %add3A_81 = vector.broadcast %add3A_80 : f32 to vector<4096x32xf32>
    %add3A_82 = arith.addf %add3A_81, %mul3A_79 : vector<4096x32xf32>
    %mul3A_83 = arith.mulf %mul3A_53, %add3A_82 : vector<4096x32xf32>
    %add3A_84 = arith.constant 0.999998688 : f32
    %add3A_85 = vector.broadcast %add3A_84 : f32 to vector<4096x32xf32>
    %add3A_86 = arith.addf %add3A_85, %mul3A_83 : vector<4096x32xf32>
    %slice3A_87 = vector.extract_strided_slice %get3A_1 {offsets = [0, 2], sizes = [4096, 1], strides = [1, 1]} : vector<4096x4xf32> to vector<4096x1xf32>
    %iota3A_88 = tpu.iota {dimensions = array<i32: 1>} : vector<1x32xi32>
    %convert_element_type3A_89 = arith.sitofp %iota3A_88 : vector<1x32xi32> to vector<1x32xf32>
    %mul3A_90 = arith.constant -0.287823141 : f32
    %mul3A_91 = vector.broadcast %mul3A_90 : f32 to vector<1x32xf32>
    %mul3A_92 = arith.mulf %convert_element_type3A_89, %mul3A_91 : vector<1x32xf32>
    %exp3A_93 = math.exp %mul3A_92 : vector<1x32xf32>
    %mul3A_94 = vector.broadcast %slice3A_87 : vector<4096x1xf32> to vector<4096x32xf32>
    %mul3A_95 = vector.broadcast %exp3A_93 : vector<1x32xf32> to vector<4096x32xf32>
    %mul3A_96 = arith.mulf %mul3A_94, %mul3A_95 : vector<4096x32xf32>
    %mul3A_97 = arith.mulf %mul3A_96, %mul3A_96 : vector<4096x32xf32>
    %mul3A_98 = arith.constant -1.70339481E-4 : f32
    %mul3A_99 = vector.broadcast %mul3A_98 : f32 to vector<4096x32xf32>
    %mul3A_100 = arith.mulf %mul3A_97, %mul3A_99 : vector<4096x32xf32>
    %add3A_101 = arith.constant 8.233720e-03 : f32
    %add3A_102 = vector.broadcast %add3A_101 : f32 to vector<4096x32xf32>
    %add3A_103 = arith.addf %add3A_102, %mul3A_100 : vector<4096x32xf32>
    %mul3A_104 = arith.mulf %mul3A_97, %add3A_103 : vector<4096x32xf32>
    %add3A_105 = arith.constant -0.16653426 : f32
    %add3A_106 = vector.broadcast %add3A_105 : f32 to vector<4096x32xf32>
    %add3A_107 = arith.addf %add3A_106, %mul3A_104 : vector<4096x32xf32>
    %mul3A_108 = arith.mulf %mul3A_97, %add3A_107 : vector<4096x32xf32>
    %add3A_109 = arith.constant 0.999952256 : f32
    %add3A_110 = vector.broadcast %add3A_109 : f32 to vector<4096x32xf32>
    %add3A_111 = arith.addf %add3A_110, %mul3A_108 : vector<4096x32xf32>
    %mul3A_112 = arith.mulf %mul3A_96, %add3A_111 : vector<4096x32xf32>
    %mul3A_113 = arith.constant 2.16615244E-5 : f32
    %mul3A_114 = vector.broadcast %mul3A_113 : f32 to vector<4096x32xf32>
    %mul3A_115 = arith.mulf %mul3A_97, %mul3A_114 : vector<4096x32xf32>
    %add3A_116 = arith.constant -0.00137585972 : f32
    %add3A_117 = vector.broadcast %add3A_116 : f32 to vector<4096x32xf32>
    %add3A_118 = arith.addf %add3A_117, %mul3A_115 : vector<4096x32xf32>
    %mul3A_119 = arith.mulf %mul3A_97, %add3A_118 : vector<4096x32xf32>
    %add3A_120 = arith.constant 0.0416443758 : f32
    %add3A_121 = vector.broadcast %add3A_120 : f32 to vector<4096x32xf32>
    %add3A_122 = arith.addf %add3A_121, %mul3A_119 : vector<4096x32xf32>
    %mul3A_123 = arith.mulf %mul3A_97, %add3A_122 : vector<4096x32xf32>
    %add3A_124 = arith.constant -0.499986589 : f32
    %add3A_125 = vector.broadcast %add3A_124 : f32 to vector<4096x32xf32>
    %add3A_126 = arith.addf %add3A_125, %mul3A_123 : vector<4096x32xf32>
    %mul3A_127 = arith.mulf %mul3A_97, %add3A_126 : vector<4096x32xf32>
    %add3A_128 = arith.constant 0.999998688 : f32
    %add3A_129 = vector.broadcast %add3A_128 : f32 to vector<4096x32xf32>
    %add3A_130 = arith.addf %add3A_129, %mul3A_127 : vector<4096x32xf32>
    %iota3A_131 = tpu.iota {dimensions = array<i32: 1>} : vector<1x32xi32>
    %convert_element_type3A_132 = arith.sitofp %iota3A_131 : vector<1x32xi32> to vector<1x32xf32>
    %mul3A_133 = arith.constant -0.287823141 : f32
    %mul3A_134 = vector.broadcast %mul3A_133 : f32 to vector<1x32xf32>
    %mul3A_135 = arith.mulf %convert_element_type3A_132, %mul3A_134 : vector<1x32xf32>
    %exp3A_136 = math.exp %mul3A_135 : vector<1x32xf32>
    %mul3A_137 = vector.broadcast %sqrt3A : vector<4096x1xf32> to vector<4096x32xf32>
    %mul3A_138 = vector.broadcast %exp3A_136 : vector<1x32xf32> to vector<4096x32xf32>
    %mul3A_139 = arith.mulf %mul3A_137, %mul3A_138 : vector<4096x32xf32>
    %mul3A_140 = arith.mulf %mul3A_139, %mul3A_139 : vector<4096x32xf32>
    %mul3A_141 = arith.constant -1.70339481E-4 : f32
    %mul3A_142 = vector.broadcast %mul3A_141 : f32 to vector<4096x32xf32>
    %mul3A_143 = arith.mulf %mul3A_140, %mul3A_142 : vector<4096x32xf32>
    %add3A_144 = arith.constant 8.233720e-03 : f32
    %add3A_145 = vector.broadcast %add3A_144 : f32 to vector<4096x32xf32>
    %add3A_146 = arith.addf %add3A_145, %mul3A_143 : vector<4096x32xf32>
    %mul3A_147 = arith.mulf %mul3A_140, %add3A_146 : vector<4096x32xf32>
    %add3A_148 = arith.constant -0.16653426 : f32
    %add3A_149 = vector.broadcast %add3A_148 : f32 to vector<4096x32xf32>
    %add3A_150 = arith.addf %add3A_149, %mul3A_147 : vector<4096x32xf32>
    %mul3A_151 = arith.mulf %mul3A_140, %add3A_150 : vector<4096x32xf32>
    %add3A_152 = arith.constant 0.999952256 : f32
    %add3A_153 = vector.broadcast %add3A_152 : f32 to vector<4096x32xf32>
    %add3A_154 = arith.addf %add3A_153, %mul3A_151 : vector<4096x32xf32>
    %mul3A_155 = arith.mulf %mul3A_139, %add3A_154 : vector<4096x32xf32>
    %mul3A_156 = arith.constant 2.16615244E-5 : f32
    %mul3A_157 = vector.broadcast %mul3A_156 : f32 to vector<4096x32xf32>
    %mul3A_158 = arith.mulf %mul3A_140, %mul3A_157 : vector<4096x32xf32>
    %add3A_159 = arith.constant -0.00137585972 : f32
    %add3A_160 = vector.broadcast %add3A_159 : f32 to vector<4096x32xf32>
    %add3A_161 = arith.addf %add3A_160, %mul3A_158 : vector<4096x32xf32>
    %mul3A_162 = arith.mulf %mul3A_140, %add3A_161 : vector<4096x32xf32>
    %add3A_163 = arith.constant 0.0416443758 : f32
    %add3A_164 = vector.broadcast %add3A_163 : f32 to vector<4096x32xf32>
    %add3A_165 = arith.addf %add3A_164, %mul3A_162 : vector<4096x32xf32>
    %mul3A_166 = arith.mulf %mul3A_140, %add3A_165 : vector<4096x32xf32>
    %add3A_167 = arith.constant -0.499986589 : f32
    %add3A_168 = vector.broadcast %add3A_167 : f32 to vector<4096x32xf32>
    %add3A_169 = arith.addf %add3A_168, %mul3A_166 : vector<4096x32xf32>
    %mul3A_170 = arith.mulf %mul3A_140, %add3A_169 : vector<4096x32xf32>
    %add3A_171 = arith.constant 0.999998688 : f32
    %add3A_172 = vector.broadcast %add3A_171 : f32 to vector<4096x32xf32>
    %add3A_173 = arith.addf %add3A_172, %mul3A_170 : vector<4096x32xf32>
    %concatenate3A = tpu.concatenate %mul3A_24, %add3A_42, %mul3A_68, %add3A_86, %mul3A_112, %add3A_130, %mul3A_155, %add3A_173 in 1 : vector<4096x32xf32>, vector<4096x32xf32>, vector<4096x32xf32>, vector<4096x32xf32>, vector<4096x32xf32>, vector<4096x32xf32>, vector<4096x32xf32>, vector<4096x32xf32> -> vector<4096x256xf32>
    %get3A_174 = arith.constant 0 : index
    %get3A_175 = arith.constant 0 : index
    %get3A_176 = vector.load %arg3[%get3A_174, %get3A_175] : memref<256x256xf32, #tpu.memory_space<vmem>>, vector<256x256xf32>
    %dot_general3A = arith.constant dense<0.000000e+00> : vector<4096x256xf32>
    %dot_general3A_177 = tpu.matmul %concatenate3A, %get3A_176, %dot_general3A {dimension_numbers = #tpu.dot_dimension_numbers<[1], [0], [0], [1], [0, 0, 1, 1], [], []>, transpose_lhs_hint = false} : vector<4096x256xf32>, vector<256x256xf32>, vector<4096x256xf32> -> vector<4096x256xf32>
    %get3A_178 = arith.constant 0 : index
    %get3A_179 = arith.constant 0 : index
    %get3A_180 = vector.load %arg4[%get3A_178, %get3A_179] : memref<1x256xf32, #tpu.memory_space<vmem>>, vector<1x256xf32>
    %add3A_181 = vector.broadcast %get3A_180 : vector<1x256xf32> to vector<4096x256xf32>
    %add3A_182 = arith.addf %dot_general3A_177, %add3A_181 : vector<4096x256xf32>
    %integer_pow3A = arith.mulf %add3A_182, %add3A_182 : vector<4096x256xf32>
    %integer_pow3A_183 = arith.mulf %add3A_182, %integer_pow3A : vector<4096x256xf32>
    %mul3A_184 = arith.constant 4.471500e-02 : f32
    %mul3A_185 = vector.broadcast %mul3A_184 : f32 to vector<4096x256xf32>
    %mul3A_186 = arith.mulf %mul3A_185, %integer_pow3A_183 : vector<4096x256xf32>
    %add3A_187 = arith.addf %add3A_182, %mul3A_186 : vector<4096x256xf32>
    %mul3A_188 = arith.constant 0.797884583 : f32
    %mul3A_189 = vector.broadcast %mul3A_188 : f32 to vector<4096x256xf32>
    %mul3A_190 = arith.mulf %mul3A_189, %add3A_187 : vector<4096x256xf32>
    %tanh3A = math.tanh %mul3A_190 : vector<4096x256xf32>
    %add3A_191 = arith.constant 1.000000e+00 : f32
    %add3A_192 = vector.broadcast %add3A_191 : f32 to vector<4096x256xf32>
    %add3A_193 = arith.addf %add3A_192, %tanh3A : vector<4096x256xf32>
    %mul3A_194 = arith.constant 5.000000e-01 : f32
    %mul3A_195 = vector.broadcast %mul3A_194 : f32 to vector<4096x256xf32>
    %mul3A_196 = arith.mulf %mul3A_195, %add3A_193 : vector<4096x256xf32>
    %mul3A_197 = arith.mulf %add3A_182, %mul3A_196 : vector<4096x256xf32>
    %reshape3A = vector.shape_cast %mul3A_197 : vector<4096x256xf32> to vector<64x64x256xf32>
    %reduce_sum3A = arith.constant dense<0.000000e+00> : vector<64x256xf32>
    %reduce_sum3A_198 = vector.multi_reduction <add>, %reshape3A, %reduce_sum3A [1] : vector<64x64x256xf32> to vector<64x256xf32>
    %mul3A_199 = arith.constant 1.562500e-02 : f32
    %mul3A_200 = vector.broadcast %mul3A_199 : f32 to vector<64x256xf32>
    %mul3A_201 = arith.mulf %reduce_sum3A_198, %mul3A_200 : vector<64x256xf32>
    %get3A_202 = arith.constant 0 : index
    %get3A_203 = arith.constant 0 : index
    %get3A_204 = vector.load %arg5[%get3A_202, %get3A_203] : memref<256x256xf32, #tpu.memory_space<vmem>>, vector<256x256xf32>
    %dot_general3A_205 = arith.constant dense<0.000000e+00> : vector<64x256xf32>
    %dot_general3A_206 = tpu.matmul %mul3A_201, %get3A_204, %dot_general3A_205 {dimension_numbers = #tpu.dot_dimension_numbers<[1], [0], [0], [1], [0, 0, 1, 1], [], []>, transpose_lhs_hint = false} : vector<64x256xf32>, vector<256x256xf32>, vector<64x256xf32> -> vector<64x256xf32>
    %get3A_207 = arith.constant 0 : index
    %get3A_208 = arith.constant 0 : index
    %get3A_209 = vector.load %arg6[%get3A_207, %get3A_208] : memref<1x256xf32, #tpu.memory_space<vmem>>, vector<1x256xf32>
    %add3A_210 = vector.broadcast %get3A_209 : vector<1x256xf32> to vector<64x256xf32>
    %add3A_211 = arith.addf %dot_general3A_206, %add3A_210 : vector<64x256xf32>
    %get3A_212 = arith.constant 0 : index
    %get3A_213 = arith.constant 0 : index
    %get3A_214 = vector.load %arg2[%get3A_212, %get3A_213] : memref<64x8xf32, #tpu.memory_space<vmem>>, vector<64x8xf32>
    %slice3A_215 = vector.extract_strided_slice %get3A_214 {offsets = [0, 0], sizes = [64, 1], strides = [1, 1]} : vector<64x8xf32> to vector<64x1xf32>
    %iota3A_216 = tpu.iota {dimensions = array<i32: 1>} : vector<1x42xi32>
    %convert_element_type3A_217 = arith.sitofp %iota3A_216 : vector<1x42xi32> to vector<1x42xf32>
    %mul3A_218 = arith.constant -0.219293818 : f32
    %mul3A_219 = vector.broadcast %mul3A_218 : f32 to vector<1x42xf32>
    %mul3A_220 = arith.mulf %convert_element_type3A_217, %mul3A_219 : vector<1x42xf32>
    %exp3A_221 = math.exp %mul3A_220 : vector<1x42xf32>
    %mul3A_222 = vector.broadcast %slice3A_215 : vector<64x1xf32> to vector<64x42xf32>
    %mul3A_223 = vector.broadcast %exp3A_221 : vector<1x42xf32> to vector<64x42xf32>
    %mul3A_224 = arith.mulf %mul3A_222, %mul3A_223 : vector<64x42xf32>
    %mul3A_225 = arith.mulf %mul3A_224, %mul3A_224 : vector<64x42xf32>
    %mul3A_226 = arith.constant -1.70339481E-4 : f32
    %mul3A_227 = vector.broadcast %mul3A_226 : f32 to vector<64x42xf32>
    %mul3A_228 = arith.mulf %mul3A_225, %mul3A_227 : vector<64x42xf32>
    %add3A_229 = arith.constant 8.233720e-03 : f32
    %add3A_230 = vector.broadcast %add3A_229 : f32 to vector<64x42xf32>
    %add3A_231 = arith.addf %add3A_230, %mul3A_228 : vector<64x42xf32>
    %mul3A_232 = arith.mulf %mul3A_225, %add3A_231 : vector<64x42xf32>
    %add3A_233 = arith.constant -0.16653426 : f32
    %add3A_234 = vector.broadcast %add3A_233 : f32 to vector<64x42xf32>
    %add3A_235 = arith.addf %add3A_234, %mul3A_232 : vector<64x42xf32>
    %mul3A_236 = arith.mulf %mul3A_225, %add3A_235 : vector<64x42xf32>
    %add3A_237 = arith.constant 0.999952256 : f32
    %add3A_238 = vector.broadcast %add3A_237 : f32 to vector<64x42xf32>
    %add3A_239 = arith.addf %add3A_238, %mul3A_236 : vector<64x42xf32>
    %mul3A_240 = arith.mulf %mul3A_224, %add3A_239 : vector<64x42xf32>
    %mul3A_241 = arith.constant 2.16615244E-5 : f32
    %mul3A_242 = vector.broadcast %mul3A_241 : f32 to vector<64x42xf32>
    %mul3A_243 = arith.mulf %mul3A_225, %mul3A_242 : vector<64x42xf32>
    %add3A_244 = arith.constant -0.00137585972 : f32
    %add3A_245 = vector.broadcast %add3A_244 : f32 to vector<64x42xf32>
    %add3A_246 = arith.addf %add3A_245, %mul3A_243 : vector<64x42xf32>
    %mul3A_247 = arith.mulf %mul3A_225, %add3A_246 : vector<64x42xf32>
    %add3A_248 = arith.constant 0.0416443758 : f32
    %add3A_249 = vector.broadcast %add3A_248 : f32 to vector<64x42xf32>
    %add3A_250 = arith.addf %add3A_249, %mul3A_247 : vector<64x42xf32>
    %mul3A_251 = arith.mulf %mul3A_225, %add3A_250 : vector<64x42xf32>
    %add3A_252 = arith.constant -0.499986589 : f32
    %add3A_253 = vector.broadcast %add3A_252 : f32 to vector<64x42xf32>
    %add3A_254 = arith.addf %add3A_253, %mul3A_251 : vector<64x42xf32>
    %mul3A_255 = arith.mulf %mul3A_225, %add3A_254 : vector<64x42xf32>
    %add3A_256 = arith.constant 0.999998688 : f32
    %add3A_257 = vector.broadcast %add3A_256 : f32 to vector<64x42xf32>
    %add3A_258 = arith.addf %add3A_257, %mul3A_255 : vector<64x42xf32>
    %slice3A_259 = vector.extract_strided_slice %get3A_214 {offsets = [0, 1], sizes = [64, 1], strides = [1, 1]} : vector<64x8xf32> to vector<64x1xf32>
    %iota3A_260 = tpu.iota {dimensions = array<i32: 1>} : vector<1x42xi32>
    %convert_element_type3A_261 = arith.sitofp %iota3A_260 : vector<1x42xi32> to vector<1x42xf32>
    %mul3A_262 = arith.constant -0.219293818 : f32
    %mul3A_263 = vector.broadcast %mul3A_262 : f32 to vector<1x42xf32>
    %mul3A_264 = arith.mulf %convert_element_type3A_261, %mul3A_263 : vector<1x42xf32>
    %exp3A_265 = math.exp %mul3A_264 : vector<1x42xf32>
    %mul3A_266 = vector.broadcast %slice3A_259 : vector<64x1xf32> to vector<64x42xf32>
    %mul3A_267 = vector.broadcast %exp3A_265 : vector<1x42xf32> to vector<64x42xf32>
    %mul3A_268 = arith.mulf %mul3A_266, %mul3A_267 : vector<64x42xf32>
    %mul3A_269 = arith.mulf %mul3A_268, %mul3A_268 : vector<64x42xf32>
    %mul3A_270 = arith.constant -1.70339481E-4 : f32
    %mul3A_271 = vector.broadcast %mul3A_270 : f32 to vector<64x42xf32>
    %mul3A_272 = arith.mulf %mul3A_269, %mul3A_271 : vector<64x42xf32>
    %add3A_273 = arith.constant 8.233720e-03 : f32
    %add3A_274 = vector.broadcast %add3A_273 : f32 to vector<64x42xf32>
    %add3A_275 = arith.addf %add3A_274, %mul3A_272 : vector<64x42xf32>
    %mul3A_276 = arith.mulf %mul3A_269, %add3A_275 : vector<64x42xf32>
    %add3A_277 = arith.constant -0.16653426 : f32
    %add3A_278 = vector.broadcast %add3A_277 : f32 to vector<64x42xf32>
    %add3A_279 = arith.addf %add3A_278, %mul3A_276 : vector<64x42xf32>
    %mul3A_280 = arith.mulf %mul3A_269, %add3A_279 : vector<64x42xf32>
    %add3A_281 = arith.constant 0.999952256 : f32
    %add3A_282 = vector.broadcast %add3A_281 : f32 to vector<64x42xf32>
    %add3A_283 = arith.addf %add3A_282, %mul3A_280 : vector<64x42xf32>
    %mul3A_284 = arith.mulf %mul3A_268, %add3A_283 : vector<64x42xf32>
    %mul3A_285 = arith.constant 2.16615244E-5 : f32
    %mul3A_286 = vector.broadcast %mul3A_285 : f32 to vector<64x42xf32>
    %mul3A_287 = arith.mulf %mul3A_269, %mul3A_286 : vector<64x42xf32>
    %add3A_288 = arith.constant -0.00137585972 : f32
    %add3A_289 = vector.broadcast %add3A_288 : f32 to vector<64x42xf32>
    %add3A_290 = arith.addf %add3A_289, %mul3A_287 : vector<64x42xf32>
    %mul3A_291 = arith.mulf %mul3A_269, %add3A_290 : vector<64x42xf32>
    %add3A_292 = arith.constant 0.0416443758 : f32
    %add3A_293 = vector.broadcast %add3A_292 : f32 to vector<64x42xf32>
    %add3A_294 = arith.addf %add3A_293, %mul3A_291 : vector<64x42xf32>
    %mul3A_295 = arith.mulf %mul3A_269, %add3A_294 : vector<64x42xf32>
    %add3A_296 = arith.constant -0.499986589 : f32
    %add3A_297 = vector.broadcast %add3A_296 : f32 to vector<64x42xf32>
    %add3A_298 = arith.addf %add3A_297, %mul3A_295 : vector<64x42xf32>
    %mul3A_299 = arith.mulf %mul3A_269, %add3A_298 : vector<64x42xf32>
    %add3A_300 = arith.constant 0.999998688 : f32
    %add3A_301 = vector.broadcast %add3A_300 : f32 to vector<64x42xf32>
    %add3A_302 = arith.addf %add3A_301, %mul3A_299 : vector<64x42xf32>
    %slice3A_303 = vector.extract_strided_slice %get3A_214 {offsets = [0, 2], sizes = [64, 1], strides = [1, 1]} : vector<64x8xf32> to vector<64x1xf32>
    %iota3A_304 = tpu.iota {dimensions = array<i32: 1>} : vector<1x42xi32>
    %convert_element_type3A_305 = arith.sitofp %iota3A_304 : vector<1x42xi32> to vector<1x42xf32>
    %mul3A_306 = arith.constant -0.219293818 : f32
    %mul3A_307 = vector.broadcast %mul3A_306 : f32 to vector<1x42xf32>
    %mul3A_308 = arith.mulf %convert_element_type3A_305, %mul3A_307 : vector<1x42xf32>
    %exp3A_309 = math.exp %mul3A_308 : vector<1x42xf32>
    %mul3A_310 = vector.broadcast %slice3A_303 : vector<64x1xf32> to vector<64x42xf32>
    %mul3A_311 = vector.broadcast %exp3A_309 : vector<1x42xf32> to vector<64x42xf32>
    %mul3A_312 = arith.mulf %mul3A_310, %mul3A_311 : vector<64x42xf32>
    %mul3A_313 = arith.mulf %mul3A_312, %mul3A_312 : vector<64x42xf32>
    %mul3A_314 = arith.constant -1.70339481E-4 : f32
    %mul3A_315 = vector.broadcast %mul3A_314 : f32 to vector<64x42xf32>
    %mul3A_316 = arith.mulf %mul3A_313, %mul3A_315 : vector<64x42xf32>
    %add3A_317 = arith.constant 8.233720e-03 : f32
    %add3A_318 = vector.broadcast %add3A_317 : f32 to vector<64x42xf32>
    %add3A_319 = arith.addf %add3A_318, %mul3A_316 : vector<64x42xf32>
    %mul3A_320 = arith.mulf %mul3A_313, %add3A_319 : vector<64x42xf32>
    %add3A_321 = arith.constant -0.16653426 : f32
    %add3A_322 = vector.broadcast %add3A_321 : f32 to vector<64x42xf32>
    %add3A_323 = arith.addf %add3A_322, %mul3A_320 : vector<64x42xf32>
    %mul3A_324 = arith.mulf %mul3A_313, %add3A_323 : vector<64x42xf32>
    %add3A_325 = arith.constant 0.999952256 : f32
    %add3A_326 = vector.broadcast %add3A_325 : f32 to vector<64x42xf32>
    %add3A_327 = arith.addf %add3A_326, %mul3A_324 : vector<64x42xf32>
    %mul3A_328 = arith.mulf %mul3A_312, %add3A_327 : vector<64x42xf32>
    %mul3A_329 = arith.constant 2.16615244E-5 : f32
    %mul3A_330 = vector.broadcast %mul3A_329 : f32 to vector<64x42xf32>
    %mul3A_331 = arith.mulf %mul3A_313, %mul3A_330 : vector<64x42xf32>
    %add3A_332 = arith.constant -0.00137585972 : f32
    %add3A_333 = vector.broadcast %add3A_332 : f32 to vector<64x42xf32>
    %add3A_334 = arith.addf %add3A_333, %mul3A_331 : vector<64x42xf32>
    %mul3A_335 = arith.mulf %mul3A_313, %add3A_334 : vector<64x42xf32>
    %add3A_336 = arith.constant 0.0416443758 : f32
    %add3A_337 = vector.broadcast %add3A_336 : f32 to vector<64x42xf32>
    %add3A_338 = arith.addf %add3A_337, %mul3A_335 : vector<64x42xf32>
    %mul3A_339 = arith.mulf %mul3A_313, %add3A_338 : vector<64x42xf32>
    %add3A_340 = arith.constant -0.499986589 : f32
    %add3A_341 = vector.broadcast %add3A_340 : f32 to vector<64x42xf32>
    %add3A_342 = arith.addf %add3A_341, %mul3A_339 : vector<64x42xf32>
    %mul3A_343 = arith.mulf %mul3A_313, %add3A_342 : vector<64x42xf32>
    %add3A_344 = arith.constant 0.999998688 : f32
    %add3A_345 = vector.broadcast %add3A_344 : f32 to vector<64x42xf32>
    %add3A_346 = arith.addf %add3A_345, %mul3A_343 : vector<64x42xf32>
    %broadcast_in_dim3A = arith.constant 0.000000e+00 : f32
    %broadcast_in_dim3A_347 = vector.broadcast %broadcast_in_dim3A : f32 to vector<64x4xf32>
    %concatenate3A_348 = tpu.concatenate %mul3A_240, %add3A_258, %mul3A_284, %add3A_302, %mul3A_328, %add3A_346, %broadcast_in_dim3A_347 in 1 : vector<64x42xf32>, vector<64x42xf32>, vector<64x42xf32>, vector<64x42xf32>, vector<64x42xf32>, vector<64x42xf32>, vector<64x4xf32> -> vector<64x256xf32>
    %get3A_349 = arith.constant 0 : index
    %get3A_350 = arith.constant 0 : index
    %get3A_351 = vector.load %arg7[%get3A_349, %get3A_350] : memref<512x256xf32, #tpu.memory_space<vmem>>, vector<256x256xf32>
    %dot_general3A_352 = arith.constant dense<0.000000e+00> : vector<64x256xf32>
    %dot_general3A_353 = tpu.matmul %add3A_211, %get3A_351, %dot_general3A_352 {dimension_numbers = #tpu.dot_dimension_numbers<[1], [0], [0], [1], [0, 0, 1, 1], [], []>, transpose_lhs_hint = false} : vector<64x256xf32>, vector<256x256xf32>, vector<64x256xf32> -> vector<64x256xf32>
    %get3A_354 = arith.constant 256 : index
    %get3A_355 = arith.constant 0 : index
    %get3A_356 = vector.load %arg7[%get3A_354, %get3A_355] : memref<512x256xf32, #tpu.memory_space<vmem>>, vector<256x256xf32>
    %dot_general3A_357 = arith.constant dense<0.000000e+00> : vector<64x256xf32>
    %dot_general3A_358 = tpu.matmul %concatenate3A_348, %get3A_356, %dot_general3A_357 {dimension_numbers = #tpu.dot_dimension_numbers<[1], [0], [0], [1], [0, 0, 1, 1], [], []>, transpose_lhs_hint = false} : vector<64x256xf32>, vector<256x256xf32>, vector<64x256xf32> -> vector<64x256xf32>
    %add3A_359 = arith.addf %dot_general3A_353, %dot_general3A_358 : vector<64x256xf32>
    %get3A_360 = arith.constant 0 : index
    %get3A_361 = arith.constant 0 : index
    %get3A_362 = vector.load %arg8[%get3A_360, %get3A_361] : memref<1x256xf32, #tpu.memory_space<vmem>>, vector<1x256xf32>
    %add3A_363 = vector.broadcast %get3A_362 : vector<1x256xf32> to vector<64x256xf32>
    %add3A_364 = arith.addf %add3A_359, %add3A_363 : vector<64x256xf32>
    %swap3A = arith.constant 0 : index
    %swap3A_365 = arith.constant 0 : index
    %swap3A_366 = vector.load %arg9[%swap3A, %swap3A_365] : memref<64x256xf32, #tpu.memory_space<vmem>>, vector<64x256xf32>
    tpu.vector_store %arg9[%swap3A, %swap3A_365], %add3A_364 {strides = array<i32>} : memref<64x256xf32, #tpu.memory_space<vmem>>, vector<64x256xf32>,
    return
  }
  func.func @transform_0(%arg0: i32) -> (i32, i32) {
    %c0_i32 = arith.constant 0 : i32
    %c0_i32_0 = arith.constant 0 : i32
    return %arg0, %c0_i32 : i32, i32
  }
  func.func @transform_1(%arg0: i32) -> (i32, i32) {
    %c0_i32 = arith.constant 0 : i32
    %c0_i32_0 = arith.constant 0 : i32
    return %arg0, %c0_i32 : i32, i32
  }
  func.func @transform_2(%arg0: i32) -> (i32, i32) {
    %c0_i32 = arith.constant 0 : i32
    %c0_i32_0 = arith.constant 0 : i32
    %c0_i32_1 = arith.constant 0 : i32
    return %c0_i32, %c0_i32_0 : i32, i32
  }
  func.func @transform_3(%arg0: i32) -> (i32, i32) {
    %c0_i32 = arith.constant 0 : i32
    %c0_i32_0 = arith.constant 0 : i32
    %c0_i32_1 = arith.constant 0 : i32
    return %c0_i32, %c0_i32_0 : i32, i32
  }
  func.func @transform_4(%arg0: i32) -> (i32, i32) {
    %c0_i32 = arith.constant 0 : i32
    %c0_i32_0 = arith.constant 0 : i32
    %c0_i32_1 = arith.constant 0 : i32
    return %c0_i32, %c0_i32_0 : i32, i32
  }
  func.func @transform_5(%arg0: i32) -> (i32, i32) {
    %c0_i32 = arith.constant 0 : i32
    %c0_i32_0 = arith.constant 0 : i32
    %c0_i32_1 = arith.constant 0 : i32
    return %c0_i32, %c0_i32_0 : i32, i32
  }
  func.func @transform_6(%arg0: i32) -> (i32, i32) {
    %c0_i32 = arith.constant 0 : i32
    %c0_i32_0 = arith.constant 0 : i32
    %c0_i32_1 = arith.constant 0 : i32
    return %c0_i32, %c0_i32_0 : i32, i32
  }
  func.func @transform_7(%arg0: i32) -> (i32, i32) {
    %c0_i32 = arith.constant 0 : i32
    %c0_i32_0 = arith.constant 0 : i32
    %c0_i32_1 = arith.constant 0 : i32
    return %c0_i32, %c0_i32_0 : i32, i32
  }
  func.func @transform_8(%arg0: i32) -> (i32, i32) {
    %c0_i32 = arith.constant 0 : i32
    %c0_i32_0 = arith.constant 0 : i32
    return %arg0, %c0_i32 : i32, i32
  }
}

</mosaic_0001>

<sc_bundles>
// kernel: kernel.5.cloned.1.call-start
scs
__scs_entry_jumppad:
0x0: {  	(pc) =	sbr.rel $0x88, $3  }
0x1: {  	(tag) =	ssettag $0x0;
	lr =	simm.s32 $0x1  }
0x2: {  	[smem:$0x3F99] =	sst lr;
	_ =	strace $0xD0000000  }
0x3: {  	_ = 	snop  }
0x4: {  	_ = 	snop  }
0x5: {  	_ = 	snop  }
0x6: {  	_ = 	snop  }
0x7: {  	_ = 	snop  }
__scs_overlays_trampoline_lowered:
0x8: {  	[smem:$0x3FA8] =	sst s0  }
0x9: {  	[smem:$0x3FA9] =	sst s1  }
0xa: {  	[smem:$0x3FAA] =	sst s2  }
0xb: {  	[smem:$0x3FAB] =	sst s3  }
0xc: {  	[smem:$0x3FAC] =	sst s4  }
0xd: {  	[smem:$0x3FAD] =	sst s5  }
0xe: {  	[smem:$0x3FAE] =	sst s6  }
0xf: {  	[smem:$0x3FAF] =	sst s7  }
0x10: {  	[smem:$0x3FB0] =	sst s8  }
0x11: {  	[smem:$0x3FB1] =	sst s9;
	s0 =	simm.s32 @!p0 $0x0  }
0x12: {  	s1 =	sld [smem:$0x3F97];
	s0 =	simm.s32 @p0 $0x1  }
0x13: {  	[smem:$0x3FB2] =	sst s0;
	s0 =	simm.s32 @!p1 $0x0  }
0x14: {  	s2 =	sld [smem:$0x3F96];
	s0 =	simm.s32 @p1 $0x1  }
0x15: {  	[smem:$0x3FB3] =	sst s0;
	s0 =	simm.s32 @!p2 $0x0  }
0x16: {  	s3 =	sld [smem:$0x3FDB];
	s0 =	simm.s32 @p2 $0x1  }
0x17: {  	s4 =	simm.s32 $0x1BF5;
	[smem:$0x3FB5] =	sst s0  }
0x18: {  	s0 =	sld [smem:$0x3F98];
	_ =	swait.ge [sflag:s4], $0x0  }
0x19: {  	s7 =	sld [smem:$0x3F99]  }
0x1a: {  	s8 =	sadd.s32 $0xFFFFE003, lr  }
0x1b: {  	s9 =	sadd.s32 $0xFFFFFEF7, lr;
	s5 =	simm.s32 $0xFFFFFFFF;
	p2 =	slt.u32 s8, $0xFFFFF086  }
0x1c: {  	p1 =	slt.u32 s9, $0xF7A;
	s5 =	simm.s32 @!p2 $0x0  }
0x1d: {  	s5 =	simm.s32 @p1 $0x1;
	p0 =	seq.s32 s7, s2  }
0x1e: {  	s7 =	smul.u32 @!p0 $0xF7A, s2;
	p2 =	seq.s32 @!p0 s5, $0x0  }
0x1f: {  	s9 =	smul.u32 $0xF7A, s1;
	s8 =	simm.s32 @!p0 $0x1BF5;
	p2 =	por !p2, p0  }
0x20: {  	[sflag:s8] =	ssyncset.s32 @!p0 $0xFFFFF086;
	s6 =	sadd.s32 @!p0 s3, s7;
	s7 =	simm.s32 @!p0 $0x108  }
0x21: {  	s3 =	sadd.s32 s3, s9;
	s6 =	sadd.s32 @!p0 $0x88, s6;
	s7 =	simm.s32 @p2 $0x1082  }
0x22: {  	[simem:s7], [sflag:s8] =	dma.local @!p0 [hbm:s6], $0xF7A  }
0x23: {  	s9 =	sor.u32 $0xD0000000, s2;
	s6 =	simm.s32 $0x108;
	_ =	swait.ge @!p0 [sflag:s8], $0x0  }
0x24: {  	s3 =	sadd.s32 $0x88, s3;
	s6 =	simm.s32 @!p1 $0x1082;
	[sflag:s4] =	ssyncset.s32 $0xFFFFF086  }
0x25: {  	[simem:s6], [sflag:s4] =	dma.local [hbm:s3], $0xF7A  }
0x26: {  	[smem:$0x3F99] =	sst s1;
	(tag) =	ssettag s2;
	_ =	strace s9  }
0x27: {  	s1 =	sld [smem:$0x3FA9]  }
0x28: {  	s2 =	sld [smem:$0x3FAA]  }
0x29: {  	s4 =	sld [smem:$0x3FAC]  }
0x2a: {  	p0 =	seq.s32 s5, $0x0;
	s5 =	sld [smem:$0x3FAD]  }
0x2b: {  	s6 =	sld [smem:$0x3FAE]  }
0x2c: {  	s7 =	sld [smem:$0x3FAF]  }
0x2d: {  	s3 =	simm.s32 $0x108;
	s8 =	sld [smem:$0x3FB0]  }
0x2e: {  	s3 =	simm.s32 @!p0 $0x1082;
	s9 =	sld [smem:$0x3FB1]  }
0x2f: {  	lr =	sadd.s32 s0, s3;
	s0 =	sld [smem:$0x3FA8]  }
0x30: {  	s3 =	sld [smem:$0x3FAB]  }
0x31: {  	[smem:$0x3FB4] =	sst s10  }
0x32: {  	s10 =	sld [smem:$0x3FB2];
	_ =	sdelay $0x3  }
0x33: {  	p0 =	seq.s32 s10, $0x1;
	s10 =	sld [smem:$0x3FB4];
	_ =	sdelay $0x3  }
0x34: {  	[smem:$0x3FB4] =	sst s10  }
0x35: {  	s10 =	sld [smem:$0x3FB3];
	_ =	sdelay $0x3  }
0x36: {  	p1 =	seq.s32 s10, $0x1;
	s10 =	sld [smem:$0x3FB4];
	_ =	sdelay $0x3  }
0x37: {  	[smem:$0x3FB4] =	sst s10  }
0x38: {  	s10 =	sld [smem:$0x3FB5]  }
0x39: {  	_ = 	snop;
	(pc) =	sbr.ind lr, $3  }
0x3a: {  	_ = 	snop  }
0x3b: {  	_ = 	snop  }
0x3c: {  	p2 =	seq.s32 s10, $0x1;
	s10 =	sld [smem:$0x3FB4]  }
0x3d: {  	_ =	shalt  }
0x3e: {  	_ =	shalt  }
0x3f: {  	_ =	shalt  }
0x40: {  	_ =	shalt  }
0x41: {  	_ =	shalt  }
0x42: {  	_ =	shalt  }
0x43: {  	_ =	shalt  }
0x44: {  	_ =	shalt  }
0x45: {  	_ =	shalt  }
0x46: {  	_ =	shalt  }
0x47: {  	_ =	shalt  }
0x48: {  	_ =	shalt  }
0x49: {  	_ =	shalt  }
0x4a: {  	_ =	shalt  }
0x4b: {  	_ =	shalt  }
0x4c: {  	_ =	shalt  }
0x4d: {  	_ =	shalt  }
0x4e: {  	_ =	shalt  }
0x4f: {  	_ =	shalt  }
0x50: {  	_ =	shalt  }
0x51: {  	_ =	shalt  }
0x52: {  	_ =	shalt  }
0x53: {  	_ =	shalt  }
0x54: {  	_ =	shalt  }
0x55: {  	_ =	shalt  }
0x56: {  	_ =	shalt  }
0x57: {  	_ =	shalt  }
0x58: {  	_ =	shalt  }
0x59: {  	_ =	shalt  }
0x5a: {  	_ =	shalt  }
0x5b: {  	_ =	shalt  }
0x5c: {  	_ =	shalt  }
0x5d: {  	_ =	shalt  }
0x5e: {  	_ =	shalt  }
0x5f: {  	_ =	shalt  }
0x60: {  	_ =	shalt  }
0x61: {  	_ =	shalt  }
0x62: {  	_ =	shalt  }
0x63: {  	_ =	shalt  }
0x64: {  	_ =	shalt  }
0x65: {  	_ =	shalt  }
0x66: {  	_ =	shalt  }
0x67: {  	_ =	shalt  }
0x68: {  	_ =	shalt  }
0x69: {  	_ =	shalt  }
0x6a: {  	_ =	shalt  }
0x6b: {  	_ =	shalt  }
0x6c: {  	_ =	shalt  }
0x6d: {  	_ =	shalt  }
0x6e: {  	_ =	shalt  }
0x6f: {  	_ =	shalt  }
0x70: {  	_ =	shalt  }
0x71: {  	_ =	shalt  }
0x72: {  	_ =	shalt  }
0x73: {  	_ =	shalt  }
0x74: {  	_ =	shalt  }
0x75: {  	_ =	shalt  }
0x76: {  	_ =	shalt  }
0x77: {  	_ =	shalt  }
0x78: {  	_ =	shalt  }
0x79: {  	_ =	shalt  }
0x7a: {  	_ =	shalt  }
0x7b: {  	_ =	shalt  }
0x7c: {  	_ =	shalt  }
0x7d: {  	_ =	shalt  }
0x7e: {  	_ =	shalt  }
0x7f: {  	_ =	shalt  }
0x80: {  	_ =	shalt  }
0x81: {  	_ =	shalt  }
0x82: {  	_ =	shalt  }
0x83: {  	_ =	shalt  }
0x84: {  	_ =	shalt  }
0x85: {  	_ =	shalt  }
0x86: {  	_ =	shalt  }
0x87: {  	_ =	shalt  }
.Lfunc_end0:
.L_simem_size_0:
called_computation_lowered:
.L_overlay_start_0:
0x88: {  	s2 =	sld [smem:$0x3FD9]  }
0x89: {  	s3 =	sld [smem:$0x3FFE];
	_ =	sdelay $0x1  }
0x8a: {  	s1 =	srdreg.scid  }
0x8b: {  	s0 =	sand.u32 $0x1, s1  }
0x8c: {  	s17 =	sshll.u32 s0, $0xA;
	s2 =	sadd.s32 s3, s2  }
0x8d: {  	s2 =	sadd.s32 s2, s17  }
0x8e: {  	[smem:$0x3FC0] =	sst s2  }
0x8f: {  	_ = 	snop  }
0x90: {  	s2 =	sld [smem:$0x3FD0];
	(tm) =	ssettm $0x1  }
0x91: {  	s18 =	sld [smem:$0x3FFB];
	_ =	sdelay $0x3  }
0x92: {  	_ =	strace s18  }
0x93: {  	s3 =	sld [smem:$0x3FFC];
	_ =	sdelay $0x3  }
0x94: {  	_ =	strace s3  }
0x95: {  	s3 =	sld [smem:$0x3FFD];
	_ =	sdelay $0x3  }
0x96: {  	_ =	strace s3  }
0x97: {  	_ =	strace $0x8FFFFFFF  }
0x98: {  	s19 =	sld [smem:$0x3FDB];
	_ =	sdelay $0x1  }
0x99: {  	s4 =	simm.s32 $_scs_section_size  }
0x9a: {  	s5 =	simm.s32 $_size__tile_overlayer_lowered;
	s6 =	simm.s32 $_tile_overlayer_lowered  }
0x9b: {  	s22 =	simm.s32 $0x1BFF;
	s21 =	sshll.u32 s6, $0x1;
	s3 =	sadd.s32 s4, s19  }
0x9c: {  	s7 =	simm.s32 $0x0;
	s20 =	sshll.u32 s5, $0x1;
	s5 =	sadd.s32 s21, s3  }
0x9d: {  	[timem:s7], [sflag:s22] =	dma.local [hbm:s5], s20  }
0x9e: {  	_ =	swait.ge [sflag:s22], s20  }
0x9f: {  	s4 =	ssub.s32 $0x0, s20;
	[sflag:s22] =	ssyncset.done $0x0  }
0xa0: {  	[sflag:s22] =	ssyncadd.s32 s4;
	_ =	sdelay $0x1  }
0xa1: {  	s23 =	simm.s32 $0x1B8B  }
0xa2: {  	_ =	swait.ge [sflag:s23], $0x1  }
0xa3: {  	[sflag:s23] =	ssyncset.done $0x0  }
0xa4: {  	s25 =	simm.s32 $0x1B8E;
	s24 =	sld [smem:$0x3FFE];
	[sflag:s23] =	ssyncadd.s32 $0xFFFFFFFF  }
0xa5: {  	s26 =	simm.s32 $execute0_lowered;
	[smem:$0x3FD2] =	sst s25  }
0xa6: {  	s5 =	sshll.u32 s26, $0x1;
	_ =	strace $0x80000046;
	[dreg:$0x1] =	wrdreg $0xFFFFFFFF  }
0xa7: {  	s28 =	simm.s32 $_size_execute0_lowered;
	s3 =	sadd.s32 s3, s5;
	[dreg:$0x0] =	wrdreg $0x0  }
0xa8: {  	s5 =	sshll.u32 s28, $0x1;
	[dreg:$0x2] =	wrdreg s3  }
0xa9: {  	[dreg:$0x3] =	wrdreg s5  }
0xaa: {  	[dreg:$0x4] =	wrdreg $0xC0  }
0xab: {  	_ =	task [dreg:s7], $0x5FFFF  }
0xac: {  	[dreg:$0x1] =	wrdreg $0xFFFFFFFF  }
0xad: {  	[dreg:$0x0] =	wrdreg $0x60  }
0xae: {  	[dreg:$0x2] =	wrdreg s24  }
0xaf: {  	[dreg:$0x3] =	wrdreg s2  }
0xb0: {  	[dreg:$0x4] =	wrdreg $0x9  }
0xb1: {  	_ =	task.clear_ibuf [dreg:s7], $0x5FFFF;
	_ =	strace $0x90000046  }
0xb2: {  	s29 =	simm.s32 $0x9;
	_ =	strace $0x80000048  }
0xb3: {  	_ =	swait.ge [sflag:s29], $0x1  }
0xb4: {  	[sflag:s29] =	ssyncadd.s32 $0xFFFFFFFF  }
0xb5: {  	_ =	strace $0x90000048  }
0xb6: {  	_ =	sfence  }
0xb7: {  	s30 =	sld [smem:$0x0];
	_ =	sdelay $0x2  }
0xb8: {  	s31 =	sshll.u32 s1, $0xD;
	s1 =	sshrl.u32 s1, $0x2  }
0xb9: {  	s3 =	sand.u32 $0x4000, s31;
	s1 =	sadd.s32 s1, s30  }
0xba: {  	s0 =	sor.u32 s3, s0;
	s1 =	sshll.u32 s1, $0x11  }
0xbb: {  	s0 =	sor.u32 s1, s0  }
0xbc: {  	s0 =	sadd.s32 $0x8F2B, s0  }
0xbd: {  	[sflag:s0] =	ssyncadd.remote.s32 $0x1  }
0xbe: {  	_ =	sfence.sel $0xFFFF  }
0xbf: {  	[dreg:$0x0] =	wrdreg $0xFFFFFFFF;
	(pc) =	sbr.abs _section_cstart, $3  }
0xc0: {  	[dreg:$0x1] =	wrdreg $0xFFFFFFFF  }
0xc1: {  	_ =	task.clear_ibuf [dreg:s7], $0x2FFFF;
	_ =	strace $0x9FFFFFFF  }
0xc2: {  	(tm) =	ssettm $0x7FFFFFFF  }
0xc3: {  	_ =	shalt  }
tec
execute0_lowered:
.L_overlay_start_1:
0x0: {  	(tag) =	ssettag $0x1  }
0x1: {  	s0 =	rddreg [dreg:$0x0]  }
0x2: {  	s1 =	rddreg [dreg:$0x1];
	s3 =	simm.s32 $0x0;
	s4 =	srdreg.scid  }
0x3: {  	s2 =	stileid.u32;
	v0 =	vlaneseq.u32;
	s11 =	simm.s32 $0x3;
	s12 =	simm.s32 $0x5400  }
0x4: {  	v1 =	vimm.s32 $0x0;
	v3 =	vimm.s32 $0x1;
	v9 =	vimm.s32 $0x7F000000;
	s13 =	simm.s32 $0x80;
	s14 =	simm.s32 $0x400;
	s15 =	simm.s32 $0xF400  }
0x5: {  	s16 =	simm.s32 $0x17E80;
	s17 =	simm.s32 $0x0;
	[smem:$0x7FF] =	sst s3;
	v2 =	vmul.u32 $0x110, v0;
	v4 =	vor.u32 $0x80000000, v0;
	v6 =	vmul.u32 $0x4, v0  }
0x6: {  	s5 =	sand.u32 $0x1, s4;
	s6 =	sshll.u32 s2, $0x1;
	s4 =	sadd.s32 $0x2800, s0;
	v5 =	vor.u32 $0x10, v0;
	v7 =	vor.u32 $0x20, v0;
	v8 =	vor.u32 $0x30, v0  }
.Ltmp0:
0x7: {  	_ =	strace $0x80000047;
	s6 =	sor.u32 s5, s6;
	v10 =	vor.u32 $0x1, v6;
	v11 =	vor.u32 $0x2, v6;
	v12 =	vor.u32 $0x3, v6;
	(pc) =	sbr.rel .LBB2_1-.Ltmp0, $4  }
0x8: {  	s7 =	ssub.s32 $0x2, s5;
	s5 =	sadd.s32 $0x1400, s0;
	s30 =	sshll.u32 s6, $0x7;
	v13 =	vor.u32 $0x40, v6;
	v14 =	vor.u32 $0x41, v6;
	v15 =	vor.u32 $0x42, v6  }
0x9: {  	s8 =	sshrl.u32 s7, $0x1;
	s9 =	smul.u32 $0x14000, s6;
	v16 =	vor.u32 $0x43, v6;
	v17 =	vor.u32 $0x80, v6;
	v18 =	vor.u32 $0x81, v6;
	s10 =	sadd.s32 s30, s0  }
0xa: {  	s6 =	sshll.u32 s6, $0x6;
	v19 =	vor.u32 $0x82, v6;
	v20 =	vor.u32 $0x83, v6;
	v21 =	vor.u32 $0xC0, v6;
	s31 =	ssub.s32 s7, s8;
	s7 =	sadd.s32 $0x282800, s10  }
0xb: {  	v22 =	vor.u32 $0xC1, v6;
	v23 =	vor.u32 $0xC2, v6;
	v24 =	vor.u32 $0xC3, v6;
	s8 =	sadd.s32 s4, s9;
	s9 =	smax.u32 s31, $0x1;
	s10 =	simm.s32 $0x5000  }
.LBB2_30:
0xc: {  	s17 =	sadd.s32 $0x1, s17  }
0xd: {  	p0 =	sne.s32 s17, s9  }
.Ltmp1:
0xe: {  	_ = 	snop;
	(pc) =	sbr.rel @!p0 .LBB2_31-.Ltmp1, $1  }
0xf: {  	_ =	sdelay $0x3  }
.LBB2_1:
0x10: {  	[tilespmem:s10], [sflag:$0x3] =	stream.linear.gather [hbm4b:s7+s3], $0x400, $0x38;
	[tilespmem:$0x17F80] =	vst v63  }
0x11: {  	_ =	swait.ge [sflag:s11], $0x400  }
0x12: {  	[sflag:s11] =	ssyncset.done $0x0  }
0x13: {  	[sflag:s11] =	ssyncadd.s32 $0xFFFFFC00  }
0x14: {  	[tilespmem:s12], [sflag:$0x3] =	stream.linear.gather [hbm4b:s5+s3], $0xA000, $0x38;
	[tilespmem:$0x17F80] =	vst v63  }
.Ltmp2:
0x15: {  	_ = 	snop;
	(pc) =	sbr.rel .LBB2_2-.Ltmp2, $4  }
0x16: {  	_ =	swait.ge [sflag:s11], $0xA000  }
0x17: {  	[sflag:s11] =	ssyncset.done $0x0  }
0x18: {  	p0 =	por $0x0, $0x0;
	s18 =	simm.s32 $0x0;
	[sflag:s11] =	ssyncadd.s32 $0xFFFF6000  }
0x19: {  	[tilespmem:s3], [sflag:$0x1] =	stream.strided.gather [hbm4b:s8+s13], $0x2800, s14, s13, $0x38;
	[tilespmem:$0x17F80] =	vst v63  }
.LBB2_24:
0x1a: {  	s0 =	simm.s32 $0x12D80;
	s23 =	simm.s32 $0x0  }
.LBB2_28:
0x1b: {  	vm0 =	vle.s32 v27, v26  }
0x1c: {  	v26 =	vmpcnt.ones.xlane vm0;
	_ =	sdelay $0x1  }
0x1d: {  	(v2sf) =	vpush v26, $0x0;
	_ =	sdelay $0x7  }
0x1e: {  	s0 =	sadd.s32 @p1 $0x10, s0  }
0x1f: {  	s21 =	smov.u32 @p1 s0  }
0x20: {  	v26 =	vld [tilespmem:s21+$0x0];
	_ =	sdelay $0x1  }
0x21: {  	s0 =	spop @p1 (v2sf)  }
0x22: {  	s0 =	sadd.s32 @p1 s23, s0  }
0x23: {  	s22 =	smov.u32 @p1 s0  }
0x24: {  	[tilespmem:s22+$0x15600] =	vst.msk vm0, v26;
	s31 =	spop (v2sf)  }
.LBB2_29:
0x25: {  	v26 =	vld [tilespmem:$0x15600];
	_ =	sdelay $0x4  }
0x26: {  	v27 =	vshll.u32 v26, $0x2  }
0x27: {  	v26 =	vand.u32 $0x7F, v26;
	v27 =	vand.u32 $0xFFFFFE00, v27  }
0x28: {  	v26 =	vor.u32 v26, v27;
	_ =	sdelay $0x4  }
0x29: {  	v27 =	vld.idx.msk [tilespmem:v26+s12+$0x0], $0xffff;
	_ =	sdelay $0x2  }
0x2a: {  	v28 =	vbroadcast v25, $0x0;
	v29 =	vor.u32 $0x80, v26;
	_ =	sdelay $0x1  }
0x2b: {  	v27 =	vsub.f32 v28, v27;
	_ =	sdelay $0x1  }
0x2c: {  	[tilespmem:v6+s16+$0x0] =	vst.idx.msk $0xffff, v27  }
0x2d: {  	v29 =	vld.idx.msk [tilespmem:v29+s12+$0x0], $0xffff;
	_ =	sdelay $0x2  }
0x2e: {  	v30 =	vbroadcast v25, $0x1;
	v26 =	vor.u32 $0x100, v26;
	_ =	sdelay $0x1  }
0x2f: {  	v29 =	vsub.f32 v30, v29;
	_ =	sdelay $0x1  }
0x30: {  	[tilespmem:v10+s16+$0x0] =	vst.idx.msk $0xffff, v29  }
0x31: {  	v26 =	vld.idx.msk [tilespmem:v26+s12+$0x0], $0xffff;
	_ =	sdelay $0x2  }
0x32: {  	v25 =	vbroadcast v25, $0x2;
	_ =	sdelay $0x1  }
0x33: {  	v27 =	vmul.f32 v27, v27;
	v29 =	vmul.f32 v29, v29;
	v26 =	vsub.f32 v25, v26;
	_ =	sdelay $0x1  }
0x34: {  	v27 =	vadd.f32 v29, v27;
	v57 =	vmul.f32 v26, v26;
	_ =	sdelay $0x1  }
0x35: {  	v27 =	vadd.f32 v57, v27  }
0x36: {  	[tilespmem:v11+s16+$0x0] =	vst.idx.msk $0xffff, v26  }
0x37: {  	[tilespmem:v12+s16+$0x0] =	vst.idx.msk $0xffff, v27  }
0x38: {  	v26 =	vld [tilespmem:$0x15610];
	_ =	sdelay $0x4  }
0x39: {  	v27 =	vshll.u32 v26, $0x2  }
0x3a: {  	v26 =	vand.u32 $0x7F, v26;
	v27 =	vand.u32 $0xFFFFFE00, v27  }
0x3b: {  	v26 =	vor.u32 v26, v27;
	_ =	sdelay $0x4  }
0x3c: {  	v27 =	vld.idx.msk [tilespmem:v26+s12+$0x0], $0xffff;
	_ =	sdelay $0x2  }
0x3d: {  	v58 =	vor.u32 $0x80, v26;
	_ =	sdelay $0x1  }
0x3e: {  	v27 =	vsub.f32 v28, v27;
	_ =	sdelay $0x1  }
0x3f: {  	[tilespmem:v13+s16+$0x0] =	vst.idx.msk $0xffff, v27  }
0x40: {  	v29 =	vld.idx.msk [tilespmem:v58+s12+$0x0], $0xffff;
	_ =	sdelay $0x2  }
0x41: {  	v26 =	vor.u32 $0x100, v26;
	_ =	sdelay $0x1  }
0x42: {  	v29 =	vsub.f32 v30, v29;
	_ =	sdelay $0x1  }
0x43: {  	[tilespmem:v14+s16+$0x0] =	vst.idx.msk $0xffff, v29  }
0x44: {  	v26 =	vld.idx.msk [tilespmem:v26+s12+$0x0], $0xffff;
	_ =	sdelay $0x4  }
0x45: {  	v27 =	vmul.f32 v27, v27;
	v29 =	vmul.f32 v29, v29;
	v26 =	vsub.f32 v25, v26;
	_ =	sdelay $0x1  }
0x46: {  	v27 =	vadd.f32 v29, v27;
	v59 =	vmul.f32 v26, v26;
	_ =	sdelay $0x1  }
0x47: {  	v27 =	vadd.f32 v59, v27  }
0x48: {  	[tilespmem:v15+s16+$0x0] =	vst.idx.msk $0xffff, v26  }
0x49: {  	[tilespmem:v16+s16+$0x0] =	vst.idx.msk $0xffff, v27  }
0x4a: {  	v26 =	vld [tilespmem:$0x15620];
	_ =	sdelay $0x4  }
0x4b: {  	v27 =	vshll.u32 v26, $0x2  }
0x4c: {  	v26 =	vand.u32 $0x7F, v26;
	v27 =	vand.u32 $0xFFFFFE00, v27  }
0x4d: {  	v26 =	vor.u32 v26, v27;
	_ =	sdelay $0x4  }
0x4e: {  	v27 =	vld.idx.msk [tilespmem:v26+s12+$0x0], $0xffff;
	_ =	sdelay $0x2  }
0x4f: {  	v60 =	vor.u32 $0x80, v26;
	_ =	sdelay $0x1  }
0x50: {  	v27 =	vsub.f32 v28, v27;
	_ =	sdelay $0x1  }
0x51: {  	[tilespmem:v17+s16+$0x0] =	vst.idx.msk $0xffff, v27  }
0x52: {  	v29 =	vld.idx.msk [tilespmem:v60+s12+$0x0], $0xffff;
	_ =	sdelay $0x2  }
0x53: {  	v26 =	vor.u32 $0x100, v26;
	_ =	sdelay $0x1  }
0x54: {  	v29 =	vsub.f32 v30, v29;
	_ =	sdelay $0x1  }
0x55: {  	[tilespmem:v18+s16+$0x0] =	vst.idx.msk $0xffff, v29  }
0x56: {  	v26 =	vld.idx.msk [tilespmem:v26+s12+$0x0], $0xffff;
	_ =	sdelay $0x4  }
0x57: {  	v27 =	vmul.f32 v27, v27;
	v29 =	vmul.f32 v29, v29;
	v26 =	vsub.f32 v25, v26;
	_ =	sdelay $0x1  }
0x58: {  	v27 =	vadd.f32 v29, v27;
	v61 =	vmul.f32 v26, v26;
	_ =	sdelay $0x1  }
0x59: {  	v27 =	vadd.f32 v61, v27  }
0x5a: {  	[tilespmem:v19+s16+$0x0] =	vst.idx.msk $0xffff, v26  }
0x5b: {  	[tilespmem:v20+s16+$0x0] =	vst.idx.msk $0xffff, v27  }
0x5c: {  	v26 =	vld [tilespmem:$0x15630];
	_ =	sdelay $0x4  }
0x5d: {  	v27 =	vshll.u32 v26, $0x2  }
0x5e: {  	v26 =	vand.u32 $0x7F, v26;
	v27 =	vand.u32 $0xFFFFFE00, v27  }
0x5f: {  	v26 =	vor.u32 v26, v27;
	_ =	sdelay $0x4  }
0x60: {  	v27 =	vld.idx.msk [tilespmem:v26+s12+$0x0], $0xffff;
	_ =	sdelay $0x2  }
0x61: {  	v62 =	vor.u32 $0x80, v26;
	_ =	sdelay $0x1  }
0x62: {  	v27 =	vsub.f32 v28, v27;
	_ =	sdelay $0x1  }
0x63: {  	[tilespmem:v21+s16+$0x0] =	vst.idx.msk $0xffff, v27  }
0x64: {  	v63 =	vld.idx.msk [tilespmem:v62+s12+$0x0], $0xffff;
	_ =	sdelay $0x2  }
0x65: {  	v26 =	vor.u32 $0x100, v26;
	_ =	sdelay $0x1  }
0x66: {  	v28 =	vsub.f32 v30, v63;
	_ =	sdelay $0x1  }
0x67: {  	[tilespmem:v22+s16+$0x0] =	vst.idx.msk $0xffff, v28  }
0x68: {  	v26 =	vld.idx.msk [tilespmem:v26+s12+$0x0], $0xffff;
	_ =	sdelay $0x4  }
0x69: {  	v27 =	vmul.f32 v27, v27;
	v28 =	vmul.f32 v28, v28;
	v25 =	vsub.f32 v25, v26;
	_ =	sdelay $0x1  }
0x6a: {  	v26 =	vadd.f32 v28, v27;
	v27 =	vmul.f32 v25, v25;
	_ =	sdelay $0x1  }
0x6b: {  	s0 =	sshll.u32 s19, $0x5;
	s2 =	sand.u32 $0x70, s20;
	s18 =	sadd.s32 $0x1, s18;
	v26 =	vadd.f32 v27, v26  }
0x6c: {  	s0 =	sand.u32 $0xFFFFF00, s0;
	s2 =	sadd.s32 s1, s2;
	p1 =	sne.s32 s18, $0x40;
	[tilespmem:v23+s16+$0x0] =	vst.idx.msk $0xffff, v25  }
.Ltmp3:
0x6d: {  	s0 =	sadd.s32 s0, s2;
	[tilespmem:v24+s16+$0x0] =	vst.idx.msk $0xffff, v26;
	(pc) =	sbr.rel @!p1 .LBB2_30-.Ltmp3, $4  }
0x6e: {  	[hbm4b:s0+s13] =	stream.strided.scatter [tilespmem:s16], [sflag:$0x3], $0x100, s14, s13, $0x38;
	[tilespmem:$0x17F80] =	vst v63  }
0x6f: {  	_ =	swait.ge [sflag:s11], $0x100  }
0x70: {  	[sflag:s11] =	ssyncset.done $0x0  }
0x71: {  	p0 =	por !p0, !p0;
	[sflag:s11] =	ssyncadd.s32 $0xFFFFFF00  }
.LBB2_2:
0x72: {  	s0 =	sand.u32 $0x1, s18  }
0x73: {  	p1 =	seq.s32 s0, $0x1  }
0x74: {  	p2 =	seq.s32 @p1 s18, $0x3F  }
0x75: {  	s19 =	sadd.s32 s6, s18;
	p2 =	por p2, !p1  }
0x76: {  	s0 =	sadd.s32 @!p2 $0x1, s19  }
0x77: {  	s20 =	sshrl.u32 @!p2 s0, $0x3  }
0x78: {  	s21 =	simm.s32 @p1 $0x2;
	s0 =	sshll.u32 @!p2 s0, $0x7;
	s20 =	smul.u32 @!p2 $0x14000, s20  }
0x79: {  	_ =	swait.ge @p1 [sflag:s21], $0x2800;
	s0 =	sand.u32 @!p2 $0x300, s0  }
0x7a: {  	[sflag:s21] =	ssyncset.done @p1 $0x0;
	s0 =	sor.u32 @!p2 s0, s20  }
0x7b: {  	s22 =	simm.s32 @!p2 $0x0;
	[sflag:s21] =	ssyncadd.s32 @p1 $0xFFFFD800;
	s0 =	sshrl.u32 @!p2 s0, $0x3  }
0x7c: {  	s21 =	simm.s32 @!p2 $0x400;
	s20 =	simm.s32 @!p2 $0x80;
	s0 =	sadd.s32 @!p2 s4, s0  }
0x7d: {  	[tilespmem:s22], [sflag:$0x1] =	stream.strided.gather @!p2 [hbm4b:s0+s20], $0x2800, s21, s20, $0x38;
	[tilespmem:$0x17F80] =	vst v63  }
0x7e: {  	s0 =	sshrl.u32 @!p1 s19, $0x3  }
0x7f: {  	s20 =	sshll.u32 @!p1 s18, $0x7;
	s0 =	smul.u32 @!p1 $0x14000, s0  }
0x80: {  	s21 =	simm.s32 @!p1 $0x1;
	s20 =	sand.u32 @!p1 $0x300, s20  }
0x81: {  	_ =	swait.ge @!p1 [sflag:s21], $0x2800;
	s0 =	sor.u32 @!p1 s0, s20  }
0x82: {  	[sflag:s21] =	ssyncset.done @!p1 $0x0;
	s0 =	sor.u32 @!p1 $0x80, s0  }
0x83: {  	s22 =	simm.s32 @!p1 $0x2800;
	[sflag:s21] =	ssyncadd.s32 @!p1 $0xFFFFD800;
	s0 =	sshrl.u32 @!p1 s0, $0x3  }
0x84: {  	s20 =	simm.s32 @!p1 $0x80;
	s21 =	simm.s32 @!p1 $0x400;
	s0 =	sadd.s32 @!p1 s4, s0  }
0x85: {  	[tilespmem:s22], [sflag:$0x2] =	stream.strided.gather @!p1 [hbm4b:s0+s20], $0x2800, s21, s20, $0x38;
	[tilespmem:$0x17F80] =	vst v63  }
0x86: {  	s20 =	sshll.u32 s18, $0x4  }
0x87: {  	s25 =	sand.u32 $0x3FFFFFF0, s20  }
0x88: {  	v25 =	vld [tilespmem:s25+$0x5000];
	[tilespmem:$0xF400] =	vst v1  }
0x89: {  	[tilespmem:$0xF410] =	vst v1  }
0x8a: {  	[tilespmem:$0xF420] =	vst v1  }
0x8b: {  	[tilespmem:$0xF430] =	vst v1  }
0x8c: {  	[tilespmem:$0xF440] =	vst v1  }
0x8d: {  	[tilespmem:$0xF450] =	vst v1  }
0x8e: {  	[tilespmem:$0xF460] =	vst v1  }
0x8f: {  	[tilespmem:$0xF470] =	vst v1  }
0x90: {  	[tilespmem:$0xF480] =	vst v1  }
0x91: {  	[tilespmem:$0xF490] =	vst v1  }
0x92: {  	[tilespmem:$0xF4A0] =	vst v1  }
0x93: {  	[tilespmem:$0xF4B0] =	vst v1  }
0x94: {  	[tilespmem:$0xF4C0] =	vst v1  }
0x95: {  	[tilespmem:$0xF4D0] =	vst v1  }
0x96: {  	[tilespmem:$0xF4E0] =	vst v1  }
0x97: {  	[tilespmem:$0xF4F0] =	vst v1  }
0x98: {  	[tilespmem:$0xF500] =	vst v1  }
0x99: {  	[tilespmem:$0xF510] =	vst v1  }
0x9a: {  	[tilespmem:$0xF520] =	vst v1  }
0x9b: {  	[tilespmem:$0xF530] =	vst v1  }
0x9c: {  	[tilespmem:$0xF540] =	vst v1  }
0x9d: {  	[tilespmem:$0xF550] =	vst v1  }
0x9e: {  	[tilespmem:$0xF560] =	vst v1  }
0x9f: {  	[tilespmem:$0xF570] =	vst v1  }
0xa0: {  	[tilespmem:$0xF580] =	vst v1  }
0xa1: {  	[tilespmem:$0xF590] =	vst v1  }
0xa2: {  	[tilespmem:$0xF5A0] =	vst v1  }
0xa3: {  	[tilespmem:$0xF5B0] =	vst v1  }
0xa4: {  	[tilespmem:$0xF5C0] =	vst v1  }
0xa5: {  	[tilespmem:$0xF5D0] =	vst v1  }
0xa6: {  	[tilespmem:$0xF5E0] =	vst v1  }
0xa7: {  	[tilespmem:$0xF5F0] =	vst v1  }
0xa8: {  	[tilespmem:$0xF600] =	vst v1  }
0xa9: {  	[tilespmem:$0xF610] =	vst v1  }
0xaa: {  	[tilespmem:$0xF620] =	vst v1  }
0xab: {  	[tilespmem:$0xF630] =	vst v1  }
0xac: {  	[tilespmem:$0xF640] =	vst v1  }
0xad: {  	[tilespmem:$0xF650] =	vst v1  }
0xae: {  	[tilespmem:$0xF660] =	vst v1  }
0xaf: {  	[tilespmem:$0xF670] =	vst v1  }
0xb0: {  	[tilespmem:$0xF680] =	vst v1  }
0xb1: {  	[tilespmem:$0xF690] =	vst v1  }
0xb2: {  	[tilespmem:$0xF6A0] =	vst v1  }
0xb3: {  	[tilespmem:$0xF6B0] =	vst v1  }
0xb4: {  	[tilespmem:$0xF6C0] =	vst v1  }
0xb5: {  	[tilespmem:$0xF6D0] =	vst v1  }
0xb6: {  	[tilespmem:$0xF6E0] =	vst v1  }
0xb7: {  	[tilespmem:$0xF6F0] =	vst v1  }
0xb8: {  	[tilespmem:$0xF700] =	vst v1  }
0xb9: {  	[tilespmem:$0xF710] =	vst v1  }
0xba: {  	[tilespmem:$0xF720] =	vst v1  }
0xbb: {  	[tilespmem:$0xF730] =	vst v1  }
0xbc: {  	[tilespmem:$0xF740] =	vst v1  }
0xbd: {  	[tilespmem:$0xF750] =	vst v1  }
0xbe: {  	[tilespmem:$0xF760] =	vst v1  }
0xbf: {  	[tilespmem:$0xF770] =	vst v1  }
0xc0: {  	[tilespmem:$0xF780] =	vst v1  }
0xc1: {  	[tilespmem:$0xF790] =	vst v1  }
0xc2: {  	[tilespmem:$0xF7A0] =	vst v1  }
0xc3: {  	[tilespmem:$0xF7B0] =	vst v1  }
0xc4: {  	[tilespmem:$0xF7C0] =	vst v1  }
0xc5: {  	[tilespmem:$0xF7D0] =	vst v1  }
0xc6: {  	[tilespmem:$0xF7E0] =	vst v1  }
0xc7: {  	[tilespmem:$0xF7F0] =	vst v1  }
0xc8: {  	[tilespmem:$0xF800] =	vst v1  }
0xc9: {  	[tilespmem:$0xF810] =	vst v1  }
0xca: {  	[tilespmem:$0xF820] =	vst v1  }
0xcb: {  	[tilespmem:$0xF830] =	vst v1  }
0xcc: {  	[tilespmem:$0xF840] =	vst v1  }
0xcd: {  	[tilespmem:$0xF850] =	vst v1  }
0xce: {  	[tilespmem:$0xF860] =	vst v1  }
0xcf: {  	[tilespmem:$0xF870] =	vst v1  }
0xd0: {  	[tilespmem:$0xF880] =	vst v1  }
0xd1: {  	[tilespmem:$0xF890] =	vst v1  }
0xd2: {  	[tilespmem:$0xF8A0] =	vst v1  }
0xd3: {  	[tilespmem:$0xF8B0] =	vst v1  }
0xd4: {  	[tilespmem:$0xF8C0] =	vst v1  }
0xd5: {  	[tilespmem:$0xF8D0] =	vst v1  }
0xd6: {  	[tilespmem:$0xF8E0] =	vst v1  }
0xd7: {  	[tilespmem:$0xF8F0] =	vst v1  }
0xd8: {  	[tilespmem:$0xF900] =	vst v1  }
0xd9: {  	[tilespmem:$0xF910] =	vst v1  }
0xda: {  	[tilespmem:$0xF920] =	vst v1  }
0xdb: {  	[tilespmem:$0xF930] =	vst v1  }
0xdc: {  	[tilespmem:$0xF940] =	vst v1  }
0xdd: {  	[tilespmem:$0xF950] =	vst v1  }
0xde: {  	[tilespmem:$0xF960] =	vst v1  }
0xdf: {  	[tilespmem:$0xF970] =	vst v1  }
0xe0: {  	[tilespmem:$0xF980] =	vst v1  }
0xe1: {  	[tilespmem:$0xF990] =	vst v1  }
0xe2: {  	[tilespmem:$0xF9A0] =	vst v1  }
0xe3: {  	[tilespmem:$0xF9B0] =	vst v1  }
0xe4: {  	[tilespmem:$0xF9C0] =	vst v1  }
0xe5: {  	[tilespmem:$0xF9D0] =	vst v1  }
0xe6: {  	[tilespmem:$0xF9E0] =	vst v1  }
0xe7: {  	[tilespmem:$0xF9F0] =	vst v1  }
0xe8: {  	[tilespmem:$0xFA00] =	vst v1  }
0xe9: {  	[tilespmem:$0xFA10] =	vst v1  }
0xea: {  	[tilespmem:$0xFA20] =	vst v1  }
0xeb: {  	[tilespmem:$0xFA30] =	vst v1  }
0xec: {  	[tilespmem:$0xFA40] =	vst v1  }
0xed: {  	[tilespmem:$0xFA50] =	vst v1  }
0xee: {  	[tilespmem:$0xFA60] =	vst v1  }
0xef: {  	[tilespmem:$0xFA70] =	vst v1  }
0xf0: {  	[tilespmem:$0xFA80] =	vst v1  }
0xf1: {  	[tilespmem:$0xFA90] =	vst v1  }
0xf2: {  	[tilespmem:$0xFAA0] =	vst v1  }
0xf3: {  	[tilespmem:$0xFAB0] =	vst v1  }
0xf4: {  	[tilespmem:$0xFAC0] =	vst v1  }
0xf5: {  	[tilespmem:$0xFAD0] =	vst v1  }
0xf6: {  	[tilespmem:$0xFAE0] =	vst v1  }
0xf7: {  	[tilespmem:$0xFAF0] =	vst v1  }
0xf8: {  	[tilespmem:$0xFB00] =	vst v1  }
0xf9: {  	[tilespmem:$0xFB10] =	vst v1  }
0xfa: {  	[tilespmem:$0xFB20] =	vst v1  }
0xfb: {  	[tilespmem:$0xFB30] =	vst v1  }
0xfc: {  	[tilespmem:$0xFB40] =	vst v1  }
0xfd: {  	[tilespmem:$0xFB50] =	vst v1  }
0xfe: {  	[tilespmem:$0xFB60] =	vst v1  }
0xff: {  	[tilespmem:$0xFB70] =	vst v1  }
0x100: {  	[tilespmem:$0xFB80] =	vst v1  }
0x101: {  	[tilespmem:$0xFB90] =	vst v1  }
0x102: {  	[tilespmem:$0xFBA0] =	vst v1  }
0x103: {  	[tilespmem:$0xFBB0] =	vst v1  }
0x104: {  	[tilespmem:$0xFBC0] =	vst v1  }
0x105: {  	[tilespmem:$0xFBD0] =	vst v1  }
0x106: {  	[tilespmem:$0xFBE0] =	vst v1  }
0x107: {  	[tilespmem:$0xFBF0] =	vst v1  }
0x108: {  	[tilespmem:$0xFC00] =	vst v1  }
0x109: {  	[tilespmem:$0xFC10] =	vst v1  }
0x10a: {  	[tilespmem:$0xFC20] =	vst v1  }
0x10b: {  	[tilespmem:$0xFC30] =	vst v1  }
0x10c: {  	[tilespmem:$0xFC40] =	vst v1  }
0x10d: {  	[tilespmem:$0xFC50] =	vst v1  }
0x10e: {  	[tilespmem:$0xFC60] =	vst v1  }
0x10f: {  	[tilespmem:$0xFC70] =	vst v1  }
0x110: {  	[tilespmem:$0xFC80] =	vst v1  }
0x111: {  	[tilespmem:$0xFC90] =	vst v1  }
0x112: {  	[tilespmem:$0xFCA0] =	vst v1  }
0x113: {  	[tilespmem:$0xFCB0] =	vst v1  }
0x114: {  	[tilespmem:$0xFCC0] =	vst v1  }
0x115: {  	[tilespmem:$0xFCD0] =	vst v1  }
0x116: {  	[tilespmem:$0xFCE0] =	vst v1  }
0x117: {  	[tilespmem:$0xFCF0] =	vst v1  }
0x118: {  	[tilespmem:$0xFD00] =	vst v1  }
0x119: {  	[tilespmem:$0xFD10] =	vst v1  }
0x11a: {  	[tilespmem:$0xFD20] =	vst v1  }
0x11b: {  	[tilespmem:$0xFD30] =	vst v1  }
0x11c: {  	[tilespmem:$0xFD40] =	vst v1  }
0x11d: {  	[tilespmem:$0xFD50] =	vst v1  }
0x11e: {  	[tilespmem:$0xFD60] =	vst v1  }
0x11f: {  	[tilespmem:$0xFD70] =	vst v1  }
0x120: {  	[tilespmem:$0xFD80] =	vst v1  }
0x121: {  	[tilespmem:$0xFD90] =	vst v1  }
0x122: {  	[tilespmem:$0xFDA0] =	vst v1  }
0x123: {  	[tilespmem:$0xFDB0] =	vst v1  }
0x124: {  	[tilespmem:$0xFDC0] =	vst v1  }
0x125: {  	[tilespmem:$0xFDD0] =	vst v1  }
0x126: {  	[tilespmem:$0xFDE0] =	vst v1  }
0x127: {  	[tilespmem:$0xFDF0] =	vst v1  }
0x128: {  	[tilespmem:$0xFE00] =	vst v1  }
0x129: {  	[tilespmem:$0xFE10] =	vst v1  }
0x12a: {  	[tilespmem:$0xFE20] =	vst v1  }
0x12b: {  	[tilespmem:$0xFE30] =	vst v1  }
0x12c: {  	[tilespmem:$0xFE40] =	vst v1  }
0x12d: {  	[tilespmem:$0xFE50] =	vst v1  }
0x12e: {  	[tilespmem:$0xFE60] =	vst v1  }
0x12f: {  	[tilespmem:$0xFE70] =	vst v1  }
0x130: {  	[tilespmem:$0xFE80] =	vst v1  }
0x131: {  	[tilespmem:$0xFE90] =	vst v1  }
0x132: {  	[tilespmem:$0xFEA0] =	vst v1  }
0x133: {  	[tilespmem:$0xFEB0] =	vst v1  }
0x134: {  	[tilespmem:$0xFEC0] =	vst v1  }
0x135: {  	[tilespmem:$0xFED0] =	vst v1  }
0x136: {  	[tilespmem:$0xFEE0] =	vst v1  }
0x137: {  	[tilespmem:$0xFEF0] =	vst v1  }
0x138: {  	[tilespmem:$0xFF00] =	vst v1  }
0x139: {  	[tilespmem:$0xFF10] =	vst v1  }
0x13a: {  	[tilespmem:$0xFF20] =	vst v1  }
0x13b: {  	[tilespmem:$0xFF30] =	vst v1  }
0x13c: {  	[tilespmem:$0xFF40] =	vst v1  }
0x13d: {  	[tilespmem:$0xFF50] =	vst v1  }
0x13e: {  	[tilespmem:$0xFF60] =	vst v1  }
0x13f: {  	[tilespmem:$0xFF70] =	vst v1  }
0x140: {  	[tilespmem:$0xFF80] =	vst v1  }
0x141: {  	[tilespmem:$0xFF90] =	vst v1  }
0x142: {  	[tilespmem:$0xFFA0] =	vst v1  }
0x143: {  	[tilespmem:$0xFFB0] =	vst v1  }
0x144: {  	[tilespmem:$0xFFC0] =	vst v1  }
0x145: {  	[tilespmem:$0xFFD0] =	vst v1  }
0x146: {  	[tilespmem:$0xFFE0] =	vst v1  }
0x147: {  	[tilespmem:$0xFFF0] =	vst v1  }
0x148: {  	[tilespmem:$0x10000] =	vst v1  }
0x149: {  	[tilespmem:$0x10010] =	vst v1  }
0x14a: {  	[tilespmem:$0x10020] =	vst v1  }
0x14b: {  	[tilespmem:$0x10030] =	vst v1  }
0x14c: {  	[tilespmem:$0x10040] =	vst v1  }
0x14d: {  	[tilespmem:$0x10050] =	vst v1  }
0x14e: {  	[tilespmem:$0x10060] =	vst v1  }
0x14f: {  	[tilespmem:$0x10070] =	vst v1  }
0x150: {  	[tilespmem:$0x10080] =	vst v1  }
0x151: {  	[tilespmem:$0x10090] =	vst v1  }
0x152: {  	[tilespmem:$0x100A0] =	vst v1  }
0x153: {  	[tilespmem:$0x100B0] =	vst v1  }
0x154: {  	[tilespmem:$0x100C0] =	vst v1  }
0x155: {  	[tilespmem:$0x100D0] =	vst v1  }
0x156: {  	[tilespmem:$0x100E0] =	vst v1  }
0x157: {  	[tilespmem:$0x100F0] =	vst v1  }
0x158: {  	[tilespmem:$0x10100] =	vst v1  }
0x159: {  	[tilespmem:$0x10110] =	vst v1  }
0x15a: {  	[tilespmem:$0x10120] =	vst v1  }
0x15b: {  	[tilespmem:$0x10130] =	vst v1  }
0x15c: {  	[tilespmem:$0x10140] =	vst v1  }
0x15d: {  	[tilespmem:$0x10150] =	vst v1  }
0x15e: {  	[tilespmem:$0x10160] =	vst v1  }
0x15f: {  	[tilespmem:$0x10170] =	vst v1  }
0x160: {  	[tilespmem:$0x10180] =	vst v1  }
0x161: {  	[tilespmem:$0x10190] =	vst v1  }
0x162: {  	[tilespmem:$0x101A0] =	vst v1  }
0x163: {  	[tilespmem:$0x101B0] =	vst v1  }
0x164: {  	[tilespmem:$0x101C0] =	vst v1  }
0x165: {  	[tilespmem:$0x101D0] =	vst v1  }
0x166: {  	[tilespmem:$0x101E0] =	vst v1  }
0x167: {  	[tilespmem:$0x101F0] =	vst v1  }
0x168: {  	[tilespmem:$0x10200] =	vst v1  }
0x169: {  	[tilespmem:$0x10210] =	vst v1  }
0x16a: {  	[tilespmem:$0x10220] =	vst v1  }
0x16b: {  	[tilespmem:$0x10230] =	vst v1  }
0x16c: {  	[tilespmem:$0x10240] =	vst v1  }
0x16d: {  	[tilespmem:$0x10250] =	vst v1  }
0x16e: {  	[tilespmem:$0x10260] =	vst v1  }
0x16f: {  	[tilespmem:$0x10270] =	vst v1  }
0x170: {  	[tilespmem:$0x10280] =	vst v1  }
0x171: {  	[tilespmem:$0x10290] =	vst v1  }
0x172: {  	[tilespmem:$0x102A0] =	vst v1  }
0x173: {  	[tilespmem:$0x102B0] =	vst v1  }
0x174: {  	[tilespmem:$0x102C0] =	vst v1  }
0x175: {  	[tilespmem:$0x102D0] =	vst v1  }
0x176: {  	[tilespmem:$0x102E0] =	vst v1  }
0x177: {  	[tilespmem:$0x102F0] =	vst v1  }
0x178: {  	[tilespmem:$0x10300] =	vst v1  }
0x179: {  	[tilespmem:$0x10310] =	vst v1  }
0x17a: {  	[tilespmem:$0x10320] =	vst v1  }
0x17b: {  	[tilespmem:$0x10330] =	vst v1  }
0x17c: {  	[tilespmem:$0x10340] =	vst v1  }
0x17d: {  	[tilespmem:$0x10350] =	vst v1  }
0x17e: {  	[tilespmem:$0x10360] =	vst v1  }
0x17f: {  	[tilespmem:$0x10370] =	vst v1  }
0x180: {  	[tilespmem:$0x10380] =	vst v1  }
0x181: {  	[tilespmem:$0x10390] =	vst v1  }
0x182: {  	[tilespmem:$0x103A0] =	vst v1  }
0x183: {  	[tilespmem:$0x103B0] =	vst v1  }
0x184: {  	[tilespmem:$0x103C0] =	vst v1  }
0x185: {  	[tilespmem:$0x103D0] =	vst v1  }
0x186: {  	[tilespmem:$0x104C0] =	vst v1  }
0x187: {  	[tilespmem:$0x10490] =	vst v1  }
0x188: {  	[tilespmem:$0x103E0] =	vst v1  }
0x189: {  	[tilespmem:$0x104E0] =	vst v1  }
0x18a: {  	[tilespmem:$0x103F0] =	vst v1  }
0x18b: {  	[tilespmem:$0x10410] =	vst v1  }
0x18c: {  	[tilespmem:$0x10420] =	vst v1  }
0x18d: {  	[tilespmem:$0x10440] =	vst v1  }
0x18e: {  	[tilespmem:$0x10450] =	vst v1  }
0x18f: {  	[tilespmem:$0x10460] =	vst v1  }
0x190: {  	[tilespmem:$0x10470] =	vst v1  }
0x191: {  	[tilespmem:$0x10480] =	vst v1  }
0x192: {  	s0 =	simm.s32 $0x1;
	[tilespmem:$0x104A0] =	vst v1  }
0x193: {  	s0 =	simm.s32 @!p0 $0x0;
	[tilespmem:$0x10400] =	vst v1  }
0x194: {  	[tilespmem:$0x104B0] =	vst v1;
	s26 =	smul.u32 $0xA000, s0  }
0x195: {  	[tilespmem:$0x104D0] =	vst v1  }
0x196: {  	[tilespmem:$0x10430] =	vst v1;
	s21 =	sshrl.u32 s26, $0x2  }
0x197: {  	s23 =	sor.u32 $0x20, s21;
	[tilespmem:$0x104F0] =	vst v1  }
0x198: {  	v26 =	vld [tilespmem:s23+$0x20];
	_ =	sdelay $0x3  }
0x199: {  	v27 =	vld [tilespmem:s23+$0xFFFFFFE0]  }
0x19a: {  	v26 =	vshrl.u32 v26, $0x16  }
0x19b: {  	v26 =	vmin.u32 v26, $0x10F  }
0x19c: {  	v26 =	vadd.s32 v2, v26;
	_ =	sdelay $0x1  }
0x19d: {  	s0 =	smul.u32 $0x2800, s0;
	v27 =	vshrl.u32 v27, $0x16  }
0x19e: {  	s22 =	sadd.s32 $0x80, s23;
	v27 =	vmin.u32 v27, $0x10F  }
0x19f: {  	s21 =	sor.u32 $0x40, s0;
	v28 =	vld [tilespmem:s22+$0x20];
	v27 =	vadd.s32 v2, v27  }
0x1a0: {  	s0 =	sor.u32 $0x50, s21;
	[tilespmem:v26+s15+$0x0] =	vst.idx.add.s32.msk $0xffff, v3  }
0x1a1: {  	v26 =	vld [tilespmem:s0+$0x0];
	_ =	sdelay $0x2  }
0x1a2: {  	v28 =	vshrl.u32 v28, $0x16;
	[tilespmem:v27+s15+$0x0] =	vst.idx.add.s32.msk $0xffff, v3  }
0x1a3: {  	v27 =	vmin.u32 v28, $0x10F;
	v28 =	vld [tilespmem:s22+$0xFFFFFFE0]  }
0x1a4: {  	v27 =	vadd.s32 v2, v27;
	v26 =	vshrl.u32 v26, $0x16  }
0x1a5: {  	v26 =	vmin.u32 v26, $0x10F  }
0x1a6: {  	v26 =	vadd.s32 v2, v26;
	_ =	sdelay $0x1  }
0x1a7: {  	s2 =	sadd.s32 $0x80, s21;
	v29 =	vld [tilespmem:s23+$0xFFFFFFF0];
	v28 =	vshrl.u32 v28, $0x16  }
0x1a8: {  	s24 =	sor.u32 $0x50, s2;
	[tilespmem:v27+s15+$0x0] =	vst.idx.add.s32.msk $0xffff, v3;
	v27 =	vmin.u32 v28, $0x10F  }
0x1a9: {  	v28 =	vld [tilespmem:s24+$0x0];
	v27 =	vadd.s32 v2, v27  }
0x1aa: {  	s31 =	sor.u32 $0x60, s21;
	[tilespmem:v26+s15+$0x0] =	vst.idx.add.s32.msk $0xffff, v3  }
0x1ab: {  	v26 =	vld [tilespmem:s31+$0x0];
	_ =	sdelay $0x1  }
0x1ac: {  	v29 =	vshrl.u32 v29, $0x16  }
0x1ad: {  	v29 =	vmin.u32 v29, $0x10F;
	v28 =	vshrl.u32 v28, $0x16;
	[tilespmem:v27+s15+$0x0] =	vst.idx.add.s32.msk $0xffff, v3  }
0x1ae: {  	s24 =	sadd.s32 $0x80, s22;
	v29 =	vadd.s32 v2, v29;
	v27 =	vmin.u32 v28, $0x10F;
	v28 =	vld [tilespmem:s22+$0xFFFFFFF0]  }
0x1af: {  	v30 =	vld [tilespmem:s24+$0x20];
	v27 =	vadd.s32 v2, v27;
	v26 =	vshrl.u32 v26, $0x16  }
0x1b0: {  	v26 =	vmin.u32 v26, $0x10F  }
0x1b1: {  	v31 =	vld [tilespmem:s24+$0xFFFFFFE0];
	v26 =	vadd.s32 v2, v26;
	_ =	sdelay $0x1  }
0x1b2: {  	[tilespmem:v29+s15+$0x0] =	vst.idx.add.s32.msk $0xffff, v3;
	v28 =	vshrl.u32 v28, $0x16  }
0x1b3: {  	v30 =	vshrl.u32 v30, $0x16;
	s31 =	sor.u32 $0x60, s2;
	[tilespmem:v27+s15+$0x0] =	vst.idx.add.s32.msk $0xffff, v3;
	v27 =	vmin.u32 v28, $0x10F  }
0x1b4: {  	v29 =	vmin.u32 v30, $0x10F;
	v28 =	vld [tilespmem:s31+$0x0];
	v27 =	vadd.s32 v2, v27  }
0x1b5: {  	s25 =	sor.u32 $0x70, s21;
	v30 =	vshrl.u32 v31, $0x16;
	[tilespmem:v26+s15+$0x0] =	vst.idx.add.s32.msk $0xffff, v3;
	v26 =	vadd.s32 v2, v29  }
0x1b6: {  	v29 =	vmin.u32 v30, $0x10F;
	v30 =	vld [tilespmem:s25+$0x0]  }
0x1b7: {  	v31 =	vld [tilespmem:s23+$0x0];
	v29 =	vadd.s32 v2, v29;
	_ =	sdelay $0x1  }
0x1b8: {  	[tilespmem:v27+s15+$0x0] =	vst.idx.add.s32.msk $0xffff, v3;
	s25 =	sadd.s32 $0x80, s2  }
0x1b9: {  	v28 =	vshrl.u32 v28, $0x16;
	s26 =	sor.u32 $0x50, s25;
	[tilespmem:v26+s15+$0x0] =	vst.idx.add.s32.msk $0xffff, v3  }
0x1ba: {  	v27 =	vmin.u32 v28, $0x10F;
	v26 =	vshrl.u32 v30, $0x16;
	v30 =	vld [tilespmem:s26+$0x0]  }
0x1bb: {  	v31 =	vshrl.u32 v31, $0x16;
	v27 =	vadd.s32 v2, v27;
	[tilespmem:v29+s15+$0x0] =	vst.idx.add.s32.msk $0xffff, v3;
	v26 =	vmin.u32 v26, $0x10F  }
0x1bc: {  	v29 =	vmin.u32 v31, $0x10F;
	s26 =	sadd.s32 $0x80, s24;
	v31 =	vld [tilespmem:s24+$0xFFFFFFF0];
	v26 =	vadd.s32 v2, v26  }
0x1bd: {  	v29 =	vadd.s32 v2, v29;
	v32 =	vld [tilespmem:s26+$0x20]  }
0x1be: {  	v33 =	vld [tilespmem:s22+$0x0]  }
0x1bf: {  	v28 =	vld [tilespmem:s26+$0xFFFFFFE0];
	v30 =	vshrl.u32 v30, $0x16  }
0x1c0: {  	[tilespmem:v27+s15+$0x0] =	vst.idx.add.s32.msk $0xffff, v3;
	v30 =	vmin.u32 v30, $0x10F  }
0x1c1: {  	[tilespmem:v26+s15+$0x0] =	vst.idx.add.s32.msk $0xffff, v3;
	v26 =	vshrl.u32 v31, $0x16;
	v30 =	vadd.s32 v2, v30  }
0x1c2: {  	[tilespmem:v29+s15+$0x0] =	vst.idx.add.s32.msk $0xffff, v3;
	v29 =	vshrl.u32 v32, $0x16;
	v26 =	vmin.u32 v26, $0x10F  }
0x1c3: {  	s0 =	sor.u32 $0x70, s2;
	v31 =	vld [tilespmem:s23+$0x10];
	v29 =	vmin.u32 v29, $0x10F;
	v26 =	vadd.s32 v2, v26  }
0x1c4: {  	v28 =	vshrl.u32 v28, $0x16;
	v27 =	vadd.s32 v2, v29;
	v29 =	vld [tilespmem:s0+$0x0]  }
0x1c5: {  	v28 =	vmin.u32 v28, $0x10F  }
0x1c6: {  	s2 =	sor.u32 $0x60, s25;
	v63 =	vadd.s32 v2, v28;
	[tilespmem:v30+s15+$0x0] =	vst.idx.add.s32.msk $0xffff, v3  }
0x1c7: {  	v34 =	vld [tilespmem:s2+$0x0]  }
0x1c8: {  	s28 =	sadd.s32 $0x80, s25;
	[tilespmem:v26+s15+$0x0] =	vst.idx.add.s32.msk $0xffff, v3;
	v26 =	vshrl.u32 v33, $0x16  }
0x1c9: {  	s31 =	sor.u32 $0x50, s28;
	[tilespmem:v27+s15+$0x0] =	vst.idx.add.s32.msk $0xffff, v3;
	v27 =	vshrl.u32 v31, $0x16;
	v30 =	vshrl.u32 v29, $0x16;
	v26 =	vmin.u32 v26, $0x10F  }
0x1ca: {  	v29 =	vld [tilespmem:s31+$0x0];
	v28 =	vadd.s32 v2, v26;
	v26 =	vmin.u32 v27, $0x10F;
	v27 =	vmin.u32 v30, $0x10F  }
0x1cb: {  	[tilespmem:v63+s15+$0x0] =	vst.idx.add.s32.msk $0xffff, v3;
	v27 =	vadd.s32 v2, v27  }
0x1cc: {  	s29 =	simm.s32 $0x6;
	s30 =	sadd.s32 $0x80, s26;
	s0 =	smov.u32 s22;
	v30 =	vld [tilespmem:s26+$0xFFFFFFF0];
	v26 =	vadd.s32 v2, v26;
	v31 =	vshrl.u32 v34, $0x16  }
.LBB2_3:
0x1cd: {  	v32 =	vld [tilespmem:s30+$0x20];
	s29 =	sadd.s32 $0x2, s29;
	v31 =	vmin.u32 v31, $0x10F  }
0x1ce: {  	v33 =	vld [tilespmem:s30+$0xFFFFFFE0];
	p1 =	slt.u32 s29, $0x9E;
	v31 =	vadd.s32 v2, v31  }
0x1cf: {  	v29 =	vshrl.u32 v29, $0x16;
	v34 =	vld [tilespmem:s24+$0x0]  }
0x1d0: {  	v29 =	vmin.u32 v29, $0x10F;
	[tilespmem:v27+s15+$0x0] =	vst.idx.add.s32.msk $0xffff, v3  }
0x1d1: {  	v27 =	vshrl.u32 v30, $0x16;
	v29 =	vadd.s32 v2, v29;
	[tilespmem:v28+s15+$0x0] =	vst.idx.add.s32.msk $0xffff, v3  }
0x1d2: {  	v28 =	vshrl.u32 v32, $0x16;
	v27 =	vmin.u32 v27, $0x10F;
	v30 =	vld [tilespmem:s0+$0x10];
	s0 =	smov.u32 s24;
	s24 =	smov.u32 s26;
	s26 =	smov.u32 s30  }
0x1d3: {  	s31 =	sor.u32 $0x70, s25;
	s25 =	smov.u32 s28;
	v32 =	vshrl.u32 v33, $0x16;
	v28 =	vmin.u32 v28, $0x10F;
	v27 =	vadd.s32 v2, v27;
	[tilespmem:v31+s15+$0x0] =	vst.idx.add.s32.msk $0xffff, v3  }
0x1d4: {  	v31 =	vmin.u32 v32, $0x10F;
	v32 =	vadd.s32 v2, v28;
	v28 =	vshrl.u32 v34, $0x16;
	v33 =	vld [tilespmem:s31+$0x0]  }
0x1d5: {  	v31 =	vadd.s32 v2, v31;
	v28 =	vmin.u32 v28, $0x10F;
	[tilespmem:v26+s15+$0x0] =	vst.idx.add.s32.msk $0xffff, v3  }
0x1d6: {  	s31 =	sor.u32 $0x60, s28;
	[tilespmem:v29+s15+$0x0] =	vst.idx.add.s32.msk $0xffff, v3;
	v28 =	vadd.s32 v2, v28  }
0x1d7: {  	v34 =	vld [tilespmem:s31+$0x0];
	v26 =	vshrl.u32 v30, $0x16  }
.Ltmp4:
0x1d8: {  	s28 =	sadd.s32 $0x80, s28;
	[tilespmem:v27+s15+$0x0] =	vst.idx.add.s32.msk $0xffff, v3;
	v26 =	vmin.u32 v26, $0x10F;
	(pc) =	sbr.rel @p1 .LBB2_3-.Ltmp4, $4  }
0x1d9: {  	s31 =	sor.u32 $0x50, s28;
	[tilespmem:v32+s15+$0x0] =	vst.idx.add.s32.msk $0xffff, v3;
	v27 =	vshrl.u32 v33, $0x16;
	v26 =	vadd.s32 v2, v26  }
0x1da: {  	v29 =	vld [tilespmem:s31+$0x0];
	v27 =	vmin.u32 v27, $0x10F  }
0x1db: {  	[tilespmem:v31+s15+$0x0] =	vst.idx.add.s32.msk $0xffff, v3;
	v27 =	vadd.s32 v2, v27  }
0x1dc: {  	s30 =	sadd.s32 $0x80, s30;
	v30 =	vld [tilespmem:s26+$0xFFFFFFF0];
	v31 =	vshrl.u32 v34, $0x16  }
0x1dd: {  	_ =	sdelay $0x1  }
0x1de: {  	v29 =	vshrl.u32 v29, $0x16  }
0x1df: {  	v29 =	vmin.u32 v29, $0x10F  }
0x1e0: {  	v30 =	vshrl.u32 v30, $0x16;
	v29 =	vadd.s32 v2, v29  }
0x1e1: {  	v32 =	vld [tilespmem:s24+$0x0];
	v30 =	vmin.u32 v30, $0x10F  }
0x1e2: {  	v30 =	vadd.s32 v2, v30;
	_ =	sdelay $0x2  }
0x1e3: {  	s29 =	sor.u32 $0x60, s28;
	[tilespmem:v29+s15+$0x0] =	vst.idx.add.s32.msk $0xffff, v3  }
0x1e4: {  	v32 =	vshrl.u32 v32, $0x16;
	v29 =	vld [tilespmem:s29+$0x0]  }
0x1e5: {  	v32 =	vmin.u32 v32, $0x10F;
	[tilespmem:v30+s15+$0x0] =	vst.idx.add.s32.msk $0xffff, v3  }
0x1e6: {  	v32 =	vadd.s32 v2, v32;
	v30 =	vmin.u32 v31, $0x10F;
	v31 =	vld [tilespmem:s26+$0x0]  }
0x1e7: {  	v30 =	vadd.s32 v2, v30;
	_ =	sdelay $0x1  }
0x1e8: {  	v29 =	vshrl.u32 v29, $0x16  }
0x1e9: {  	[tilespmem:v28+s15+$0x0] =	vst.idx.add.s32.msk $0xffff, v3;
	v28 =	vmin.u32 v29, $0x10F  }
0x1ea: {  	[tilespmem:v32+s15+$0x0] =	vst.idx.add.s32.msk $0xffff, v3;
	v28 =	vadd.s32 v2, v28;
	v31 =	vshrl.u32 v31, $0x16  }
0x1eb: {  	[tilespmem:v30+s15+$0x0] =	vst.idx.add.s32.msk $0xffff, v3;
	v30 =	vmin.u32 v31, $0x10F  }
0x1ec: {  	v32 =	vld [tilespmem:s24+$0x10];
	v30 =	vadd.s32 v2, v30  }
0x1ed: {  	s25 =	sor.u32 $0x70, s25;
	v29 =	vld [tilespmem:s0+$0x10]  }
0x1ee: {  	v31 =	vld [tilespmem:s25+$0x0]  }
0x1ef: {  	s30 =	sor.u32 $0x70, s28;
	[tilespmem:v28+s15+$0x0] =	vst.idx.add.s32.msk $0xffff, v3  }
0x1f0: {  	v28 =	vld [tilespmem:s30+$0x0]  }
0x1f1: {  	[tilespmem:v30+s15+$0x0] =	vst.idx.add.s32.msk $0xffff, v3  }
0x1f2: {  	v30 =	vld [tilespmem:s26+$0x10]  }
0x1f3: {  	v32 =	vshrl.u32 v32, $0x16  }
0x1f4: {  	v32 =	vmin.u32 v32, $0x10F;
	v29 =	vshrl.u32 v29, $0x16  }
0x1f5: {  	[tilespmem:v27+s15+$0x0] =	vst.idx.add.s32.msk $0xffff, v3;
	v27 =	vadd.s32 v2, v32;
	v29 =	vmin.u32 v29, $0x10F;
	v31 =	vshrl.u32 v31, $0x16  }
0x1f6: {  	v29 =	vadd.s32 v2, v29;
	v31 =	vmin.u32 v31, $0x10F;
	v28 =	vshrl.u32 v28, $0x16  }
0x1f7: {  	v31 =	vadd.s32 v2, v31;
	v28 =	vmin.u32 v28, $0x10F;
	v30 =	vshrl.u32 v30, $0x16  }
0x1f8: {  	v28 =	vadd.s32 v2, v28;
	v30 =	vmin.u32 v30, $0x10F  }
0x1f9: {  	[tilespmem:v26+s15+$0x0] =	vst.idx.add.s32.msk $0xffff, v3;
	v26 =	vadd.s32 v2, v30  }
0x1fa: {  	[tilespmem:v27+s15+$0x0] =	vst.idx.add.s32.msk $0xffff, v3  }
0x1fb: {  	[tilespmem:v29+s15+$0x0] =	vst.idx.add.s32.msk $0xffff, v3  }
0x1fc: {  	[tilespmem:v31+s15+$0x0] =	vst.idx.add.s32.msk $0xffff, v3  }
0x1fd: {  	s24 =	simm.s32 $0x0;
	[tilespmem:v28+s15+$0x0] =	vst.idx.add.s32.msk $0xffff, v3  }
0x1fe: {  	s31 =	sand.u32 $0x1F0, s24;
	[tilespmem:v26+s15+$0x0] =	vst.idx.add.s32.msk $0xffff, v3  }
0x1ff: {  	p4 =	por $0x1, $0x1;
	s26 =	simm.s32 $0xFD90;
	v30 =	vld [tilespmem:s31+$0xFC80]  }
.Ltmp5:
0x200: {  	v26 =	vld [tilespmem:s26+$0xFFFFF670];
	(pc) =	sbr.rel @!p4 .LBB2_5-.Ltmp5, $4  }
0x201: {  	v28 =	vld [tilespmem:s26+$0xFFFFF780]  }
0x202: {  	v27 =	vld [tilespmem:s26+$0xFFFFF890]  }
0x203: {  	p1 =	por $0x0, $0x0;
	p2 =	por $0x0, $0x0;
	v29 =	vld [tilespmem:s26+$0xFFFFF9A0]  }
0x204: {  	p3 =	por $0x0, $0x0;
	s29 =	simm.s32 $0x10;
	s25 =	simm.s32 $0x270F;
	v31 =	vld [tilespmem:s26+$0xFFFFFAB0]  }
0x205: {  	v32 =	vld [tilespmem:s26+$0xFFFFFBC0]  }
0x206: {  	v26 =	vadd.s32 v26, v28;
	v28 =	vld [tilespmem:s26+$0xFFFFFCD0]  }
0x207: {  	v26 =	vadd.s32 v27, v26;
	v27 =	vld [tilespmem:s26+$0xFFFFFDE0]  }
0x208: {  	v26 =	vadd.s32 v29, v26  }
0x209: {  	v29 =	vld [tilespmem:s26+$0x0];
	v26 =	vadd.s32 v31, v26  }
0x20a: {  	v31 =	vld [tilespmem:s26+$0x110];
	v26 =	vadd.s32 v32, v26  }
0x20b: {  	v26 =	vadd.s32 v28, v26;
	v28 =	vld [tilespmem:s26+$0x220]  }
0x20c: {  	v26 =	vadd.s32 v27, v26;
	v27 =	vld [tilespmem:s26+$0x330]  }
0x20d: {  	v63 =	vld [tilespmem:s26+$0x440];
	v26 =	vadd.s32 v30, v26  }
0x20e: {  	v26 =	vadd.s32 v29, v26;
	v29 =	vld [tilespmem:s26+$0x550]  }
0x20f: {  	s0 =	sand.u32 $0x1F0, s29;
	v26 =	vadd.s32 v31, v26;
	v31 =	vld [tilespmem:s26+$0x660]  }
0x210: {  	p4 =	por $0x1, $0x1;
	v30 =	vld [tilespmem:s0+$0xFC80];
	s26 =	simm.s32 $0xFDA0;
	v28 =	vadd.s32 v28, v26  }
.Ltmp6:
0x211: {  	v26 =	vld [tilespmem:s26+$0xFFFFF670];
	v27 =	vadd.s32 v27, v28;
	(pc) =	sbr.rel @!p4 .LBB2_7-.Ltmp6, $4  }
0x212: {  	v28 =	vld [tilespmem:s26+$0xFFFFF780];
	v32 =	vadd.s32 v63, v27  }
0x213: {  	v27 =	vld [tilespmem:s26+$0xFFFFF890];
	v32 =	vadd.s32 v29, v32  }
0x214: {  	v29 =	vld [tilespmem:s26+$0xFFFFF9A0];
	v32 =	vadd.s32 v31, v32  }
0x215: {  	s28 =	simm.s32 $0x20;
	p1 =	por $0x1, $0x1;
	v31 =	vld [tilespmem:s26+$0xFFFFFAB0];
	(xrf0) =	vadd.scan.msk.s32 $0xffff, v32  }
0x216: {  	v32 =	vld [tilespmem:s26+$0xFFFFFBC0]  }
0x217: {  	v26 =	vadd.s32 v26, v28;
	v28 =	vld [tilespmem:s26+$0xFFFFFCD0]  }
0x218: {  	v26 =	vadd.s32 v27, v26;
	v27 =	vld [tilespmem:s26+$0xFFFFFDE0]  }
0x219: {  	v26 =	vadd.s32 v29, v26  }
0x21a: {  	v29 =	vld [tilespmem:s26+$0x0];
	v26 =	vadd.s32 v31, v26  }
0x21b: {  	v31 =	vld [tilespmem:s26+$0x110];
	v26 =	vadd.s32 v32, v26;
	v60, _, _ =	vpop (xrf0)  }
0x21c: {  	v26 =	vadd.s32 v28, v26;
	v28 =	vld [tilespmem:s26+$0x220];
	v32 =	vadd.s32 s24, v60  }
0x21d: {  	v33 =	vor.u32 s24, v4;
	v26 =	vadd.s32 v27, v26;
	v27 =	vld [tilespmem:s26+$0x330];
	vm0 =	vgt.s32 v32, $0x3F  }
0x21e: {  	v34 =	vld [tilespmem:s26+$0x440];
	v26 =	vadd.s32 v30, v26;
	v30 =	vnsel vm0, $0x8000270F, v33  }
0x21f: {  	v26 =	vadd.s32 v29, v26;
	v29 =	vld [tilespmem:s26+$0x550];
	(xrf0) =	vmin.scan.msk.u32 $0xffff, v30  }
0x220: {  	s0 =	sand.u32 $0x1F0, s28;
	v26 =	vadd.s32 v31, v26;
	v31 =	vld [tilespmem:s26+$0x660]  }
0x221: {  	p4 =	por $0x1, $0x1;
	v30 =	vld [tilespmem:s0+$0xFC80];
	s26 =	simm.s32 $0xFDB0;
	v28 =	vadd.s32 v28, v26  }
.Ltmp7:
0x222: {  	v26 =	vld [tilespmem:s26+$0xFFFFF670];
	v27 =	vadd.s32 v27, v28;
	(pc) =	sbr.rel @!p4 .LBB2_9-.Ltmp7, $4  }
0x223: {  	v28 =	vld [tilespmem:s26+$0xFFFFF780];
	v61 =	vadd.s32 v34, v27  }
0x224: {  	v27 =	vld [tilespmem:s26+$0xFFFFF890];
	v33 =	vadd.s32 v29, v61  }
0x225: {  	(v2sf) =	vpush v32, $0xF;
	v29 =	vld [tilespmem:s26+$0xFFFFF9A0];
	v62 =	vadd.s32 v31, v33;
	v63, _, _ =	vpop (xrf0)  }
0x226: {  	s31 =	simm.s32 $0x30;
	p2 =	por $0x1, $0x1;
	v31 =	vld [tilespmem:s26+$0xFFFFFAB0];
	(xrf0) =	vadd.scan.msk.s32 $0xffff, v62;
	(v2sf) =	vpush v63, $0xF  }
0x227: {  	_ =	sdelay $0x7  }
0x228: {  	v32 =	vld [tilespmem:s26+$0xFFFFFBC0]  }
0x229: {  	v26 =	vadd.s32 v26, v28;
	v28 =	vld [tilespmem:s26+$0xFFFFFCD0]  }
0x22a: {  	v26 =	vadd.s32 v27, v26;
	v27 =	vld [tilespmem:s26+$0xFFFFFDE0]  }
0x22b: {  	v26 =	vadd.s32 v29, v26  }
0x22c: {  	v29 =	vld [tilespmem:s26+$0x0];
	v26 =	vadd.s32 v31, v26  }
0x22d: {  	v31 =	vld [tilespmem:s26+$0x110];
	v26 =	vadd.s32 v32, v26;
	v60, _, _ =	vpop (xrf0);
	s0 =	spop (v2sf)  }
0x22e: {  	v26 =	vadd.s32 v28, v26;
	v28 =	vld [tilespmem:s26+$0x220];
	v32 =	vadd.s32 s0, v60  }
0x22f: {  	v33 =	vor.u32 s29, v4;
	v26 =	vadd.s32 v27, v26;
	v27 =	vld [tilespmem:s26+$0x330];
	vm0 =	vgt.s32 v32, $0x3F  }
0x230: {  	v34 =	vld [tilespmem:s26+$0x440];
	v26 =	vadd.s32 v30, v26;
	(v2sf) =	vpush v32, $0xF;
	v30 =	vnsel vm0, $0x8000270F, v33  }
0x231: {  	v26 =	vadd.s32 v29, v26;
	v29 =	vld [tilespmem:s26+$0x550];
	(xrf0) =	vmin.scan.msk.u32 $0xffff, v30  }
0x232: {  	v26 =	vadd.s32 v31, v26;
	v31 =	vld [tilespmem:s26+$0x660];
	s26 =	simm.s32 $0xFDC0  }
0x233: {  	p5 =	por $0x1, $0x1;
	v28 =	vadd.s32 v28, v26;
	v26 =	vld [tilespmem:s26+$0xFFFFF670]  }
.Ltmp8:
0x234: {  	v27 =	vadd.s32 v27, v28;
	v28 =	vld [tilespmem:s26+$0xFFFFF780];
	(pc) =	sbr.rel @!p5 .LBB2_11-.Ltmp8, $4  }
0x235: {  	v61 =	vadd.s32 v34, v27;
	v27 =	vld [tilespmem:s26+$0xFFFFF890]  }
0x236: {  	s2 =	sand.u32 $0x1F0, s31;
	s30 =	spop (v2sf);
	v33 =	vadd.s32 v29, v61;
	v29 =	vld [tilespmem:s26+$0xFFFFF9A0]  }
0x237: {  	s29 =	simm.s32 $0x40;
	v30 =	vld [tilespmem:s2+$0xFC80];
	v62 =	vadd.s32 v31, v33;
	s2 =	sxor.u32 $0x80000000, s30;
	v63, _, _ =	vpop (xrf0)  }
0x238: {  	p3 =	por $0x1, $0x1;
	s0 =	simm.s32 $0x270F;
	v31 =	vld [tilespmem:s26+$0xFFFFFAB0];
	p4 =	sgt.s32 s2, $0x270F;
	(xrf0) =	vadd.scan.msk.s32 $0xffff, v62;
	(v2sf) =	vpush v63, $0xF  }
.LBB2_12:
0x239: {  	s30 =	smov.u32 s0;
	p5 =	sne.s32 s29, $0x100;
	s0 =	smov.u32 s2  }
0x23a: {  	s2 =	smov.u32 s29;
	s29 =	sadd.s32 $0x10, s29;
	v32 =	vld [tilespmem:s26+$0xFFFFFBC0];
	s0 =	smov.u32 @p4 s30  }
0x23b: {  	v26 =	vadd.s32 v26, v28;
	v28 =	vld [tilespmem:s26+$0xFFFFFCD0]  }
0x23c: {  	s30 =	sand.u32 $0x1F0, s2;
	v26 =	vadd.s32 v27, v26;
	v27 =	vld [tilespmem:s26+$0xFFFFFDE0]  }
0x23d: {  	v26 =	vadd.s32 v29, v26;
	v33 =	vld [tilespmem:s30+$0xFC80]  }
0x23e: {  	v26 =	vadd.s32 v31, v26;
	v29 =	vld [tilespmem:s26+$0x0]  }
0x23f: {  	v26 =	vadd.s32 v32, v26;
	v31 =	vld [tilespmem:s26+$0x110];
	v32, _, _ =	vpop (xrf0);
	s30 =	spop (v2sf)  }
0x240: {  	v34 =	vor.u32 s28, v4;
	s28 =	smov.u32 s31;
	s31 =	smov.u32 s2;
	v26 =	vadd.s32 v28, v26;
	v28 =	vld [tilespmem:s26+$0x220];
	v32 =	vadd.s32 s30, v32  }
0x241: {  	v26 =	vadd.s32 v27, v26;
	v27 =	vld [tilespmem:s26+$0x330];
	vm0 =	vgt.s32 v32, $0x3F;
	(v2sf) =	vpush v32, $0xF  }
0x242: {  	v26 =	vadd.s32 v30, v26;
	v32 =	vld [tilespmem:s26+$0x440];
	v34 =	vnsel vm0, $0x8000270F, v34;
	v30 =	vmov v33  }
0x243: {  	v26 =	vadd.s32 v29, v26;
	v29 =	vld [tilespmem:s26+$0x550];
	(xrf0) =	vmin.scan.msk.u32 $0xffff, v34  }
0x244: {  	v26 =	vadd.s32 v31, v26;
	v31 =	vld [tilespmem:s26+$0x660]  }
0x245: {  	s26 =	sadd.s32 $0x10, s26;
	v28 =	vadd.s32 v28, v26  }
.Ltmp9:
0x246: {  	v26 =	vld [tilespmem:s26+$0xFFFFF670];
	v27 =	vadd.s32 v27, v28;
	(pc) =	sbr.rel @p5 .LBB2_12-.Ltmp9, $4  }
0x247: {  	v28 =	vld [tilespmem:s26+$0xFFFFF780];
	v32 =	vadd.s32 v32, v27  }
0x248: {  	v27 =	vld [tilespmem:s26+$0xFFFFF890];
	v32 =	vadd.s32 v29, v32;
	s2 =	spop (v2sf)  }
0x249: {  	v29 =	vld [tilespmem:s26+$0xFFFFF9A0];
	v32 =	vadd.s32 v31, v32;
	v33, _, _ =	vpop (xrf0);
	s2 =	sxor.u32 $0x80000000, s2  }
0x24a: {  	v31 =	vld [tilespmem:s26+$0xFFFFFAB0];
	(xrf0) =	vadd.scan.msk.s32 $0xffff, v32;
	(v2sf) =	vpush v33, $0xF;
	p4 =	slt.s32 s0, s2  }
0x24b: {  	s29 =	smov.u32 s31  }
.LBB2_14:
0x24c: {  	_ = 	snop  }
0x24d: {  	v32 =	vld [tilespmem:s26+$0xFFFFFBC0]  }
0x24e: {  	v26 =	vadd.s32 v26, v28;
	v28 =	vld [tilespmem:s26+$0xFFFFFCD0]  }
0x24f: {  	v26 =	vadd.s32 v27, v26;
	v27 =	vld [tilespmem:s26+$0xFFFFFDE0]  }
0x250: {  	s31 =	simm.s32 $0x0;
	v26 =	vadd.s32 v29, v26;
	s30 =	spop @p2 (v2sf)  }
0x251: {  	v29 =	vld [tilespmem:s26+$0x0];
	v26 =	vadd.s32 v31, v26;
	v31, _, _ =	vpop @p1 (xrf0);
	s31 =	smov.u32 @p2 s30  }
0x252: {  	v62 =	vld [tilespmem:s26+$0x110];
	v26 =	vadd.s32 v32, v26;
	v31 =	vadd.s32 @p1 s31, v31  }
0x253: {  	v26 =	vadd.s32 v28, v26;
	v28 =	vld [tilespmem:s26+$0x220];
	(v2sf) =	vpush @p1 v31, $0xF  }
0x254: {  	v26 =	vadd.s32 v27, v26;
	v27 =	vld [tilespmem:s26+$0x330]  }
0x255: {  	v26 =	vadd.s32 v30, v26;
	v30 =	vld [tilespmem:s26+$0x440]  }
0x256: {  	v26 =	vadd.s32 v29, v26;
	v29 =	vld [tilespmem:s26+$0x550]  }
0x257: {  	v63 =	vld [tilespmem:s26+$0x660];
	v26 =	vadd.s32 v62, v26  }
0x258: {  	v26 =	vadd.s32 v28, v26  }
0x259: {  	v26 =	vadd.s32 v27, v26  }
0x25a: {  	vm0 =	vgt.s32 @p1 v31, $0x3F;
	v27 =	vor.u32 @p1 s28, v4;
	v26 =	vadd.s32 v30, v26  }
0x25b: {  	v27 =	vnsel @p1 vm0, $0x8000270F, v27;
	v26 =	vadd.s32 v29, v26  }
0x25c: {  	(xrf0) =	vmin.scan.msk.u32 @p1 $0xffff, v27;
	v26 =	vadd.s32 v63, v26  }
0x25d: {  	(xrf0) =	vadd.scan.msk.s32 $0xffff, v26;
	_ =	sdelay $0x3  }
0x25e: {  	s26 =	spop @p2 (v2sf)  }
0x25f: {  	s30 =	simm.s32 $0x0;
	v26, _, _ =	vpop @p1 (xrf0);
	s28 =	spop @p1 (v2sf)  }
0x260: {  	v27, _, _ =	vpop (xrf0);
	s30 =	smov.u32 @p1 s28  }
0x261: {  	v27 =	vadd.s32 s30, v27  }
0x262: {  	v28 =	vor.u32 s29, v4;
	vm0 =	vgt.s32 v27, $0x3F  }
0x263: {  	v28 =	vnsel vm0, $0x8000270F, v28  }
0x264: {  	(xrf0) =	vmin.scan.msk.u32 $0xffff, v28;
	_ =	sdelay $0x1  }
0x265: {  	(v2sf) =	vpush @p1 v26, $0xF;
	_ =	sdelay $0x3  }
0x266: {  	(v2sf) =	vpush v27, $0xF;
	v26, _, _ =	vpop (xrf0)  }
0x267: {  	(v2sf) =	vpush v26, $0xF;
	_ =	sdelay $0x3  }
0x268: {  	p4 =	por !p4, !p3  }
0x269: {  	s0 =	smov.u32 @p4 s2;
	s2 =	simm.s32 $0x270F  }
0x26a: {  	s2 =	smov.u32 @p3 s0;
	s26 =	sxor.u32 @p2 $0x80000000, s26  }
0x26b: {  	p3 =	slt.s32 @p2 s2, s26  }
0x26c: {  	p3 =	por @!p2 p0, p0  }
0x26d: {  	s0 =	smov.u32 @p2 s26;
	p3 =	por !p3, !p2  }
0x26e: {  	s2 =	smov.u32 @p3 s0;
	s0 =	simm.s32 $0x270F;
	s26 =	spop @p1 (v2sf)  }
0x26f: {  	s0 =	smov.u32 @p2 s2;
	s26 =	sxor.u32 @p1 $0x80000000, s26  }
0x270: {  	p2 =	slt.s32 @p1 s0, s26  }
0x271: {  	p2 =	por @!p1 p0, p0  }
0x272: {  	v27 =	vld [tilespmem:s23+$0xFFFFFFE0];
	s2 =	smov.u32 @p1 s26;
	p2 =	por !p2, !p1;
	s30 =	spop (v2sf)  }
0x273: {  	s0 =	smov.u32 @p2 s2;
	s31 =	spop (v2sf)  }
0x274: {  	s25 =	smov.u32 @p1 s0;
	s26 =	sxor.u32 $0x80000000, s31  }
0x275: {  	p1 =	slt.s32 s25, s26  }
0x276: {  	s26 =	smov.u32 @p1 s25  }
0x277: {  	v28 =	vshrl.u32 v27, $0x16;
	v26 =	vmov s26  }
0x278: {  	vm0 =	vle.s32 v28, v26  }
0x279: {  	[tilespmem:s24+$0x10500] =	vst.msk vm0, v27;
	v27 =	vor.u32 s24, v0;
	v28 =	vmpcnt.ones.xlane vm0  }
0x27a: {  	[tilespmem:s24+$0x12D80] =	vst.msk vm0, v27  }
0x27b: {  	v27 =	vld [tilespmem:s23+$0xFFFFFFF0];
	(v2sf) =	vpush v28, $0x0;
	_ =	sdelay $0x4  }
0x27c: {  	v28 =	vshrl.u32 v27, $0x16  }
0x27d: {  	vm0 =	vle.s32 v28, v26  }
0x27e: {  	v28 =	vmpcnt.ones.xlane vm0;
	_ =	sdelay $0x1  }
0x27f: {  	(v2sf) =	vpush v28, $0x0;
	_ =	sdelay $0x5  }
0x280: {  	s25 =	spop (v2sf)  }
0x281: {  	s0 =	sadd.s32 $0x0, s25  }
0x282: {  	[tilespmem:s0+$0x10500] =	vst.msk vm0, v27;
	v27 =	vor.u32 s24, v5  }
0x283: {  	[tilespmem:s0+$0x12D80] =	vst.msk vm0, v27  }
0x284: {  	v27 =	vld [tilespmem:s23+$0x0];
	_ =	sdelay $0x4  }
0x285: {  	v28 =	vshrl.u32 v27, $0x16;
	s28 =	spop (v2sf)  }
0x286: {  	s0 =	sadd.s32 s0, s28;
	vm0 =	vle.s32 v28, v26  }
0x287: {  	[tilespmem:s0+$0x10500] =	vst.msk vm0, v27;
	v27 =	vor.u32 s24, v7  }
0x288: {  	[tilespmem:s0+$0x12D80] =	vst.msk vm0, v27  }
0x289: {  	v27 =	vld [tilespmem:s23+$0x10];
	_ =	sdelay $0x4  }
0x28a: {  	v28 =	vshrl.u32 v27, $0x16  }
0x28b: {  	v29 =	vmpcnt.ones.xlane vm0;
	vm1 =	vle.s32 v28, v26  }
0x28c: {  	v28 =	vmpcnt.ones.xlane vm1  }
0x28d: {  	(v2sf) =	vpush v29, $0x0  }
0x28e: {  	(v2sf) =	vpush v28, $0x0;
	_ =	sdelay $0x9  }
0x28f: {  	v28 =	vld [tilespmem:s23+$0x20];
	_ =	sdelay $0x3  }
0x290: {  	s29 =	spop (v2sf)  }
0x291: {  	v29 =	vshrl.u32 v28, $0x16;
	s2 =	sadd.s32 s0, s29;
	s30 =	spop (v2sf)  }
0x292: {  	s25 =	simm.s32 $0x40;
	vm0 =	vle.s32 v29, v26;
	s0 =	sadd.s32 s2, s30  }
0x293: {  	s23 =	sadd.s32 $0x0, s21;
	v29 =	vmpcnt.ones.xlane vm0;
	[tilespmem:s0+$0x10500] =	vst.msk vm0, v28;
	v28 =	vor.u32 s25, v0  }
0x294: {  	s31 =	sor.u32 $0x50, s23;
	[tilespmem:s0+$0x12D80] =	vst.msk vm0, v28  }
0x295: {  	(v2sf) =	vpush v29, $0x0;
	v28 =	vld [tilespmem:s31+$0x0];
	_ =	sdelay $0x4  }
0x296: {  	v29 =	vshrl.u32 v28, $0x16  }
0x297: {  	vm0 =	vle.s32 v29, v26  }
0x298: {  	v29 =	vmpcnt.ones.xlane vm0;
	_ =	sdelay $0x1  }
0x299: {  	(v2sf) =	vpush v29, $0x0;
	_ =	sdelay $0x5  }
0x29a: {  	s29 =	spop (v2sf)  }
0x29b: {  	s0 =	sadd.s32 s0, s29  }
0x29c: {  	[tilespmem:s0+$0x10500] =	vst.msk vm0, v28;
	v28 =	vor.u32 s25, v5  }
0x29d: {  	s30 =	sor.u32 $0x60, s23;
	[tilespmem:s0+$0x12D80] =	vst.msk vm0, v28  }
0x29e: {  	v28 =	vld [tilespmem:s30+$0x0];
	_ =	sdelay $0x4  }
0x29f: {  	v29 =	vshrl.u32 v28, $0x16;
	s31 =	spop (v2sf)  }
0x2a0: {  	vm0 =	vle.s32 v29, v26;
	s0 =	sadd.s32 s0, s31  }
0x2a1: {  	[tilespmem:s0+$0x10500] =	vst.msk vm0, v28;
	v28 =	vor.u32 s25, v7  }
0x2a2: {  	s23 =	sor.u32 $0x70, s23;
	[tilespmem:s0+$0x12D80] =	vst.msk vm0, v28  }
0x2a3: {  	v28 =	vld [tilespmem:s23+$0x0];
	_ =	sdelay $0x4  }
0x2a4: {  	v29 =	vshrl.u32 v28, $0x16  }
0x2a5: {  	v30 =	vmpcnt.ones.xlane vm0;
	vm0 =	vle.s32 v29, v26  }
0x2a6: {  	v29 =	vmpcnt.ones.xlane vm0  }
0x2a7: {  	(v2sf) =	vpush v30, $0x0  }
0x2a8: {  	(v2sf) =	vpush v29, $0x0;
	_ =	sdelay $0x7  }
0x2a9: {  	v31 =	vor.u32 s24, v8;
	[tilespmem:s2+$0x10500] =	vst.msk vm1, v27  }
0x2aa: {  	v27 =	vor.u32 s25, v8;
	[tilespmem:s2+$0x12D80] =	vst.msk vm1, v31;
	s23 =	simm.s32 $0x0  }
.LBB2_15:
0x2ab: {  	v29 =	vld [tilespmem:s22+$0xFFFFFFE0];
	_ =	sdelay $0x3  }
0x2ac: {  	s23 =	sadd.s32 $0x2, s23;
	s2 =	spop (v2sf)  }
0x2ad: {  	p1 =	slt.u32 s23, $0x9E;
	v30 =	vshrl.u32 v29, $0x16;
	s0 =	sadd.s32 s0, s2;
	s2 =	spop (v2sf)  }
0x2ae: {  	s24 =	sadd.s32 $0x80, s24;
	vm1 =	vle.s32 v30, v26;
	[tilespmem:s0+$0x10500] =	vst.msk vm0, v28;
	s2 =	sadd.s32 s0, s2  }
0x2af: {  	v28 =	vor.u32 s24, v0;
	v30 =	vor.u32 s24, v8;
	[tilespmem:s2+$0x10500] =	vst.msk vm1, v29;
	v29 =	vmpcnt.ones.xlane vm1  }
0x2b0: {  	[tilespmem:s2+$0x12D80] =	vst.msk vm1, v28  }
0x2b1: {  	v28 =	vld [tilespmem:s22+$0xFFFFFFF0];
	(v2sf) =	vpush v29, $0x0;
	[tilespmem:s0+$0x12D80] =	vst.msk vm0, v27;
	_ =	sdelay $0x4  }
0x2b2: {  	v27 =	vshrl.u32 v28, $0x16  }
0x2b3: {  	vm0 =	vle.s32 v27, v26  }
0x2b4: {  	v27 =	vmpcnt.ones.xlane vm0;
	_ =	sdelay $0x1  }
0x2b5: {  	(v2sf) =	vpush v27, $0x0;
	_ =	sdelay $0x5  }
0x2b6: {  	s0 =	spop (v2sf)  }
0x2b7: {  	s0 =	sadd.s32 s2, s0  }
0x2b8: {  	v27 =	vor.u32 s24, v5;
	[tilespmem:s0+$0x10500] =	vst.msk vm0, v28  }
0x2b9: {  	[tilespmem:s0+$0x12D80] =	vst.msk vm0, v27  }
0x2ba: {  	v27 =	vld [tilespmem:s22+$0x0];
	_ =	sdelay $0x4  }
0x2bb: {  	v28 =	vshrl.u32 v27, $0x16;
	s2 =	spop (v2sf)  }
0x2bc: {  	s0 =	sadd.s32 s0, s2;
	vm0 =	vle.s32 v28, v26  }
0x2bd: {  	[tilespmem:s0+$0x10500] =	vst.msk vm0, v27;
	v27 =	vor.u32 s24, v7  }
0x2be: {  	[tilespmem:s0+$0x12D80] =	vst.msk vm0, v27  }
0x2bf: {  	v27 =	vld [tilespmem:s22+$0x10];
	_ =	sdelay $0x4  }
0x2c0: {  	v28 =	vshrl.u32 v27, $0x16  }
0x2c1: {  	v29 =	vmpcnt.ones.xlane vm0;
	vm0 =	vle.s32 v28, v26  }
0x2c2: {  	v28 =	vmpcnt.ones.xlane vm0  }
0x2c3: {  	(v2sf) =	vpush v29, $0x0  }
0x2c4: {  	(v2sf) =	vpush v28, $0x0;
	_ =	sdelay $0x9  }
0x2c5: {  	v28 =	vld [tilespmem:s22+$0x20];
	_ =	sdelay $0x3  }
0x2c6: {  	s2 =	spop (v2sf)  }
0x2c7: {  	s0 =	sadd.s32 s0, s2;
	v29 =	vshrl.u32 v28, $0x16;
	s2 =	spop (v2sf)  }
0x2c8: {  	s25 =	sadd.s32 $0x40, s24;
	[tilespmem:s0+$0x10500] =	vst.msk vm0, v27;
	s2 =	sadd.s32 s0, s2;
	vm1 =	vle.s32 v29, v26  }
0x2c9: {  	s28 =	sadd.s32 s24, s21;
	v27 =	vor.u32 s25, v8;
	[tilespmem:s2+$0x10500] =	vst.msk vm1, v28;
	v28 =	vor.u32 s25, v0;
	v29 =	vmpcnt.ones.xlane vm1  }
0x2ca: {  	s29 =	sor.u32 $0x50, s28;
	[tilespmem:s2+$0x12D80] =	vst.msk vm1, v28  }
0x2cb: {  	[tilespmem:s0+$0x12D80] =	vst.msk vm0, v30;
	v28 =	vld [tilespmem:s29+$0x0];
	(v2sf) =	vpush v29, $0x0;
	_ =	sdelay $0x4  }
0x2cc: {  	v29 =	vshrl.u32 v28, $0x16  }
0x2cd: {  	vm0 =	vle.s32 v29, v26  }
0x2ce: {  	v29 =	vmpcnt.ones.xlane vm0;
	_ =	sdelay $0x1  }
0x2cf: {  	(v2sf) =	vpush v29, $0x0;
	_ =	sdelay $0x5  }
0x2d0: {  	s0 =	spop (v2sf)  }
0x2d1: {  	s0 =	sadd.s32 s2, s0  }
0x2d2: {  	[tilespmem:s0+$0x10500] =	vst.msk vm0, v28;
	v28 =	vor.u32 s25, v5  }
0x2d3: {  	s2 =	sor.u32 $0x60, s28;
	[tilespmem:s0+$0x12D80] =	vst.msk vm0, v28  }
0x2d4: {  	v28 =	vld [tilespmem:s2+$0x0];
	_ =	sdelay $0x4  }
0x2d5: {  	v29 =	vshrl.u32 v28, $0x16;
	s2 =	spop (v2sf)  }
0x2d6: {  	s0 =	sadd.s32 s0, s2;
	vm0 =	vle.s32 v29, v26  }
0x2d7: {  	[tilespmem:s0+$0x10500] =	vst.msk vm0, v28;
	v28 =	vor.u32 s25, v7  }
0x2d8: {  	s2 =	sor.u32 $0x70, s28;
	[tilespmem:s0+$0x12D80] =	vst.msk vm0, v28  }
0x2d9: {  	v28 =	vld [tilespmem:s2+$0x0];
	_ =	sdelay $0x4  }
0x2da: {  	v29 =	vshrl.u32 v28, $0x16  }
0x2db: {  	v30 =	vmpcnt.ones.xlane vm0;
	vm0 =	vle.s32 v29, v26  }
0x2dc: {  	v29 =	vmpcnt.ones.xlane vm0  }
0x2dd: {  	(v2sf) =	vpush v30, $0x0  }
0x2de: {  	(v2sf) =	vpush v29, $0x0;
	_ =	sdelay $0x4  }
.Ltmp10:
0x2df: {  	(pc) =	sbr.rel @p1 .LBB2_15-.Ltmp10, $2  }
0x2e0: {  	_ =	sdelay $0x2  }
0x2e1: {  	s22 =	sadd.s32 $0x80, s22  }
0x2e2: {  	_ =	sdelay $0x3  }
0x2e3: {  	s2 =	spop (v2sf)  }
0x2e4: {  	s0 =	sadd.s32 s0, s2;
	s30 =	spop (v2sf)  }
0x2e5: {  	s2 =	sadd.s32 s0, s30  }
0x2e6: {  	s21 =	sadd.s32 $0xF, s2  }
0x2e7: {  	s22 =	sand.u32 $0xF, s21  }
0x2e8: {  	s31 =	sshra.s32 s21, $0x1F;
	p2 =	slt.s32 s21, $0x1;
	p1 =	sne.s32 s22, $0x0  }
.Ltmp11:
0x2e9: {  	s22 =	sshrl.u32 s31, $0x1C;
	p1 =	por !p2, !p1;
	(pc) =	sbr.rel .LBB2_17-.Ltmp11, $4  }
0x2ea: {  	s21 =	sadd.s32 s22, s21;
	s22 =	simm.s32 $0x1;
	p1 =	por !p1, !p1  }
0x2eb: {  	s23 =	sshll.u32 s26, $0x16;
	[tilespmem:s0+$0x10500] =	vst.msk vm0, v28;
	s21 =	sshra.s32 s21, $0x4;
	s22 =	simm.s32 @!p1 $0x0  }
0x2ec: {  	[tilespmem:s0+$0x12D80] =	vst.msk vm0, v27;
	s0 =	ssub.s32 s21, s22;
	s22 =	sadd.s32 $0xFFFFFFFF, s23  }
0x2ed: {  	[tilespmem:s2+$0x10500] =	vst v9;
	s21 =	sor.u32 $0x3FFFFF, s23;
	s23 =	simm.s32 $0x0;
	p1 =	slt.s32 s0, $0x1  }
.LBB2_20:
0x2ee: {  	v27 =	vmpcnt.ones.xlane vm0;
	_ =	sdelay $0x1  }
0x2ef: {  	v26 =	vadd.s32 v26, v27  }
.LBB2_21:
0x2f0: {  	(v2sf) =	vpush v26, $0x0;
	_ =	sdelay $0xb  }
0x2f1: {  	s23 =	sadd.s32 $0x1, s23  }
0x2f2: {  	p3 =	sne.s32 s23, $0x16  }
.Ltmp12:
0x2f3: {  	_ = 	snop;
	(pc) =	sbr.rel @!p3 .LBB2_22-.Ltmp12, $4  }
0x2f4: {  	s2 =	spop (v2sf)  }
0x2f5: {  	p2 =	sgt.s32 s2, $0x3F;
	s2 =	smov.u32 s24  }
0x2f6: {  	s2 =	smov.u32 @p2 s22  }
0x2f7: {  	s21 =	smov.u32 @p2 s24;
	s22 =	smov.u32 s2  }
.LBB2_17:
0x2f8: {  	s2 =	ssub.s32 s21, s22;
	p2 =	sne.s32 s21, s22;
	s24 =	simm.s32 $0x1  }
0x2f9: {  	s25 =	sshra.s32 s2, $0x1F;
	s24 =	simm.s32 @!p2 $0x0  }
0x2fa: {  	s31 =	sand.u32 $0x1, s2;
	s26 =	sshrl.u32 s2, $0x1F;
	s24 =	sor.u32 s24, s25  }
.Ltmp13:
0x2fb: {  	p3 =	seq.s32 s31, $0x1;
	p6 =	sne.s32 s24, $0x1;
	(pc) =	sbr.rel @p1 .LBB2_21-.Ltmp13, $4  }
0x2fc: {  	s2 =	sadd.s32 s26, s2;
	p2 =	por !p6, !p3  }
0x2fd: {  	s2 =	sshra.s32 s2, $0x1;
	s24 =	simm.s32 $0x1;
	p2 =	por !p2, !p2  }
0x2fe: {  	s2 =	sadd.s32 s22, s2;
	s24 =	simm.s32 @!p2 $0x0  }
0x2ff: {  	v26 =	vimm.s32 $0x0;
	s24 =	ssub.s32 s2, s24  }
0x300: {  	s2 =	simm.s32 $0x10500  }
0x301: {  	p2 =	sne.s32 s0, $0x1;
	v28 =	vld [tilespmem:s2+$0x0]  }
.Ltmp14:
0x302: {  	_ = 	snop;
	(pc) =	sbr.rel @!p2 .LBB2_20-.Ltmp14, $3  }
0x303: {  	_ =	sdelay $0x1  }
0x304: {  	v27 =	vmov s24  }
0x305: {  	s25 =	sadd.s32 $0xFFFFFFFF, s0;
	s26 =	simm.s32 $0x10510;
	vm0 =	vle.s32 v28, v27  }
.LBB2_19:
0x306: {  	v28 =	vld [tilespmem:s26+$0x0];
	p2 =	sne.s32 s25, $0x1;
	s25 =	sadd.s32 $0xFFFFFFFF, s25;
	v29 =	vmpcnt.ones.xlane vm0  }
.Ltmp15:
0x307: {  	(pc) =	sbr.rel @p2 .LBB2_19-.Ltmp15, $2  }
0x308: {  	v26 =	vadd.s32 v26, v29;
	_ =	sdelay $0x2  }
0x309: {  	s26 =	sadd.s32 $0x10, s26;
	vm0 =	vle.s32 v28, v27  }
.Ltmp16:
0x30a: {  	_ = 	snop;
	(pc) =	sbr.rel .LBB2_20-.Ltmp16, $1  }
0x30b: {  	_ =	sdelay $0x3  }
.LBB2_22:
.Ltmp17:
0x30c: {  	(pc) =	sbr.rel @p1 .LBB2_29-.Ltmp17, $1  }
0x30d: {  	_ =	sdelay $0x3  }
0x30e: {  	s2 =	simm.s32 $0x10500;
	p2 =	sne.s32 s0, $0x1  }
.Ltmp18:
0x30f: {  	v27 =	vld [tilespmem:s2+$0x0];
	(pc) =	sbr.rel @!p2 .LBB2_24-.Ltmp18, $3  }
0x310: {  	_ =	sdelay $0x1  }
0x311: {  	s22 =	simm.s32 $0x0  }
0x312: {  	v26 =	vmov s21;
	s21 =	simm.s32 $0x12D80;
	s0 =	sadd.s32 $0xFFFFFFFF, s0;
	p1 =	por $0x0, $0x0  }
0x313: {  	vm0 =	vle.s32 v27, v26  }
0x314: {  	v28 =	vld [tilespmem:s21+$0x0];
	v27 =	vmpcnt.ones.xlane vm0;
	_ =	sdelay $0x1  }
0x315: {  	(v2sf) =	vpush v27, $0x0;
	_ =	sdelay $0x2  }
0x316: {  	p2 =	sne.s32 s0, $0x1;
	s24 =	simm.s32 $0x10510;
	[tilespmem:s22+$0x15600] =	vst.msk vm0, v28  }
.Ltmp19:
0x317: {  	v27 =	vld [tilespmem:s24+$0x0];
	(pc) =	sbr.rel @!p2 .LBB2_26-.Ltmp19, $3  }
0x318: {  	_ =	sdelay $0x1  }
0x319: {  	s25 =	sadd.s32 $0xFFFFFFFF, s0  }
0x31a: {  	p1 =	por $0x1, $0x1;
	s0 =	simm.s32 $0x12D80;
	s23 =	simm.s32 $0x0  }
.LBB2_27:
0x31b: {  	p2 =	sne.s32 s25, $0x1;
	_ =	sdelay $0x1  }
0x31c: {  	s0 =	sadd.s32 $0x10, s0  }
0x31d: {  	v28 =	vld [tilespmem:s0+$0x0]  }
0x31e: {  	vm0 =	vle.s32 v27, v26  }
0x31f: {  	v27 =	vmpcnt.ones.xlane vm0  }
0x320: {  	s2 =	spop (v2sf)  }
0x321: {  	(v2sf) =	vpush v27, $0x0;
	s23 =	sadd.s32 s23, s2  }
0x322: {  	[tilespmem:s23+$0x15600] =	vst.msk vm0, v28;
	_ =	sdelay $0x2  }
.Ltmp20:
0x323: {  	(pc) =	sbr.rel @p2 .LBB2_27-.Ltmp20, $3  }
0x324: {  	_ =	sdelay $0x1  }
0x325: {  	s24 =	sadd.s32 $0x10, s24  }
0x326: {  	s25 =	sadd.s32 $0xFFFFFFFF, s25;
	v27 =	vld [tilespmem:s24+$0x0]  }
.Ltmp21:
0x327: {  	_ = 	snop;
	(pc) =	sbr.rel .LBB2_28-.Ltmp21, $1  }
0x328: {  	_ =	sdelay $0x3  }
.LBB2_5:
.Ltmp22:
0x329: {  	(pc) =	sbr.rel .LBB2_14-.Ltmp22, $2  }
0x32a: {  	_ =	sdelay $0x2  }
0x32b: {  	s0 =	simm.s32 $0x270F;
	s29 =	simm.s32 $0x0  }
.LBB2_7:
.Ltmp23:
0x32c: {  	(pc) =	sbr.rel .LBB2_14-.Ltmp23, $2  }
0x32d: {  	_ =	sdelay $0x2  }
0x32e: {  	s0 =	simm.s32 $0x270F;
	s28 =	simm.s32 $0x0  }
.LBB2_9:
.Ltmp24:
0x32f: {  	(pc) =	sbr.rel .LBB2_14-.Ltmp24, $2  }
0x330: {  	_ =	sdelay $0x2  }
0x331: {  	s0 =	simm.s32 $0x270F;
	s28 =	simm.s32 $0x10;
	s29 =	simm.s32 $0x20  }
.LBB2_11:
.Ltmp25:
0x332: {  	(pc) =	sbr.rel .LBB2_14-.Ltmp25, $2  }
0x333: {  	_ =	sdelay $0x2  }
0x334: {  	s0 =	simm.s32 $0x270F;
	s29 =	simm.s32 $0x30  }
.LBB2_26:
.Ltmp26:
0x335: {  	(pc) =	sbr.rel .LBB2_28-.Ltmp26, $2  }
0x336: {  	_ =	sdelay $0x2  }
0x337: {  	s0 =	simm.s32 $0x12D80;
	s23 =	simm.s32 $0x0  }
.LBB2_31:
0x338: {  	_ =	sfence.sel $0x180000  }
0x339: {  	[bflag:$0x0] =	sbarrier.arrive $0xFFFF  }
0x33a: {  	_ =	strace $0x90000047  }
0x33b: {  	s0 =	stileid.u32;
	[bflag:$0x2] =	sbarrier.arrive $0xFFFF  }
0x33c: {  	p0 =	sne.s32 s0, $0x0;
	s0 =	rddreg [dreg:$0x2]  }
0x33d: {  	s0 =	sadd.s32 @!p0 $0x100000, s0  }
0x33e: {  	[sflag:s0] =	ssyncadd.tile.s32 @!p0 $0x1;
	_ =	shalt  }
.Lfunc_end2:
_tile_overlayer_lowered:
.L_overlay_start_2:
0x33f: {  	(tag) =	ssettag $0x2  }
0x340: {  	s0 =	rddreg [dreg:$0x0];
	s2 =	stileid.u32  }
0x341: {  	s1 =	rddreg [dreg:$0x1];
	p0 =	sne.s32 s2, $0x0  }
0x342: {  	s3 =	rddreg [dreg:$0x2];
	[bflag:$0x3] =	sbarrier.arrive $0xFFFF;
	s2 =	simm.s32 @!p0 $0x1C03  }
0x343: {  	[timem:s3], [sflag:s2] =	dma.local @!p0 [hbm:s0], s1  }
0x344: {  	s0 =	simm.s32 @!p0 $0x3  }
0x345: {  	_ =	swait.ge @!p0 [sflag:s0], s1  }
0x346: {  	s1 =	ssub.s32 @!p0 $0x0, s1;
	[sflag:s0] =	ssyncset.done @!p0 $0x0  }
0x347: {  	[sflag:s0] =	ssyncadd.s32 @!p0 s1  }
0x348: {  	[bflag:$0x3] =	sbarrier.arrive $0xFFFF  }
0x349: {  	_ =	shalt  }

</sc_bundles>
